<compile_context>
chip_gen: v7x
topology: tpu7x:2x2x1
jax: 0.10.2.dev20260603
libtpu: 0.0.44.dev20260713+nightly
codegen_flags: <defaults>
</compile_context>

<pallas_src>
import functools

import jax
import jax.numpy as jnp
from jax import lax
from jax.experimental import pallas as pl
from jax.experimental.pallas import tpu as pltpu
from jax.experimental.pallas import tpu_sc as plsc

BATCH = 4096
HIST = 50
VOCAB = 16384
EMB_DIM = 64
OUT_DIM = EMB_DIM + 1
ID_MASK = (1 << 14) - 1
BAD_MASK = (1 << 14) | (1 << 15)

NC = 2
NS = 16
NW = NC * NS
L = 16

B_TOTAL = BATCH * HIST
PER_W = B_TOTAL // NW
CHUNK = 640
NCH = PER_W // CHUNK
GROWS = 128
NG = CHUNK // GROWS
VPG = GROWS // L


def _sc_body(
    qc_hbm, emb_hbm, feat_hbm, val_hbm,
    qc_v0, qc_v1, idx_v0, idx_v1, val_v0, val_v1, buf_v0, buf_v1,
    sem_g, sem_w,
):
    wid = lax.axis_index("s") * NC + lax.axis_index("c")
    base = wid * PER_W
    qc_b = (qc_v0, qc_v1)
    idx_b = (idx_v0, idx_v1)
    val_b = (val_v0, val_v1)
    buf_b = (buf_v0, buf_v1)

    pending = {}
    for c in range(NCH):
        p = c % 2
        qc_v, idx_v, val_v, buf_v = qc_b[p], idx_b[p], val_b[p], buf_b[p]
        if c >= 2:
            for h in pending.pop(c - 2):
                h.wait()
        cbase = base + c * CHUNK
        pltpu.sync_copy(qc_hbm.at[pl.ds(cbase, CHUNK)], qc_v)

        def idx_body(i, carry, qc_v=qc_v, idx_v=idx_v, val_v=val_v):
            j = i // VPG
            t = i % VPG
            q = qc_v[pl.ds(j * GROWS + t * L, L)]
            idx_v[j, pl.ds(t * L, L)] = q & ID_MASK
            val_v[pl.ds(j * GROWS + t * L, L)] = jnp.where(
                (q & BAD_MASK) == 0, 1.0, 0.0
            )
            return carry

        lax.fori_loop(0, NG * VPG, idx_body, 0)

        gathers = [
            pltpu.async_copy(
                emb_hbm.at[idx_v.at[j]],
                buf_v.at[pl.ds(j * GROWS, GROWS)],
                sem_g,
            )
            for j in range(NG)
        ]
        for h in gathers:
            h.wait()

        pending[c] = [
            pltpu.async_copy(buf_v, feat_hbm.at[pl.ds(cbase, CHUNK)], sem_w),
            pltpu.async_copy(val_v, val_hbm.at[pl.ds(cbase, CHUNK)], sem_w),
        ]

    for c in sorted(pending):
        for h in pending[c]:
            h.wait()


_call = functools.partial(
    pl.kernel,
    out_type=(
        jax.ShapeDtypeStruct((B_TOTAL, EMB_DIM), jnp.float32),
        jax.ShapeDtypeStruct((B_TOTAL,), jnp.float32),
    ),
    mesh=plsc.VectorSubcoreMesh(core_axis_name="c", subcore_axis_name="s"),
    scratch_types=[
        pltpu.VMEM((CHUNK,), jnp.int32),
        pltpu.VMEM((CHUNK,), jnp.int32),
        pltpu.VMEM((NG, GROWS), jnp.int32),
        pltpu.VMEM((NG, GROWS), jnp.int32),
        pltpu.VMEM((CHUNK,), jnp.float32),
        pltpu.VMEM((CHUNK,), jnp.float32),
        pltpu.VMEM((CHUNK, EMB_DIM), jnp.float32),
        pltpu.VMEM((CHUNK, EMB_DIM), jnp.float32),
        pltpu.SemaphoreType.DMA,
        pltpu.SemaphoreType.DMA,
    ],
    compiler_params=pltpu.CompilerParams(use_tc_tiling_on_sc=False),
)(_sc_body)


@jax.jit
def kernel(qc_flags, emb):
    qc_flat = qc_flags.astype(jnp.int32).reshape(B_TOTAL)
    feat, valid = _call(qc_flat, emb)
    return jnp.concatenate(
        [
            feat.reshape(BATCH, HIST, EMB_DIM),
            valid.reshape(BATCH, HIST, 1),
        ],
        axis=-1,
    )

# --- scband reference (transcript-rebuilt; emitter-appended) ---
"""Pipeline reference for scband-qcfeaturizer-6734508720430 (READ-ONLY COPY).

The authoritative reference and input builder live on the scoring server;
editing this copy changes nothing except your own understanding.
"""

import jax, jax.numpy as jnp
import numpy as np

BIT_INDICES = [0, 1, 2, 3, 4, 5, 6, 7, 8, 9, 10, 11, 12, 13]
INVALID_BIT_INDICES = [14, 15]
INVALID_MASK = 0
for _b in INVALID_BIT_INDICES:
    INVALID_MASK |= (1 << _b)
VOCAB = 2 ** len(BIT_INDICES)
EMB_DIM = 64
BATCH = 4096
HIST = 50


def setup_inputs(seed: int = 0) -> dict:
    key = jax.random.key(seed)
    k1, k2 = jax.random.split(key)
    # qc_flags: packed integer flags in [0, 2^16)
    qc_flags = jax.random.randint(k1, (BATCH, HIST), 0, 65536, dtype=jnp.int32)
    # learned embedding table (torch nn.Embedding default: N(0,1))
    emb = jax.random.normal(k2, (VOCAB, EMB_DIM), dtype=jnp.float32)
    return {"qc_flags": qc_flags, "emb": emb}


def reference(qc_flags, emb):
    q = qc_flags.astype(jnp.int32)
    bits = jnp.array(BIT_INDICES, dtype=jnp.int32)
    # QCPackedEmbedding: extract selected bits, repack into dense id in [0, 2^K)
    q_ = q[..., None]
    packed = (q_ >> bits) & 1
    shifts = jnp.arange(packed.shape[-1], dtype=jnp.int32)
    ids = jnp.sum(packed << shifts, axis=-1)
    qc_features = jnp.take(emb, ids, axis=0)
    # QCValidMask: valid iff (qc_flags & invalid_mask) == 0
    valid = ((q & INVALID_MASK) == 0).astype(jnp.float32)[..., None]
    return jnp.concatenate([qc_features, valid], axis=-1)

if __name__ == "__main__":
    import jax
    _d = setup_inputs()
    print(jax.jit(kernel)(*tuple(_d.values())))

</pallas_src>

<mosaic_0001>
#map = affine_map<(d0, d1) -> (0)>
#map1 = affine_map<(d0, d1) -> (0, 0)>
module attributes {stable_mosaic.version = 14 : i64} {
  func.func @_sc_body(%arg0: i32, %arg1: i32, %arg2: memref<204800xi32, #tpu.memory_space<hbm>>, %arg3: memref<16384x64xf32, #tpu.memory_space<hbm>>, %arg4: memref<204800x64xf32, #tpu.memory_space<hbm>>, %arg5: memref<204800xf32, #tpu.memory_space<hbm>>, %arg6: memref<640xi32, #tpu.memory_space<vmem>>, %arg7: memref<640xi32, #tpu.memory_space<vmem>>, %arg8: memref<5x128xi32, #tpu.memory_space<vmem>>, %arg9: memref<5x128xi32, #tpu.memory_space<vmem>>, %arg10: memref<640xf32, #tpu.memory_space<vmem>>, %arg11: memref<640xf32, #tpu.memory_space<vmem>>, %arg12: memref<640x64xf32, #tpu.memory_space<vmem>>, %arg13: memref<640x64xf32, #tpu.memory_space<vmem>>, %arg14: memref<!tpu.dma_semaphore, #tpu.memory_space<semaphore_mem>>, %arg15: memref<!tpu.dma_semaphore, #tpu.memory_space<semaphore_mem>>) attributes {dimension_semantics = [#tpu.dimension_semantics<core_parallel>, #tpu.dimension_semantics<subcore_parallel>], iteration_bounds = array<i64: 2, 16>, scalar_prefetch = 0 : i64, scratch_operands = 10 : i64, tpu.core_type = #tpu.core_type<sc_vector_subcore>, window_params = [{transform_indices = #map}, {transform_indices = #map1}, {transform_indices = #map1}, {transform_indices = #map}]} {
    %mul3A = arith.constant 2 : i32
    %mul3A_0 = arith.muli %arg1, %mul3A : i32
    %add3A = arith.addi %mul3A_0, %arg0 : i32
    %mul3A_1 = arith.constant 6400 : i32
    %mul3A_2 = arith.muli %add3A, %mul3A_1 : i32
    %add3A_3 = arith.constant 0 : i32
    %add3A_4 = arith.addi %mul3A_2, %add3A_3 : i32
    "tpu.region"() ({
      %run_scoped3A = tpu.sem_alloc : memref<!tpu.dma_semaphore, #tpu.memory_space<semaphore_mem>>
      %dma_start3A_1200 = tpu.memref_slice %arg2[%add3A_4] : memref<204800xi32, #tpu.memory_space<hbm>> -> memref<640xi32, #tpu.memory_space<hbm>>
      %dma_start3A_1201 = tpu.memref_slice %arg2[%add3A_4] : memref<204800xi32, #tpu.memory_space<hbm>> -> memref<640xi32, #tpu.memory_space<hbm>>
      tpu.enqueue_dma source(%dma_start3A_1201 : memref<640xi32, #tpu.memory_space<hbm>>) target(%arg6 : memref<640xi32, #tpu.memory_space<vmem>>) target_semaphore(%run_scoped3A : memref<!tpu.dma_semaphore, #tpu.memory_space<semaphore_mem>>)
      %dma_wait3A_1202 = tpu.memref_slice %arg2[%add3A_4] : memref<204800xi32, #tpu.memory_space<hbm>> -> memref<640xi32, #tpu.memory_space<hbm>>
      %dma_wait3A_1203 = tpu.memref_slice %arg2[%add3A_4] : memref<204800xi32, #tpu.memory_space<hbm>> -> memref<640xi32, #tpu.memory_space<hbm>>
      tpu.wait_dma2 semaphore(%run_scoped3A : memref<!tpu.dma_semaphore, #tpu.memory_space<semaphore_mem>>) src(%dma_wait3A_1203 : memref<640xi32, #tpu.memory_space<hbm>>) dst(%arg6 : memref<640xi32, #tpu.memory_space<vmem>>)
      tpu.yield
    }) : () -> ()
    %scan3A = arith.constant 0 : i32
    %scan3A_5 = arith.constant 0 : i32
    %scan3A_6 = arith.constant 40 : i32
    %scan3A_7 = arith.addi %scan3A_5, %scan3A_6 : i32
    %scan3A_8 = arith.constant 1 : i32
    scf.for %scan3A_1200 = %scan3A_5 to %scan3A_7 step %scan3A_8  : i32 {
      %jit3A = arith.constant 8 : i32
      %div3A = arith.divsi %scan3A_1200, %jit3A : i32
      %sign3A = arith.constant 0 : i32
      %sign3A_1201 = arith.cmpi sgt, %scan3A_1200, %sign3A : i32
      %sign3A_1202 = arith.extui %sign3A_1201 : i1 to i32
      %sign3A_1203 = arith.constant 0 : i32
      %sign3A_1204 = arith.cmpi slt, %scan3A_1200, %sign3A_1203 : i32
      %sign3A_1205 = arith.extui %sign3A_1204 : i1 to i32
      %sign3A_1206 = arith.subi %sign3A_1202, %sign3A_1205 : i32
      %sign3A_1207 = arith.constant 0 : i32
      %sign3A_1208 = arith.cmpi sgt, %jit3A, %sign3A_1207 : i32
      %sign3A_1209 = arith.extui %sign3A_1208 : i1 to i32
      %sign3A_1210 = arith.constant 0 : i32
      %sign3A_1211 = arith.cmpi slt, %jit3A, %sign3A_1210 : i32
      %sign3A_1212 = arith.extui %sign3A_1211 : i1 to i32
      %sign3A_1213 = arith.subi %sign3A_1209, %sign3A_1212 : i32
      %ne3A = arith.cmpi ne, %sign3A_1206, %sign3A_1213 : i32
      %rem3A = arith.remsi %scan3A_1200, %jit3A : i32
      %ne3A_1214 = arith.constant 0 : i32
      %ne3A_1215 = arith.cmpi ne, %rem3A, %ne3A_1214 : i32
      %and3A = arith.andi %ne3A, %ne3A_1215 : i1
      %sub3A = arith.constant 1 : i32
      %sub3A_1216 = arith.subi %div3A, %sub3A : i32
      %select_n3A = arith.select %and3A, %sub3A_1216, %div3A : i32
      %jit3A_1217 = arith.constant 8 : i32
      %eq3A = arith.constant 0 : i32
      %eq3A_1218 = arith.cmpi eq, %jit3A_1217, %eq3A : i32
      %jit3A_1219 = arith.constant 1 : i32
      %select_n3A_1220 = arith.select %eq3A_1218, %jit3A_1219, %jit3A_1217 : i32
      %rem3A_1221 = arith.remsi %scan3A_1200, %select_n3A_1220 : i32
      %ne3A_1222 = arith.constant 0 : i32
      %ne3A_1223 = arith.cmpi ne, %rem3A_1221, %ne3A_1222 : i32
      %lt3A = arith.constant 0 : i32
      %lt3A_1224 = arith.cmpi slt, %rem3A_1221, %lt3A : i32
      %lt3A_1225 = arith.constant 0 : i32
      %lt3A_1226 = arith.cmpi slt, %select_n3A_1220, %lt3A_1225 : i32
      %ne3A_1227 = arith.xori %lt3A_1224, %lt3A_1226 : i1
      %and3A_1228 = arith.andi %ne3A_1227, %ne3A_1223 : i1
      %add3A_1229 = arith.addi %rem3A_1221, %select_n3A_1220 : i32
      %select_n3A_1230 = arith.select %and3A_1228, %add3A_1229, %rem3A_1221 : i32
      %mul3A_1231 = arith.constant 128 : i32
      %mul3A_1232 = arith.muli %select_n3A, %mul3A_1231 : i32
      %mul3A_1233 = arith.constant 16 : i32
      %mul3A_1234 = arith.muli %select_n3A_1230, %mul3A_1233 : i32
      %add3A_1235 = arith.addi %mul3A_1232, %mul3A_1234 : i32
      %get3A = arith.index_cast %add3A_1235 : i32 to index
      %get3A_1236 = tpu.vector_load %arg6[%get3A] {strides = array<i32>} : memref<640xi32, #tpu.memory_space<vmem>>, vector<16xi32>,
      %get3A_1237 = vector.shape_cast %get3A_1236 : vector<16xi32> to vector<16xi32>
      %and3A_1238 = arith.constant 16383 : i32
      %and3A_1239 = vector.broadcast %and3A_1238 : i32 to vector<16xi32>
      %and3A_1240 = arith.andi %get3A_1237, %and3A_1239 : vector<16xi32>
      %mul3A_1241 = arith.constant 16 : i32
      %mul3A_1242 = arith.muli %select_n3A_1230, %mul3A_1241 : i32
      %swap3A = arith.index_cast %select_n3A : i32 to index
      %swap3A_1243 = arith.index_cast %mul3A_1242 : i32 to index
      %swap3A_1244 = tpu.vector_load %arg8[%swap3A, %swap3A_1243] {strides = array<i32>} : memref<5x128xi32, #tpu.memory_space<vmem>>, vector<1x16xi32>,
      %swap3A_1245 = vector.shape_cast %swap3A_1244 : vector<1x16xi32> to vector<16xi32>
      %swap3A_1246 = vector.shape_cast %and3A_1240 : vector<16xi32> to vector<1x16xi32>
      tpu.vector_store %arg8[%swap3A, %swap3A_1243], %swap3A_1246 {strides = array<i32>} : memref<5x128xi32, #tpu.memory_space<vmem>>, vector<1x16xi32>,
      %and3A_1247 = arith.constant 49152 : i32
      %and3A_1248 = vector.broadcast %and3A_1247 : i32 to vector<16xi32>
      %and3A_1249 = arith.andi %get3A_1237, %and3A_1248 : vector<16xi32>
      %eq3A_1250 = arith.constant 0 : i32
      %eq3A_1251 = vector.broadcast %eq3A_1250 : i32 to vector<16xi32>
      %eq3A_1252 = arith.cmpi eq, %and3A_1249, %eq3A_1251 : vector<16xi32>
      %jit3A_1253 = arith.constant 1.000000e+00 : f32
      %jit3A_1254 = arith.constant 0.000000e+00 : f32
      %broadcast_in_dim3A = vector.broadcast %jit3A_1253 : f32 to vector<16xf32>
      %broadcast_in_dim3A_1255 = vector.broadcast %jit3A_1254 : f32 to vector<16xf32>
      %select_n3A_1256 = arith.select %eq3A_1252, %broadcast_in_dim3A, %broadcast_in_dim3A_1255 : vector<16xi1>, vector<16xf32>
      %mul3A_1257 = arith.constant 128 : i32
      %mul3A_1258 = arith.muli %select_n3A, %mul3A_1257 : i32
      %mul3A_1259 = arith.constant 16 : i32
      %mul3A_1260 = arith.muli %select_n3A_1230, %mul3A_1259 : i32
      %add3A_1261 = arith.addi %mul3A_1258, %mul3A_1260 : i32
      %swap3A_1262 = arith.index_cast %add3A_1261 : i32 to index
      %swap3A_1263 = tpu.vector_load %arg10[%swap3A_1262] {strides = array<i32>} : memref<640xf32, #tpu.memory_space<vmem>>, vector<16xf32>,
      %swap3A_1264 = vector.shape_cast %swap3A_1263 : vector<16xf32> to vector<16xf32>
      %swap3A_1265 = vector.shape_cast %select_n3A_1256 : vector<16xf32> to vector<16xf32>
      tpu.vector_store %arg10[%swap3A_1262], %swap3A_1265 {strides = array<i32>} : memref<640xf32, #tpu.memory_space<vmem>>, vector<16xf32>,
    }
    %scan3A_9 = arith.constant 40 : i32
    %dma_start3A = arith.constant 0 : i32
    %dma_start3A_10 = arith.constant 0 : i32
    %dma_start3A_11 = arith.constant 0 : i32
    %dma_start3A_12 = tpu.memref_slice %arg12[%dma_start3A_10, %dma_start3A_11] : memref<640x64xf32, #tpu.memory_space<vmem>> -> memref<128x64xf32, #tpu.memory_space<vmem>>
    %dma_start3A_13 = arith.constant 0 : i32
    %dma_start3A_14 = tpu.memref_slice %arg8[%dma_start3A, %dma_start3A_13] : memref<5x128xi32, #tpu.memory_space<vmem>> -> memref<1x128xi32, #tpu.memory_space<vmem>>
    %dma_start3A_15 = tpu.memref_squeeze %dma_start3A_14 : memref<1x128xi32, #tpu.memory_space<vmem>> -> memref<128xi32, #tpu.memory_space<vmem>>
    %dma_start3A_16 = arith.constant 0 : i32
    %dma_start3A_17 = arith.constant 0 : i32
    %dma_start3A_18 = tpu.memref_slice %arg3[%dma_start3A_16, %dma_start3A_17] : memref<16384x64xf32, #tpu.memory_space<hbm>> -> memref<16384x64xf32, #tpu.memory_space<hbm>>
    tpu.enqueue_indirect_dma source(%dma_start3A_18 : memref<16384x64xf32, #tpu.memory_space<hbm>>) target(%dma_start3A_12 : memref<128x64xf32, #tpu.memory_space<vmem>>) offsets(%dma_start3A_15 : memref<128xi32, #tpu.memory_space<vmem>>) semaphore(%arg14 : memref<!tpu.dma_semaphore, #tpu.memory_space<semaphore_mem>>)
    %dma_start3A_19 = arith.constant 1 : i32
    %dma_start3A_20 = arith.constant 128 : i32
    %dma_start3A_21 = arith.constant 0 : i32
    %dma_start3A_22 = tpu.memref_slice %arg12[%dma_start3A_20, %dma_start3A_21] : memref<640x64xf32, #tpu.memory_space<vmem>> -> memref<128x64xf32, #tpu.memory_space<vmem>>
    %dma_start3A_23 = arith.constant 0 : i32
    %dma_start3A_24 = tpu.memref_slice %arg8[%dma_start3A_19, %dma_start3A_23] : memref<5x128xi32, #tpu.memory_space<vmem>> -> memref<1x128xi32, #tpu.memory_space<vmem>>
    %dma_start3A_25 = tpu.memref_squeeze %dma_start3A_24 : memref<1x128xi32, #tpu.memory_space<vmem>> -> memref<128xi32, #tpu.memory_space<vmem>>
    %dma_start3A_26 = arith.constant 0 : i32
    %dma_start3A_27 = arith.constant 0 : i32
    %dma_start3A_28 = tpu.memref_slice %arg3[%dma_start3A_26, %dma_start3A_27] : memref<16384x64xf32, #tpu.memory_space<hbm>> -> memref<16384x64xf32, #tpu.memory_space<hbm>>
    tpu.enqueue_indirect_dma source(%dma_start3A_28 : memref<16384x64xf32, #tpu.memory_space<hbm>>) target(%dma_start3A_22 : memref<128x64xf32, #tpu.memory_space<vmem>>) offsets(%dma_start3A_25 : memref<128xi32, #tpu.memory_space<vmem>>) semaphore(%arg14 : memref<!tpu.dma_semaphore, #tpu.memory_space<semaphore_mem>>)
    %dma_start3A_29 = arith.constant 2 : i32
    %dma_start3A_30 = arith.constant 256 : i32
    %dma_start3A_31 = arith.constant 0 : i32
    %dma_start3A_32 = tpu.memref_slice %arg12[%dma_start3A_30, %dma_start3A_31] : memref<640x64xf32, #tpu.memory_space<vmem>> -> memref<128x64xf32, #tpu.memory_space<vmem>>
    %dma_start3A_33 = arith.constant 0 : i32
    %dma_start3A_34 = tpu.memref_slice %arg8[%dma_start3A_29, %dma_start3A_33] : memref<5x128xi32, #tpu.memory_space<vmem>> -> memref<1x128xi32, #tpu.memory_space<vmem>>
    %dma_start3A_35 = tpu.memref_squeeze %dma_start3A_34 : memref<1x128xi32, #tpu.memory_space<vmem>> -> memref<128xi32, #tpu.memory_space<vmem>>
    %dma_start3A_36 = arith.constant 0 : i32
    %dma_start3A_37 = arith.constant 0 : i32
    %dma_start3A_38 = tpu.memref_slice %arg3[%dma_start3A_36, %dma_start3A_37] : memref<16384x64xf32, #tpu.memory_space<hbm>> -> memref<16384x64xf32, #tpu.memory_space<hbm>>
    tpu.enqueue_indirect_dma source(%dma_start3A_38 : memref<16384x64xf32, #tpu.memory_space<hbm>>) target(%dma_start3A_32 : memref<128x64xf32, #tpu.memory_space<vmem>>) offsets(%dma_start3A_35 : memref<128xi32, #tpu.memory_space<vmem>>) semaphore(%arg14 : memref<!tpu.dma_semaphore, #tpu.memory_space<semaphore_mem>>)
    %dma_start3A_39 = arith.constant 3 : i32
    %dma_start3A_40 = arith.constant 384 : i32
    %dma_start3A_41 = arith.constant 0 : i32
    %dma_start3A_42 = tpu.memref_slice %arg12[%dma_start3A_40, %dma_start3A_41] : memref<640x64xf32, #tpu.memory_space<vmem>> -> memref<128x64xf32, #tpu.memory_space<vmem>>
    %dma_start3A_43 = arith.constant 0 : i32
    %dma_start3A_44 = tpu.memref_slice %arg8[%dma_start3A_39, %dma_start3A_43] : memref<5x128xi32, #tpu.memory_space<vmem>> -> memref<1x128xi32, #tpu.memory_space<vmem>>
    %dma_start3A_45 = tpu.memref_squeeze %dma_start3A_44 : memref<1x128xi32, #tpu.memory_space<vmem>> -> memref<128xi32, #tpu.memory_space<vmem>>
    %dma_start3A_46 = arith.constant 0 : i32
    %dma_start3A_47 = arith.constant 0 : i32
    %dma_start3A_48 = tpu.memref_slice %arg3[%dma_start3A_46, %dma_start3A_47] : memref<16384x64xf32, #tpu.memory_space<hbm>> -> memref<16384x64xf32, #tpu.memory_space<hbm>>
    tpu.enqueue_indirect_dma source(%dma_start3A_48 : memref<16384x64xf32, #tpu.memory_space<hbm>>) target(%dma_start3A_42 : memref<128x64xf32, #tpu.memory_space<vmem>>) offsets(%dma_start3A_45 : memref<128xi32, #tpu.memory_space<vmem>>) semaphore(%arg14 : memref<!tpu.dma_semaphore, #tpu.memory_space<semaphore_mem>>)
    %dma_start3A_49 = arith.constant 4 : i32
    %dma_start3A_50 = arith.constant 512 : i32
    %dma_start3A_51 = arith.constant 0 : i32
    %dma_start3A_52 = tpu.memref_slice %arg12[%dma_start3A_50, %dma_start3A_51] : memref<640x64xf32, #tpu.memory_space<vmem>> -> memref<128x64xf32, #tpu.memory_space<vmem>>
    %dma_start3A_53 = arith.constant 0 : i32
    %dma_start3A_54 = tpu.memref_slice %arg8[%dma_start3A_49, %dma_start3A_53] : memref<5x128xi32, #tpu.memory_space<vmem>> -> memref<1x128xi32, #tpu.memory_space<vmem>>
    %dma_start3A_55 = tpu.memref_squeeze %dma_start3A_54 : memref<1x128xi32, #tpu.memory_space<vmem>> -> memref<128xi32, #tpu.memory_space<vmem>>
    %dma_start3A_56 = arith.constant 0 : i32
    %dma_start3A_57 = arith.constant 0 : i32
    %dma_start3A_58 = tpu.memref_slice %arg3[%dma_start3A_56, %dma_start3A_57] : memref<16384x64xf32, #tpu.memory_space<hbm>> -> memref<16384x64xf32, #tpu.memory_space<hbm>>
    tpu.enqueue_indirect_dma source(%dma_start3A_58 : memref<16384x64xf32, #tpu.memory_space<hbm>>) target(%dma_start3A_52 : memref<128x64xf32, #tpu.memory_space<vmem>>) offsets(%dma_start3A_55 : memref<128xi32, #tpu.memory_space<vmem>>) semaphore(%arg14 : memref<!tpu.dma_semaphore, #tpu.memory_space<semaphore_mem>>)
    %dma_wait3A = arith.constant 0 : i32
    %dma_wait3A_59 = arith.constant 0 : i32
    %dma_wait3A_60 = arith.constant 0 : i32
    %dma_wait3A_61 = tpu.memref_slice %arg12[%dma_wait3A_59, %dma_wait3A_60] : memref<640x64xf32, #tpu.memory_space<vmem>> -> memref<128x64xf32, #tpu.memory_space<vmem>>
    %dma_wait3A_62 = arith.constant 0 : i32
    %dma_wait3A_63 = tpu.memref_slice %arg8[%dma_wait3A, %dma_wait3A_62] : memref<5x128xi32, #tpu.memory_space<vmem>> -> memref<1x128xi32, #tpu.memory_space<vmem>>
    %dma_wait3A_64 = tpu.memref_squeeze %dma_wait3A_63 : memref<1x128xi32, #tpu.memory_space<vmem>> -> memref<128xi32, #tpu.memory_space<vmem>>
    %dma_wait3A_65 = arith.constant 0 : i32
    %dma_wait3A_66 = arith.constant 0 : i32
    %dma_wait3A_67 = tpu.memref_slice %arg3[%dma_wait3A_65, %dma_wait3A_66] : memref<16384x64xf32, #tpu.memory_space<hbm>> -> memref<16384x64xf32, #tpu.memory_space<hbm>>
    tpu.wait_indirect_dma semaphore(%arg14 : memref<!tpu.dma_semaphore, #tpu.memory_space<semaphore_mem>>) src(%dma_wait3A_67 : memref<16384x64xf32, #tpu.memory_space<hbm>>) dst(%dma_wait3A_61 : memref<128x64xf32, #tpu.memory_space<vmem>>)
    %dma_wait3A_68 = arith.constant 1 : i32
    %dma_wait3A_69 = arith.constant 128 : i32
    %dma_wait3A_70 = arith.constant 0 : i32
    %dma_wait3A_71 = tpu.memref_slice %arg12[%dma_wait3A_69, %dma_wait3A_70] : memref<640x64xf32, #tpu.memory_space<vmem>> -> memref<128x64xf32, #tpu.memory_space<vmem>>
    %dma_wait3A_72 = arith.constant 0 : i32
    %dma_wait3A_73 = tpu.memref_slice %arg8[%dma_wait3A_68, %dma_wait3A_72] : memref<5x128xi32, #tpu.memory_space<vmem>> -> memref<1x128xi32, #tpu.memory_space<vmem>>
    %dma_wait3A_74 = tpu.memref_squeeze %dma_wait3A_73 : memref<1x128xi32, #tpu.memory_space<vmem>> -> memref<128xi32, #tpu.memory_space<vmem>>
    %dma_wait3A_75 = arith.constant 0 : i32
    %dma_wait3A_76 = arith.constant 0 : i32
    %dma_wait3A_77 = tpu.memref_slice %arg3[%dma_wait3A_75, %dma_wait3A_76] : memref<16384x64xf32, #tpu.memory_space<hbm>> -> memref<16384x64xf32, #tpu.memory_space<hbm>>
    tpu.wait_indirect_dma semaphore(%arg14 : memref<!tpu.dma_semaphore, #tpu.memory_space<semaphore_mem>>) src(%dma_wait3A_77 : memref<16384x64xf32, #tpu.memory_space<hbm>>) dst(%dma_wait3A_71 : memref<128x64xf32, #tpu.memory_space<vmem>>)
    %dma_wait3A_78 = arith.constant 2 : i32
    %dma_wait3A_79 = arith.constant 256 : i32
    %dma_wait3A_80 = arith.constant 0 : i32
    %dma_wait3A_81 = tpu.memref_slice %arg12[%dma_wait3A_79, %dma_wait3A_80] : memref<640x64xf32, #tpu.memory_space<vmem>> -> memref<128x64xf32, #tpu.memory_space<vmem>>
    %dma_wait3A_82 = arith.constant 0 : i32
    %dma_wait3A_83 = tpu.memref_slice %arg8[%dma_wait3A_78, %dma_wait3A_82] : memref<5x128xi32, #tpu.memory_space<vmem>> -> memref<1x128xi32, #tpu.memory_space<vmem>>
    %dma_wait3A_84 = tpu.memref_squeeze %dma_wait3A_83 : memref<1x128xi32, #tpu.memory_space<vmem>> -> memref<128xi32, #tpu.memory_space<vmem>>
    %dma_wait3A_85 = arith.constant 0 : i32
    %dma_wait3A_86 = arith.constant 0 : i32
    %dma_wait3A_87 = tpu.memref_slice %arg3[%dma_wait3A_85, %dma_wait3A_86] : memref<16384x64xf32, #tpu.memory_space<hbm>> -> memref<16384x64xf32, #tpu.memory_space<hbm>>
    tpu.wait_indirect_dma semaphore(%arg14 : memref<!tpu.dma_semaphore, #tpu.memory_space<semaphore_mem>>) src(%dma_wait3A_87 : memref<16384x64xf32, #tpu.memory_space<hbm>>) dst(%dma_wait3A_81 : memref<128x64xf32, #tpu.memory_space<vmem>>)
    %dma_wait3A_88 = arith.constant 3 : i32
    %dma_wait3A_89 = arith.constant 384 : i32
    %dma_wait3A_90 = arith.constant 0 : i32
    %dma_wait3A_91 = tpu.memref_slice %arg12[%dma_wait3A_89, %dma_wait3A_90] : memref<640x64xf32, #tpu.memory_space<vmem>> -> memref<128x64xf32, #tpu.memory_space<vmem>>
    %dma_wait3A_92 = arith.constant 0 : i32
    %dma_wait3A_93 = tpu.memref_slice %arg8[%dma_wait3A_88, %dma_wait3A_92] : memref<5x128xi32, #tpu.memory_space<vmem>> -> memref<1x128xi32, #tpu.memory_space<vmem>>
    %dma_wait3A_94 = tpu.memref_squeeze %dma_wait3A_93 : memref<1x128xi32, #tpu.memory_space<vmem>> -> memref<128xi32, #tpu.memory_space<vmem>>
    %dma_wait3A_95 = arith.constant 0 : i32
    %dma_wait3A_96 = arith.constant 0 : i32
    %dma_wait3A_97 = tpu.memref_slice %arg3[%dma_wait3A_95, %dma_wait3A_96] : memref<16384x64xf32, #tpu.memory_space<hbm>> -> memref<16384x64xf32, #tpu.memory_space<hbm>>
    tpu.wait_indirect_dma semaphore(%arg14 : memref<!tpu.dma_semaphore, #tpu.memory_space<semaphore_mem>>) src(%dma_wait3A_97 : memref<16384x64xf32, #tpu.memory_space<hbm>>) dst(%dma_wait3A_91 : memref<128x64xf32, #tpu.memory_space<vmem>>)
    %dma_wait3A_98 = arith.constant 4 : i32
    %dma_wait3A_99 = arith.constant 512 : i32
    %dma_wait3A_100 = arith.constant 0 : i32
    %dma_wait3A_101 = tpu.memref_slice %arg12[%dma_wait3A_99, %dma_wait3A_100] : memref<640x64xf32, #tpu.memory_space<vmem>> -> memref<128x64xf32, #tpu.memory_space<vmem>>
    %dma_wait3A_102 = arith.constant 0 : i32
    %dma_wait3A_103 = tpu.memref_slice %arg8[%dma_wait3A_98, %dma_wait3A_102] : memref<5x128xi32, #tpu.memory_space<vmem>> -> memref<1x128xi32, #tpu.memory_space<vmem>>
    %dma_wait3A_104 = tpu.memref_squeeze %dma_wait3A_103 : memref<1x128xi32, #tpu.memory_space<vmem>> -> memref<128xi32, #tpu.memory_space<vmem>>
    %dma_wait3A_105 = arith.constant 0 : i32
    %dma_wait3A_106 = arith.constant 0 : i32
    %dma_wait3A_107 = tpu.memref_slice %arg3[%dma_wait3A_105, %dma_wait3A_106] : memref<16384x64xf32, #tpu.memory_space<hbm>> -> memref<16384x64xf32, #tpu.memory_space<hbm>>
    tpu.wait_indirect_dma semaphore(%arg14 : memref<!tpu.dma_semaphore, #tpu.memory_space<semaphore_mem>>) src(%dma_wait3A_107 : memref<16384x64xf32, #tpu.memory_space<hbm>>) dst(%dma_wait3A_101 : memref<128x64xf32, #tpu.memory_space<vmem>>)
    %dma_start3A_108 = arith.constant 0 : i32
    %dma_start3A_109 = tpu.memref_slice %arg4[%add3A_4, %dma_start3A_108] : memref<204800x64xf32, #tpu.memory_space<hbm>> -> memref<640x64xf32, #tpu.memory_space<hbm>>
    %dma_start3A_110 = arith.constant 0 : i32
    %dma_start3A_111 = tpu.memref_slice %arg4[%add3A_4, %dma_start3A_110] : memref<204800x64xf32, #tpu.memory_space<hbm>> -> memref<640x64xf32, #tpu.memory_space<hbm>>
    tpu.enqueue_dma source(%arg12 : memref<640x64xf32, #tpu.memory_space<vmem>>) target(%dma_start3A_111 : memref<640x64xf32, #tpu.memory_space<hbm>>) target_semaphore(%arg15 : memref<!tpu.dma_semaphore, #tpu.memory_space<semaphore_mem>>)
    %dma_start3A_112 = tpu.memref_slice %arg5[%add3A_4] : memref<204800xf32, #tpu.memory_space<hbm>> -> memref<640xf32, #tpu.memory_space<hbm>>
    %dma_start3A_113 = tpu.memref_slice %arg5[%add3A_4] : memref<204800xf32, #tpu.memory_space<hbm>> -> memref<640xf32, #tpu.memory_space<hbm>>
    tpu.enqueue_dma source(%arg10 : memref<640xf32, #tpu.memory_space<vmem>>) target(%dma_start3A_113 : memref<640xf32, #tpu.memory_space<hbm>>) target_semaphore(%arg15 : memref<!tpu.dma_semaphore, #tpu.memory_space<semaphore_mem>>)
    %add3A_114 = arith.constant 640 : i32
    %add3A_115 = arith.addi %mul3A_2, %add3A_114 : i32
    "tpu.region"() ({
      %run_scoped3A = tpu.sem_alloc : memref<!tpu.dma_semaphore, #tpu.memory_space<semaphore_mem>>
      %dma_start3A_1200 = tpu.memref_slice %arg2[%add3A_115] : memref<204800xi32, #tpu.memory_space<hbm>> -> memref<640xi32, #tpu.memory_space<hbm>>
      %dma_start3A_1201 = tpu.memref_slice %arg2[%add3A_115] : memref<204800xi32, #tpu.memory_space<hbm>> -> memref<640xi32, #tpu.memory_space<hbm>>
      tpu.enqueue_dma source(%dma_start3A_1201 : memref<640xi32, #tpu.memory_space<hbm>>) target(%arg7 : memref<640xi32, #tpu.memory_space<vmem>>) target_semaphore(%run_scoped3A : memref<!tpu.dma_semaphore, #tpu.memory_space<semaphore_mem>>)
      %dma_wait3A_1202 = tpu.memref_slice %arg2[%add3A_115] : memref<204800xi32, #tpu.memory_space<hbm>> -> memref<640xi32, #tpu.memory_space<hbm>>
      %dma_wait3A_1203 = tpu.memref_slice %arg2[%add3A_115] : memref<204800xi32, #tpu.memory_space<hbm>> -> memref<640xi32, #tpu.memory_space<hbm>>
      tpu.wait_dma2 semaphore(%run_scoped3A : memref<!tpu.dma_semaphore, #tpu.memory_space<semaphore_mem>>) src(%dma_wait3A_1203 : memref<640xi32, #tpu.memory_space<hbm>>) dst(%arg7 : memref<640xi32, #tpu.memory_space<vmem>>)
      tpu.yield
    }) : () -> ()
    %scan3A_116 = arith.constant 0 : i32
    %scan3A_117 = arith.constant 0 : i32
    %scan3A_118 = arith.constant 40 : i32
    %scan3A_119 = arith.addi %scan3A_117, %scan3A_118 : i32
    %scan3A_120 = arith.constant 1 : i32
    scf.for %scan3A_1200 = %scan3A_117 to %scan3A_119 step %scan3A_120  : i32 {
      %jit3A = arith.constant 8 : i32
      %div3A = arith.divsi %scan3A_1200, %jit3A : i32
      %sign3A = arith.constant 0 : i32
      %sign3A_1201 = arith.cmpi sgt, %scan3A_1200, %sign3A : i32
      %sign3A_1202 = arith.extui %sign3A_1201 : i1 to i32
      %sign3A_1203 = arith.constant 0 : i32
      %sign3A_1204 = arith.cmpi slt, %scan3A_1200, %sign3A_1203 : i32
      %sign3A_1205 = arith.extui %sign3A_1204 : i1 to i32
      %sign3A_1206 = arith.subi %sign3A_1202, %sign3A_1205 : i32
      %sign3A_1207 = arith.constant 0 : i32
      %sign3A_1208 = arith.cmpi sgt, %jit3A, %sign3A_1207 : i32
      %sign3A_1209 = arith.extui %sign3A_1208 : i1 to i32
      %sign3A_1210 = arith.constant 0 : i32
      %sign3A_1211 = arith.cmpi slt, %jit3A, %sign3A_1210 : i32
      %sign3A_1212 = arith.extui %sign3A_1211 : i1 to i32
      %sign3A_1213 = arith.subi %sign3A_1209, %sign3A_1212 : i32
      %ne3A = arith.cmpi ne, %sign3A_1206, %sign3A_1213 : i32
      %rem3A = arith.remsi %scan3A_1200, %jit3A : i32
      %ne3A_1214 = arith.constant 0 : i32
      %ne3A_1215 = arith.cmpi ne, %rem3A, %ne3A_1214 : i32
      %and3A = arith.andi %ne3A, %ne3A_1215 : i1
      %sub3A = arith.constant 1 : i32
      %sub3A_1216 = arith.subi %div3A, %sub3A : i32
      %select_n3A = arith.select %and3A, %sub3A_1216, %div3A : i32
      %jit3A_1217 = arith.constant 8 : i32
      %eq3A = arith.constant 0 : i32
      %eq3A_1218 = arith.cmpi eq, %jit3A_1217, %eq3A : i32
      %jit3A_1219 = arith.constant 1 : i32
      %select_n3A_1220 = arith.select %eq3A_1218, %jit3A_1219, %jit3A_1217 : i32
      %rem3A_1221 = arith.remsi %scan3A_1200, %select_n3A_1220 : i32
      %ne3A_1222 = arith.constant 0 : i32
      %ne3A_1223 = arith.cmpi ne, %rem3A_1221, %ne3A_1222 : i32
      %lt3A = arith.constant 0 : i32
      %lt3A_1224 = arith.cmpi slt, %rem3A_1221, %lt3A : i32
      %lt3A_1225 = arith.constant 0 : i32
      %lt3A_1226 = arith.cmpi slt, %select_n3A_1220, %lt3A_1225 : i32
      %ne3A_1227 = arith.xori %lt3A_1224, %lt3A_1226 : i1
      %and3A_1228 = arith.andi %ne3A_1227, %ne3A_1223 : i1
      %add3A_1229 = arith.addi %rem3A_1221, %select_n3A_1220 : i32
      %select_n3A_1230 = arith.select %and3A_1228, %add3A_1229, %rem3A_1221 : i32
      %mul3A_1231 = arith.constant 128 : i32
      %mul3A_1232 = arith.muli %select_n3A, %mul3A_1231 : i32
      %mul3A_1233 = arith.constant 16 : i32
      %mul3A_1234 = arith.muli %select_n3A_1230, %mul3A_1233 : i32
      %add3A_1235 = arith.addi %mul3A_1232, %mul3A_1234 : i32
      %get3A = arith.index_cast %add3A_1235 : i32 to index
      %get3A_1236 = tpu.vector_load %arg7[%get3A] {strides = array<i32>} : memref<640xi32, #tpu.memory_space<vmem>>, vector<16xi32>,
      %get3A_1237 = vector.shape_cast %get3A_1236 : vector<16xi32> to vector<16xi32>
      %and3A_1238 = arith.constant 16383 : i32
      %and3A_1239 = vector.broadcast %and3A_1238 : i32 to vector<16xi32>
      %and3A_1240 = arith.andi %get3A_1237, %and3A_1239 : vector<16xi32>
      %mul3A_1241 = arith.constant 16 : i32
      %mul3A_1242 = arith.muli %select_n3A_1230, %mul3A_1241 : i32
      %swap3A = arith.index_cast %select_n3A : i32 to index
      %swap3A_1243 = arith.index_cast %mul3A_1242 : i32 to index
      %swap3A_1244 = tpu.vector_load %arg9[%swap3A, %swap3A_1243] {strides = array<i32>} : memref<5x128xi32, #tpu.memory_space<vmem>>, vector<1x16xi32>,
      %swap3A_1245 = vector.shape_cast %swap3A_1244 : vector<1x16xi32> to vector<16xi32>
      %swap3A_1246 = vector.shape_cast %and3A_1240 : vector<16xi32> to vector<1x16xi32>
      tpu.vector_store %arg9[%swap3A, %swap3A_1243], %swap3A_1246 {strides = array<i32>} : memref<5x128xi32, #tpu.memory_space<vmem>>, vector<1x16xi32>,
      %and3A_1247 = arith.constant 49152 : i32
      %and3A_1248 = vector.broadcast %and3A_1247 : i32 to vector<16xi32>
      %and3A_1249 = arith.andi %get3A_1237, %and3A_1248 : vector<16xi32>
      %eq3A_1250 = arith.constant 0 : i32
      %eq3A_1251 = vector.broadcast %eq3A_1250 : i32 to vector<16xi32>
      %eq3A_1252 = arith.cmpi eq, %and3A_1249, %eq3A_1251 : vector<16xi32>
      %jit3A_1253 = arith.constant 1.000000e+00 : f32
      %jit3A_1254 = arith.constant 0.000000e+00 : f32
      %broadcast_in_dim3A = vector.broadcast %jit3A_1253 : f32 to vector<16xf32>
      %broadcast_in_dim3A_1255 = vector.broadcast %jit3A_1254 : f32 to vector<16xf32>
      %select_n3A_1256 = arith.select %eq3A_1252, %broadcast_in_dim3A, %broadcast_in_dim3A_1255 : vector<16xi1>, vector<16xf32>
      %mul3A_1257 = arith.constant 128 : i32
      %mul3A_1258 = arith.muli %select_n3A, %mul3A_1257 : i32
      %mul3A_1259 = arith.constant 16 : i32
      %mul3A_1260 = arith.muli %select_n3A_1230, %mul3A_1259 : i32
      %add3A_1261 = arith.addi %mul3A_1258, %mul3A_1260 : i32
      %swap3A_1262 = arith.index_cast %add3A_1261 : i32 to index
      %swap3A_1263 = tpu.vector_load %arg11[%swap3A_1262] {strides = array<i32>} : memref<640xf32, #tpu.memory_space<vmem>>, vector<16xf32>,
      %swap3A_1264 = vector.shape_cast %swap3A_1263 : vector<16xf32> to vector<16xf32>
      %swap3A_1265 = vector.shape_cast %select_n3A_1256 : vector<16xf32> to vector<16xf32>
      tpu.vector_store %arg11[%swap3A_1262], %swap3A_1265 {strides = array<i32>} : memref<640xf32, #tpu.memory_space<vmem>>, vector<16xf32>,
    }
    %scan3A_121 = arith.constant 40 : i32
    %dma_start3A_122 = arith.constant 0 : i32
    %dma_start3A_123 = arith.constant 0 : i32
    %dma_start3A_124 = arith.constant 0 : i32
    %dma_start3A_125 = tpu.memref_slice %arg13[%dma_start3A_123, %dma_start3A_124] : memref<640x64xf32, #tpu.memory_space<vmem>> -> memref<128x64xf32, #tpu.memory_space<vmem>>
    %dma_start3A_126 = arith.constant 0 : i32
    %dma_start3A_127 = tpu.memref_slice %arg9[%dma_start3A_122, %dma_start3A_126] : memref<5x128xi32, #tpu.memory_space<vmem>> -> memref<1x128xi32, #tpu.memory_space<vmem>>
    %dma_start3A_128 = tpu.memref_squeeze %dma_start3A_127 : memref<1x128xi32, #tpu.memory_space<vmem>> -> memref<128xi32, #tpu.memory_space<vmem>>
    %dma_start3A_129 = arith.constant 0 : i32
    %dma_start3A_130 = arith.constant 0 : i32
    %dma_start3A_131 = tpu.memref_slice %arg3[%dma_start3A_129, %dma_start3A_130] : memref<16384x64xf32, #tpu.memory_space<hbm>> -> memref<16384x64xf32, #tpu.memory_space<hbm>>
    tpu.enqueue_indirect_dma source(%dma_start3A_131 : memref<16384x64xf32, #tpu.memory_space<hbm>>) target(%dma_start3A_125 : memref<128x64xf32, #tpu.memory_space<vmem>>) offsets(%dma_start3A_128 : memref<128xi32, #tpu.memory_space<vmem>>) semaphore(%arg14 : memref<!tpu.dma_semaphore, #tpu.memory_space<semaphore_mem>>)
    %dma_start3A_132 = arith.constant 1 : i32
    %dma_start3A_133 = arith.constant 128 : i32
    %dma_start3A_134 = arith.constant 0 : i32
    %dma_start3A_135 = tpu.memref_slice %arg13[%dma_start3A_133, %dma_start3A_134] : memref<640x64xf32, #tpu.memory_space<vmem>> -> memref<128x64xf32, #tpu.memory_space<vmem>>
    %dma_start3A_136 = arith.constant 0 : i32
    %dma_start3A_137 = tpu.memref_slice %arg9[%dma_start3A_132, %dma_start3A_136] : memref<5x128xi32, #tpu.memory_space<vmem>> -> memref<1x128xi32, #tpu.memory_space<vmem>>
    %dma_start3A_138 = tpu.memref_squeeze %dma_start3A_137 : memref<1x128xi32, #tpu.memory_space<vmem>> -> memref<128xi32, #tpu.memory_space<vmem>>
    %dma_start3A_139 = arith.constant 0 : i32
    %dma_start3A_140 = arith.constant 0 : i32
    %dma_start3A_141 = tpu.memref_slice %arg3[%dma_start3A_139, %dma_start3A_140] : memref<16384x64xf32, #tpu.memory_space<hbm>> -> memref<16384x64xf32, #tpu.memory_space<hbm>>
    tpu.enqueue_indirect_dma source(%dma_start3A_141 : memref<16384x64xf32, #tpu.memory_space<hbm>>) target(%dma_start3A_135 : memref<128x64xf32, #tpu.memory_space<vmem>>) offsets(%dma_start3A_138 : memref<128xi32, #tpu.memory_space<vmem>>) semaphore(%arg14 : memref<!tpu.dma_semaphore, #tpu.memory_space<semaphore_mem>>)
    %dma_start3A_142 = arith.constant 2 : i32
    %dma_start3A_143 = arith.constant 256 : i32
    %dma_start3A_144 = arith.constant 0 : i32
    %dma_start3A_145 = tpu.memref_slice %arg13[%dma_start3A_143, %dma_start3A_144] : memref<640x64xf32, #tpu.memory_space<vmem>> -> memref<128x64xf32, #tpu.memory_space<vmem>>
    %dma_start3A_146 = arith.constant 0 : i32
    %dma_start3A_147 = tpu.memref_slice %arg9[%dma_start3A_142, %dma_start3A_146] : memref<5x128xi32, #tpu.memory_space<vmem>> -> memref<1x128xi32, #tpu.memory_space<vmem>>
    %dma_start3A_148 = tpu.memref_squeeze %dma_start3A_147 : memref<1x128xi32, #tpu.memory_space<vmem>> -> memref<128xi32, #tpu.memory_space<vmem>>
    %dma_start3A_149 = arith.constant 0 : i32
    %dma_start3A_150 = arith.constant 0 : i32
    %dma_start3A_151 = tpu.memref_slice %arg3[%dma_start3A_149, %dma_start3A_150] : memref<16384x64xf32, #tpu.memory_space<hbm>> -> memref<16384x64xf32, #tpu.memory_space<hbm>>
    tpu.enqueue_indirect_dma source(%dma_start3A_151 : memref<16384x64xf32, #tpu.memory_space<hbm>>) target(%dma_start3A_145 : memref<128x64xf32, #tpu.memory_space<vmem>>) offsets(%dma_start3A_148 : memref<128xi32, #tpu.memory_space<vmem>>) semaphore(%arg14 : memref<!tpu.dma_semaphore, #tpu.memory_space<semaphore_mem>>)
    %dma_start3A_152 = arith.constant 3 : i32
    %dma_start3A_153 = arith.constant 384 : i32
    %dma_start3A_154 = arith.constant 0 : i32
    %dma_start3A_155 = tpu.memref_slice %arg13[%dma_start3A_153, %dma_start3A_154] : memref<640x64xf32, #tpu.memory_space<vmem>> -> memref<128x64xf32, #tpu.memory_space<vmem>>
    %dma_start3A_156 = arith.constant 0 : i32
    %dma_start3A_157 = tpu.memref_slice %arg9[%dma_start3A_152, %dma_start3A_156] : memref<5x128xi32, #tpu.memory_space<vmem>> -> memref<1x128xi32, #tpu.memory_space<vmem>>
    %dma_start3A_158 = tpu.memref_squeeze %dma_start3A_157 : memref<1x128xi32, #tpu.memory_space<vmem>> -> memref<128xi32, #tpu.memory_space<vmem>>
    %dma_start3A_159 = arith.constant 0 : i32
    %dma_start3A_160 = arith.constant 0 : i32
    %dma_start3A_161 = tpu.memref_slice %arg3[%dma_start3A_159, %dma_start3A_160] : memref<16384x64xf32, #tpu.memory_space<hbm>> -> memref<16384x64xf32, #tpu.memory_space<hbm>>
    tpu.enqueue_indirect_dma source(%dma_start3A_161 : memref<16384x64xf32, #tpu.memory_space<hbm>>) target(%dma_start3A_155 : memref<128x64xf32, #tpu.memory_space<vmem>>) offsets(%dma_start3A_158 : memref<128xi32, #tpu.memory_space<vmem>>) semaphore(%arg14 : memref<!tpu.dma_semaphore, #tpu.memory_space<semaphore_mem>>)
    %dma_start3A_162 = arith.constant 4 : i32
    %dma_start3A_163 = arith.constant 512 : i32
    %dma_start3A_164 = arith.constant 0 : i32
    %dma_start3A_165 = tpu.memref_slice %arg13[%dma_start3A_163, %dma_start3A_164] : memref<640x64xf32, #tpu.memory_space<vmem>> -> memref<128x64xf32, #tpu.memory_space<vmem>>
    %dma_start3A_166 = arith.constant 0 : i32
    %dma_start3A_167 = tpu.memref_slice %arg9[%dma_start3A_162, %dma_start3A_166] : memref<5x128xi32, #tpu.memory_space<vmem>> -> memref<1x128xi32, #tpu.memory_space<vmem>>
    %dma_start3A_168 = tpu.memref_squeeze %dma_start3A_167 : memref<1x128xi32, #tpu.memory_space<vmem>> -> memref<128xi32, #tpu.memory_space<vmem>>
    %dma_start3A_169 = arith.constant 0 : i32
    %dma_start3A_170 = arith.constant 0 : i32
    %dma_start3A_171 = tpu.memref_slice %arg3[%dma_start3A_169, %dma_start3A_170] : memref<16384x64xf32, #tpu.memory_space<hbm>> -> memref<16384x64xf32, #tpu.memory_space<hbm>>
    tpu.enqueue_indirect_dma source(%dma_start3A_171 : memref<16384x64xf32, #tpu.memory_space<hbm>>) target(%dma_start3A_165 : memref<128x64xf32, #tpu.memory_space<vmem>>) offsets(%dma_start3A_168 : memref<128xi32, #tpu.memory_space<vmem>>) semaphore(%arg14 : memref<!tpu.dma_semaphore, #tpu.memory_space<semaphore_mem>>)
    %dma_wait3A_172 = arith.constant 0 : i32
    %dma_wait3A_173 = arith.constant 0 : i32
    %dma_wait3A_174 = arith.constant 0 : i32
    %dma_wait3A_175 = tpu.memref_slice %arg13[%dma_wait3A_173, %dma_wait3A_174] : memref<640x64xf32, #tpu.memory_space<vmem>> -> memref<128x64xf32, #tpu.memory_space<vmem>>
    %dma_wait3A_176 = arith.constant 0 : i32
    %dma_wait3A_177 = tpu.memref_slice %arg9[%dma_wait3A_172, %dma_wait3A_176] : memref<5x128xi32, #tpu.memory_space<vmem>> -> memref<1x128xi32, #tpu.memory_space<vmem>>
    %dma_wait3A_178 = tpu.memref_squeeze %dma_wait3A_177 : memref<1x128xi32, #tpu.memory_space<vmem>> -> memref<128xi32, #tpu.memory_space<vmem>>
    %dma_wait3A_179 = arith.constant 0 : i32
    %dma_wait3A_180 = arith.constant 0 : i32
    %dma_wait3A_181 = tpu.memref_slice %arg3[%dma_wait3A_179, %dma_wait3A_180] : memref<16384x64xf32, #tpu.memory_space<hbm>> -> memref<16384x64xf32, #tpu.memory_space<hbm>>
    tpu.wait_indirect_dma semaphore(%arg14 : memref<!tpu.dma_semaphore, #tpu.memory_space<semaphore_mem>>) src(%dma_wait3A_181 : memref<16384x64xf32, #tpu.memory_space<hbm>>) dst(%dma_wait3A_175 : memref<128x64xf32, #tpu.memory_space<vmem>>)
    %dma_wait3A_182 = arith.constant 1 : i32
    %dma_wait3A_183 = arith.constant 128 : i32
    %dma_wait3A_184 = arith.constant 0 : i32
    %dma_wait3A_185 = tpu.memref_slice %arg13[%dma_wait3A_183, %dma_wait3A_184] : memref<640x64xf32, #tpu.memory_space<vmem>> -> memref<128x64xf32, #tpu.memory_space<vmem>>
    %dma_wait3A_186 = arith.constant 0 : i32
    %dma_wait3A_187 = tpu.memref_slice %arg9[%dma_wait3A_182, %dma_wait3A_186] : memref<5x128xi32, #tpu.memory_space<vmem>> -> memref<1x128xi32, #tpu.memory_space<vmem>>
    %dma_wait3A_188 = tpu.memref_squeeze %dma_wait3A_187 : memref<1x128xi32, #tpu.memory_space<vmem>> -> memref<128xi32, #tpu.memory_space<vmem>>
    %dma_wait3A_189 = arith.constant 0 : i32
    %dma_wait3A_190 = arith.constant 0 : i32
    %dma_wait3A_191 = tpu.memref_slice %arg3[%dma_wait3A_189, %dma_wait3A_190] : memref<16384x64xf32, #tpu.memory_space<hbm>> -> memref<16384x64xf32, #tpu.memory_space<hbm>>
    tpu.wait_indirect_dma semaphore(%arg14 : memref<!tpu.dma_semaphore, #tpu.memory_space<semaphore_mem>>) src(%dma_wait3A_191 : memref<16384x64xf32, #tpu.memory_space<hbm>>) dst(%dma_wait3A_185 : memref<128x64xf32, #tpu.memory_space<vmem>>)
    %dma_wait3A_192 = arith.constant 2 : i32
    %dma_wait3A_193 = arith.constant 256 : i32
    %dma_wait3A_194 = arith.constant 0 : i32
    %dma_wait3A_195 = tpu.memref_slice %arg13[%dma_wait3A_193, %dma_wait3A_194] : memref<640x64xf32, #tpu.memory_space<vmem>> -> memref<128x64xf32, #tpu.memory_space<vmem>>
    %dma_wait3A_196 = arith.constant 0 : i32
    %dma_wait3A_197 = tpu.memref_slice %arg9[%dma_wait3A_192, %dma_wait3A_196] : memref<5x128xi32, #tpu.memory_space<vmem>> -> memref<1x128xi32, #tpu.memory_space<vmem>>
    %dma_wait3A_198 = tpu.memref_squeeze %dma_wait3A_197 : memref<1x128xi32, #tpu.memory_space<vmem>> -> memref<128xi32, #tpu.memory_space<vmem>>
    %dma_wait3A_199 = arith.constant 0 : i32
    %dma_wait3A_200 = arith.constant 0 : i32
    %dma_wait3A_201 = tpu.memref_slice %arg3[%dma_wait3A_199, %dma_wait3A_200] : memref<16384x64xf32, #tpu.memory_space<hbm>> -> memref<16384x64xf32, #tpu.memory_space<hbm>>
    tpu.wait_indirect_dma semaphore(%arg14 : memref<!tpu.dma_semaphore, #tpu.memory_space<semaphore_mem>>) src(%dma_wait3A_201 : memref<16384x64xf32, #tpu.memory_space<hbm>>) dst(%dma_wait3A_195 : memref<128x64xf32, #tpu.memory_space<vmem>>)
    %dma_wait3A_202 = arith.constant 3 : i32
    %dma_wait3A_203 = arith.constant 384 : i32
    %dma_wait3A_204 = arith.constant 0 : i32
    %dma_wait3A_205 = tpu.memref_slice %arg13[%dma_wait3A_203, %dma_wait3A_204] : memref<640x64xf32, #tpu.memory_space<vmem>> -> memref<128x64xf32, #tpu.memory_space<vmem>>
    %dma_wait3A_206 = arith.constant 0 : i32
    %dma_wait3A_207 = tpu.memref_slice %arg9[%dma_wait3A_202, %dma_wait3A_206] : memref<5x128xi32, #tpu.memory_space<vmem>> -> memref<1x128xi32, #tpu.memory_space<vmem>>
    %dma_wait3A_208 = tpu.memref_squeeze %dma_wait3A_207 : memref<1x128xi32, #tpu.memory_space<vmem>> -> memref<128xi32, #tpu.memory_space<vmem>>
    %dma_wait3A_209 = arith.constant 0 : i32
    %dma_wait3A_210 = arith.constant 0 : i32
    %dma_wait3A_211 = tpu.memref_slice %arg3[%dma_wait3A_209, %dma_wait3A_210] : memref<16384x64xf32, #tpu.memory_space<hbm>> -> memref<16384x64xf32, #tpu.memory_space<hbm>>
    tpu.wait_indirect_dma semaphore(%arg14 : memref<!tpu.dma_semaphore, #tpu.memory_space<semaphore_mem>>) src(%dma_wait3A_211 : memref<16384x64xf32, #tpu.memory_space<hbm>>) dst(%dma_wait3A_205 : memref<128x64xf32, #tpu.memory_space<vmem>>)
    %dma_wait3A_212 = arith.constant 4 : i32
    %dma_wait3A_213 = arith.constant 512 : i32
    %dma_wait3A_214 = arith.constant 0 : i32
    %dma_wait3A_215 = tpu.memref_slice %arg13[%dma_wait3A_213, %dma_wait3A_214] : memref<640x64xf32, #tpu.memory_space<vmem>> -> memref<128x64xf32, #tpu.memory_space<vmem>>
    %dma_wait3A_216 = arith.constant 0 : i32
    %dma_wait3A_217 = tpu.memref_slice %arg9[%dma_wait3A_212, %dma_wait3A_216] : memref<5x128xi32, #tpu.memory_space<vmem>> -> memref<1x128xi32, #tpu.memory_space<vmem>>
    %dma_wait3A_218 = tpu.memref_squeeze %dma_wait3A_217 : memref<1x128xi32, #tpu.memory_space<vmem>> -> memref<128xi32, #tpu.memory_space<vmem>>
    %dma_wait3A_219 = arith.constant 0 : i32
    %dma_wait3A_220 = arith.constant 0 : i32
    %dma_wait3A_221 = tpu.memref_slice %arg3[%dma_wait3A_219, %dma_wait3A_220] : memref<16384x64xf32, #tpu.memory_space<hbm>> -> memref<16384x64xf32, #tpu.memory_space<hbm>>
    tpu.wait_indirect_dma semaphore(%arg14 : memref<!tpu.dma_semaphore, #tpu.memory_space<semaphore_mem>>) src(%dma_wait3A_221 : memref<16384x64xf32, #tpu.memory_space<hbm>>) dst(%dma_wait3A_215 : memref<128x64xf32, #tpu.memory_space<vmem>>)
    %dma_start3A_222 = arith.constant 0 : i32
    %dma_start3A_223 = tpu.memref_slice %arg4[%add3A_115, %dma_start3A_222] : memref<204800x64xf32, #tpu.memory_space<hbm>> -> memref<640x64xf32, #tpu.memory_space<hbm>>
    %dma_start3A_224 = arith.constant 0 : i32
    %dma_start3A_225 = tpu.memref_slice %arg4[%add3A_115, %dma_start3A_224] : memref<204800x64xf32, #tpu.memory_space<hbm>> -> memref<640x64xf32, #tpu.memory_space<hbm>>
    tpu.enqueue_dma source(%arg13 : memref<640x64xf32, #tpu.memory_space<vmem>>) target(%dma_start3A_225 : memref<640x64xf32, #tpu.memory_space<hbm>>) target_semaphore(%arg15 : memref<!tpu.dma_semaphore, #tpu.memory_space<semaphore_mem>>)
    %dma_start3A_226 = tpu.memref_slice %arg5[%add3A_115] : memref<204800xf32, #tpu.memory_space<hbm>> -> memref<640xf32, #tpu.memory_space<hbm>>
    %dma_start3A_227 = tpu.memref_slice %arg5[%add3A_115] : memref<204800xf32, #tpu.memory_space<hbm>> -> memref<640xf32, #tpu.memory_space<hbm>>
    tpu.enqueue_dma source(%arg11 : memref<640xf32, #tpu.memory_space<vmem>>) target(%dma_start3A_227 : memref<640xf32, #tpu.memory_space<hbm>>) target_semaphore(%arg15 : memref<!tpu.dma_semaphore, #tpu.memory_space<semaphore_mem>>)
    %dma_wait3A_228 = arith.constant 0 : i32
    %dma_wait3A_229 = tpu.memref_slice %arg4[%add3A_4, %dma_wait3A_228] : memref<204800x64xf32, #tpu.memory_space<hbm>> -> memref<640x64xf32, #tpu.memory_space<hbm>>
    %dma_wait3A_230 = arith.constant 0 : i32
    %dma_wait3A_231 = tpu.memref_slice %arg4[%add3A_4, %dma_wait3A_230] : memref<204800x64xf32, #tpu.memory_space<hbm>> -> memref<640x64xf32, #tpu.memory_space<hbm>>
    tpu.wait_dma2 semaphore(%arg15 : memref<!tpu.dma_semaphore, #tpu.memory_space<semaphore_mem>>) src(%arg12 : memref<640x64xf32, #tpu.memory_space<vmem>>) dst(%dma_wait3A_231 : memref<640x64xf32, #tpu.memory_space<hbm>>)
    %dma_wait3A_232 = tpu.memref_slice %arg5[%add3A_4] : memref<204800xf32, #tpu.memory_space<hbm>> -> memref<640xf32, #tpu.memory_space<hbm>>
    %dma_wait3A_233 = tpu.memref_slice %arg5[%add3A_4] : memref<204800xf32, #tpu.memory_space<hbm>> -> memref<640xf32, #tpu.memory_space<hbm>>
    tpu.wait_dma2 semaphore(%arg15 : memref<!tpu.dma_semaphore, #tpu.memory_space<semaphore_mem>>) src(%arg10 : memref<640xf32, #tpu.memory_space<vmem>>) dst(%dma_wait3A_233 : memref<640xf32, #tpu.memory_space<hbm>>)
    %add3A_234 = arith.constant 1280 : i32
    %add3A_235 = arith.addi %mul3A_2, %add3A_234 : i32
    "tpu.region"() ({
      %run_scoped3A = tpu.sem_alloc : memref<!tpu.dma_semaphore, #tpu.memory_space<semaphore_mem>>
      %dma_start3A_1200 = tpu.memref_slice %arg2[%add3A_235] : memref<204800xi32, #tpu.memory_space<hbm>> -> memref<640xi32, #tpu.memory_space<hbm>>
      %dma_start3A_1201 = tpu.memref_slice %arg2[%add3A_235] : memref<204800xi32, #tpu.memory_space<hbm>> -> memref<640xi32, #tpu.memory_space<hbm>>
      tpu.enqueue_dma source(%dma_start3A_1201 : memref<640xi32, #tpu.memory_space<hbm>>) target(%arg6 : memref<640xi32, #tpu.memory_space<vmem>>) target_semaphore(%run_scoped3A : memref<!tpu.dma_semaphore, #tpu.memory_space<semaphore_mem>>)
      %dma_wait3A_1202 = tpu.memref_slice %arg2[%add3A_235] : memref<204800xi32, #tpu.memory_space<hbm>> -> memref<640xi32, #tpu.memory_space<hbm>>
      %dma_wait3A_1203 = tpu.memref_slice %arg2[%add3A_235] : memref<204800xi32, #tpu.memory_space<hbm>> -> memref<640xi32, #tpu.memory_space<hbm>>
      tpu.wait_dma2 semaphore(%run_scoped3A : memref<!tpu.dma_semaphore, #tpu.memory_space<semaphore_mem>>) src(%dma_wait3A_1203 : memref<640xi32, #tpu.memory_space<hbm>>) dst(%arg6 : memref<640xi32, #tpu.memory_space<vmem>>)
      tpu.yield
    }) : () -> ()
    %scan3A_236 = arith.constant 0 : i32
    %scan3A_237 = arith.constant 0 : i32
    %scan3A_238 = arith.constant 40 : i32
    %scan3A_239 = arith.addi %scan3A_237, %scan3A_238 : i32
    %scan3A_240 = arith.constant 1 : i32
    scf.for %scan3A_1200 = %scan3A_237 to %scan3A_239 step %scan3A_240  : i32 {
      %jit3A = arith.constant 8 : i32
      %div3A = arith.divsi %scan3A_1200, %jit3A : i32
      %sign3A = arith.constant 0 : i32
      %sign3A_1201 = arith.cmpi sgt, %scan3A_1200, %sign3A : i32
      %sign3A_1202 = arith.extui %sign3A_1201 : i1 to i32
      %sign3A_1203 = arith.constant 0 : i32
      %sign3A_1204 = arith.cmpi slt, %scan3A_1200, %sign3A_1203 : i32
      %sign3A_1205 = arith.extui %sign3A_1204 : i1 to i32
      %sign3A_1206 = arith.subi %sign3A_1202, %sign3A_1205 : i32
      %sign3A_1207 = arith.constant 0 : i32
      %sign3A_1208 = arith.cmpi sgt, %jit3A, %sign3A_1207 : i32
      %sign3A_1209 = arith.extui %sign3A_1208 : i1 to i32
      %sign3A_1210 = arith.constant 0 : i32
      %sign3A_1211 = arith.cmpi slt, %jit3A, %sign3A_1210 : i32
      %sign3A_1212 = arith.extui %sign3A_1211 : i1 to i32
      %sign3A_1213 = arith.subi %sign3A_1209, %sign3A_1212 : i32
      %ne3A = arith.cmpi ne, %sign3A_1206, %sign3A_1213 : i32
      %rem3A = arith.remsi %scan3A_1200, %jit3A : i32
      %ne3A_1214 = arith.constant 0 : i32
      %ne3A_1215 = arith.cmpi ne, %rem3A, %ne3A_1214 : i32
      %and3A = arith.andi %ne3A, %ne3A_1215 : i1
      %sub3A = arith.constant 1 : i32
      %sub3A_1216 = arith.subi %div3A, %sub3A : i32
      %select_n3A = arith.select %and3A, %sub3A_1216, %div3A : i32
      %jit3A_1217 = arith.constant 8 : i32
      %eq3A = arith.constant 0 : i32
      %eq3A_1218 = arith.cmpi eq, %jit3A_1217, %eq3A : i32
      %jit3A_1219 = arith.constant 1 : i32
      %select_n3A_1220 = arith.select %eq3A_1218, %jit3A_1219, %jit3A_1217 : i32
      %rem3A_1221 = arith.remsi %scan3A_1200, %select_n3A_1220 : i32
      %ne3A_1222 = arith.constant 0 : i32
      %ne3A_1223 = arith.cmpi ne, %rem3A_1221, %ne3A_1222 : i32
      %lt3A = arith.constant 0 : i32
      %lt3A_1224 = arith.cmpi slt, %rem3A_1221, %lt3A : i32
      %lt3A_1225 = arith.constant 0 : i32
      %lt3A_1226 = arith.cmpi slt, %select_n3A_1220, %lt3A_1225 : i32
      %ne3A_1227 = arith.xori %lt3A_1224, %lt3A_1226 : i1
      %and3A_1228 = arith.andi %ne3A_1227, %ne3A_1223 : i1
      %add3A_1229 = arith.addi %rem3A_1221, %select_n3A_1220 : i32
      %select_n3A_1230 = arith.select %and3A_1228, %add3A_1229, %rem3A_1221 : i32
      %mul3A_1231 = arith.constant 128 : i32
      %mul3A_1232 = arith.muli %select_n3A, %mul3A_1231 : i32
      %mul3A_1233 = arith.constant 16 : i32
      %mul3A_1234 = arith.muli %select_n3A_1230, %mul3A_1233 : i32
      %add3A_1235 = arith.addi %mul3A_1232, %mul3A_1234 : i32
      %get3A = arith.index_cast %add3A_1235 : i32 to index
      %get3A_1236 = tpu.vector_load %arg6[%get3A] {strides = array<i32>} : memref<640xi32, #tpu.memory_space<vmem>>, vector<16xi32>,
      %get3A_1237 = vector.shape_cast %get3A_1236 : vector<16xi32> to vector<16xi32>
      %and3A_1238 = arith.constant 16383 : i32
      %and3A_1239 = vector.broadcast %and3A_1238 : i32 to vector<16xi32>
      %and3A_1240 = arith.andi %get3A_1237, %and3A_1239 : vector<16xi32>
      %mul3A_1241 = arith.constant 16 : i32
      %mul3A_1242 = arith.muli %select_n3A_1230, %mul3A_1241 : i32
      %swap3A = arith.index_cast %select_n3A : i32 to index
      %swap3A_1243 = arith.index_cast %mul3A_1242 : i32 to index
      %swap3A_1244 = tpu.vector_load %arg8[%swap3A, %swap3A_1243] {strides = array<i32>} : memref<5x128xi32, #tpu.memory_space<vmem>>, vector<1x16xi32>,
      %swap3A_1245 = vector.shape_cast %swap3A_1244 : vector<1x16xi32> to vector<16xi32>
      %swap3A_1246 = vector.shape_cast %and3A_1240 : vector<16xi32> to vector<1x16xi32>
      tpu.vector_store %arg8[%swap3A, %swap3A_1243], %swap3A_1246 {strides = array<i32>} : memref<5x128xi32, #tpu.memory_space<vmem>>, vector<1x16xi32>,
      %and3A_1247 = arith.constant 49152 : i32
      %and3A_1248 = vector.broadcast %and3A_1247 : i32 to vector<16xi32>
      %and3A_1249 = arith.andi %get3A_1237, %and3A_1248 : vector<16xi32>
      %eq3A_1250 = arith.constant 0 : i32
      %eq3A_1251 = vector.broadcast %eq3A_1250 : i32 to vector<16xi32>
      %eq3A_1252 = arith.cmpi eq, %and3A_1249, %eq3A_1251 : vector<16xi32>
      %jit3A_1253 = arith.constant 1.000000e+00 : f32
      %jit3A_1254 = arith.constant 0.000000e+00 : f32
      %broadcast_in_dim3A = vector.broadcast %jit3A_1253 : f32 to vector<16xf32>
      %broadcast_in_dim3A_1255 = vector.broadcast %jit3A_1254 : f32 to vector<16xf32>
      %select_n3A_1256 = arith.select %eq3A_1252, %broadcast_in_dim3A, %broadcast_in_dim3A_1255 : vector<16xi1>, vector<16xf32>
      %mul3A_1257 = arith.constant 128 : i32
      %mul3A_1258 = arith.muli %select_n3A, %mul3A_1257 : i32
      %mul3A_1259 = arith.constant 16 : i32
      %mul3A_1260 = arith.muli %select_n3A_1230, %mul3A_1259 : i32
      %add3A_1261 = arith.addi %mul3A_1258, %mul3A_1260 : i32
      %swap3A_1262 = arith.index_cast %add3A_1261 : i32 to index
      %swap3A_1263 = tpu.vector_load %arg10[%swap3A_1262] {strides = array<i32>} : memref<640xf32, #tpu.memory_space<vmem>>, vector<16xf32>,
      %swap3A_1264 = vector.shape_cast %swap3A_1263 : vector<16xf32> to vector<16xf32>
      %swap3A_1265 = vector.shape_cast %select_n3A_1256 : vector<16xf32> to vector<16xf32>
      tpu.vector_store %arg10[%swap3A_1262], %swap3A_1265 {strides = array<i32>} : memref<640xf32, #tpu.memory_space<vmem>>, vector<16xf32>,
    }
    %scan3A_241 = arith.constant 40 : i32
    %dma_start3A_242 = arith.constant 0 : i32
    %dma_start3A_243 = arith.constant 0 : i32
    %dma_start3A_244 = arith.constant 0 : i32
    %dma_start3A_245 = tpu.memref_slice %arg12[%dma_start3A_243, %dma_start3A_244] : memref<640x64xf32, #tpu.memory_space<vmem>> -> memref<128x64xf32, #tpu.memory_space<vmem>>
    %dma_start3A_246 = arith.constant 0 : i32
    %dma_start3A_247 = tpu.memref_slice %arg8[%dma_start3A_242, %dma_start3A_246] : memref<5x128xi32, #tpu.memory_space<vmem>> -> memref<1x128xi32, #tpu.memory_space<vmem>>
    %dma_start3A_248 = tpu.memref_squeeze %dma_start3A_247 : memref<1x128xi32, #tpu.memory_space<vmem>> -> memref<128xi32, #tpu.memory_space<vmem>>
    %dma_start3A_249 = arith.constant 0 : i32
    %dma_start3A_250 = arith.constant 0 : i32
    %dma_start3A_251 = tpu.memref_slice %arg3[%dma_start3A_249, %dma_start3A_250] : memref<16384x64xf32, #tpu.memory_space<hbm>> -> memref<16384x64xf32, #tpu.memory_space<hbm>>
    tpu.enqueue_indirect_dma source(%dma_start3A_251 : memref<16384x64xf32, #tpu.memory_space<hbm>>) target(%dma_start3A_245 : memref<128x64xf32, #tpu.memory_space<vmem>>) offsets(%dma_start3A_248 : memref<128xi32, #tpu.memory_space<vmem>>) semaphore(%arg14 : memref<!tpu.dma_semaphore, #tpu.memory_space<semaphore_mem>>)
    %dma_start3A_252 = arith.constant 1 : i32
    %dma_start3A_253 = arith.constant 128 : i32
    %dma_start3A_254 = arith.constant 0 : i32
    %dma_start3A_255 = tpu.memref_slice %arg12[%dma_start3A_253, %dma_start3A_254] : memref<640x64xf32, #tpu.memory_space<vmem>> -> memref<128x64xf32, #tpu.memory_space<vmem>>
    %dma_start3A_256 = arith.constant 0 : i32
    %dma_start3A_257 = tpu.memref_slice %arg8[%dma_start3A_252, %dma_start3A_256] : memref<5x128xi32, #tpu.memory_space<vmem>> -> memref<1x128xi32, #tpu.memory_space<vmem>>
    %dma_start3A_258 = tpu.memref_squeeze %dma_start3A_257 : memref<1x128xi32, #tpu.memory_space<vmem>> -> memref<128xi32, #tpu.memory_space<vmem>>
    %dma_start3A_259 = arith.constant 0 : i32
    %dma_start3A_260 = arith.constant 0 : i32
    %dma_start3A_261 = tpu.memref_slice %arg3[%dma_start3A_259, %dma_start3A_260] : memref<16384x64xf32, #tpu.memory_space<hbm>> -> memref<16384x64xf32, #tpu.memory_space<hbm>>
    tpu.enqueue_indirect_dma source(%dma_start3A_261 : memref<16384x64xf32, #tpu.memory_space<hbm>>) target(%dma_start3A_255 : memref<128x64xf32, #tpu.memory_space<vmem>>) offsets(%dma_start3A_258 : memref<128xi32, #tpu.memory_space<vmem>>) semaphore(%arg14 : memref<!tpu.dma_semaphore, #tpu.memory_space<semaphore_mem>>)
    %dma_start3A_262 = arith.constant 2 : i32
    %dma_start3A_263 = arith.constant 256 : i32
    %dma_start3A_264 = arith.constant 0 : i32
    %dma_start3A_265 = tpu.memref_slice %arg12[%dma_start3A_263, %dma_start3A_264] : memref<640x64xf32, #tpu.memory_space<vmem>> -> memref<128x64xf32, #tpu.memory_space<vmem>>
    %dma_start3A_266 = arith.constant 0 : i32
    %dma_start3A_267 = tpu.memref_slice %arg8[%dma_start3A_262, %dma_start3A_266] : memref<5x128xi32, #tpu.memory_space<vmem>> -> memref<1x128xi32, #tpu.memory_space<vmem>>
    %dma_start3A_268 = tpu.memref_squeeze %dma_start3A_267 : memref<1x128xi32, #tpu.memory_space<vmem>> -> memref<128xi32, #tpu.memory_space<vmem>>
    %dma_start3A_269 = arith.constant 0 : i32
    %dma_start3A_270 = arith.constant 0 : i32
    %dma_start3A_271 = tpu.memref_slice %arg3[%dma_start3A_269, %dma_start3A_270] : memref<16384x64xf32, #tpu.memory_space<hbm>> -> memref<16384x64xf32, #tpu.memory_space<hbm>>
    tpu.enqueue_indirect_dma source(%dma_start3A_271 : memref<16384x64xf32, #tpu.memory_space<hbm>>) target(%dma_start3A_265 : memref<128x64xf32, #tpu.memory_space<vmem>>) offsets(%dma_start3A_268 : memref<128xi32, #tpu.memory_space<vmem>>) semaphore(%arg14 : memref<!tpu.dma_semaphore, #tpu.memory_space<semaphore_mem>>)
    %dma_start3A_272 = arith.constant 3 : i32
    %dma_start3A_273 = arith.constant 384 : i32
    %dma_start3A_274 = arith.constant 0 : i32
    %dma_start3A_275 = tpu.memref_slice %arg12[%dma_start3A_273, %dma_start3A_274] : memref<640x64xf32, #tpu.memory_space<vmem>> -> memref<128x64xf32, #tpu.memory_space<vmem>>
    %dma_start3A_276 = arith.constant 0 : i32
    %dma_start3A_277 = tpu.memref_slice %arg8[%dma_start3A_272, %dma_start3A_276] : memref<5x128xi32, #tpu.memory_space<vmem>> -> memref<1x128xi32, #tpu.memory_space<vmem>>
    %dma_start3A_278 = tpu.memref_squeeze %dma_start3A_277 : memref<1x128xi32, #tpu.memory_space<vmem>> -> memref<128xi32, #tpu.memory_space<vmem>>
    %dma_start3A_279 = arith.constant 0 : i32
    %dma_start3A_280 = arith.constant 0 : i32
    %dma_start3A_281 = tpu.memref_slice %arg3[%dma_start3A_279, %dma_start3A_280] : memref<16384x64xf32, #tpu.memory_space<hbm>> -> memref<16384x64xf32, #tpu.memory_space<hbm>>
    tpu.enqueue_indirect_dma source(%dma_start3A_281 : memref<16384x64xf32, #tpu.memory_space<hbm>>) target(%dma_start3A_275 : memref<128x64xf32, #tpu.memory_space<vmem>>) offsets(%dma_start3A_278 : memref<128xi32, #tpu.memory_space<vmem>>) semaphore(%arg14 : memref<!tpu.dma_semaphore, #tpu.memory_space<semaphore_mem>>)
    %dma_start3A_282 = arith.constant 4 : i32
    %dma_start3A_283 = arith.constant 512 : i32
    %dma_start3A_284 = arith.constant 0 : i32
    %dma_start3A_285 = tpu.memref_slice %arg12[%dma_start3A_283, %dma_start3A_284] : memref<640x64xf32, #tpu.memory_space<vmem>> -> memref<128x64xf32, #tpu.memory_space<vmem>>
    %dma_start3A_286 = arith.constant 0 : i32
    %dma_start3A_287 = tpu.memref_slice %arg8[%dma_start3A_282, %dma_start3A_286] : memref<5x128xi32, #tpu.memory_space<vmem>> -> memref<1x128xi32, #tpu.memory_space<vmem>>
    %dma_start3A_288 = tpu.memref_squeeze %dma_start3A_287 : memref<1x128xi32, #tpu.memory_space<vmem>> -> memref<128xi32, #tpu.memory_space<vmem>>
    %dma_start3A_289 = arith.constant 0 : i32
    %dma_start3A_290 = arith.constant 0 : i32
    %dma_start3A_291 = tpu.memref_slice %arg3[%dma_start3A_289, %dma_start3A_290] : memref<16384x64xf32, #tpu.memory_space<hbm>> -> memref<16384x64xf32, #tpu.memory_space<hbm>>
    tpu.enqueue_indirect_dma source(%dma_start3A_291 : memref<16384x64xf32, #tpu.memory_space<hbm>>) target(%dma_start3A_285 : memref<128x64xf32, #tpu.memory_space<vmem>>) offsets(%dma_start3A_288 : memref<128xi32, #tpu.memory_space<vmem>>) semaphore(%arg14 : memref<!tpu.dma_semaphore, #tpu.memory_space<semaphore_mem>>)
    %dma_wait3A_292 = arith.constant 0 : i32
    %dma_wait3A_293 = arith.constant 0 : i32
    %dma_wait3A_294 = arith.constant 0 : i32
    %dma_wait3A_295 = tpu.memref_slice %arg12[%dma_wait3A_293, %dma_wait3A_294] : memref<640x64xf32, #tpu.memory_space<vmem>> -> memref<128x64xf32, #tpu.memory_space<vmem>>
    %dma_wait3A_296 = arith.constant 0 : i32
    %dma_wait3A_297 = tpu.memref_slice %arg8[%dma_wait3A_292, %dma_wait3A_296] : memref<5x128xi32, #tpu.memory_space<vmem>> -> memref<1x128xi32, #tpu.memory_space<vmem>>
    %dma_wait3A_298 = tpu.memref_squeeze %dma_wait3A_297 : memref<1x128xi32, #tpu.memory_space<vmem>> -> memref<128xi32, #tpu.memory_space<vmem>>
    %dma_wait3A_299 = arith.constant 0 : i32
    %dma_wait3A_300 = arith.constant 0 : i32
    %dma_wait3A_301 = tpu.memref_slice %arg3[%dma_wait3A_299, %dma_wait3A_300] : memref<16384x64xf32, #tpu.memory_space<hbm>> -> memref<16384x64xf32, #tpu.memory_space<hbm>>
    tpu.wait_indirect_dma semaphore(%arg14 : memref<!tpu.dma_semaphore, #tpu.memory_space<semaphore_mem>>) src(%dma_wait3A_301 : memref<16384x64xf32, #tpu.memory_space<hbm>>) dst(%dma_wait3A_295 : memref<128x64xf32, #tpu.memory_space<vmem>>)
    %dma_wait3A_302 = arith.constant 1 : i32
    %dma_wait3A_303 = arith.constant 128 : i32
    %dma_wait3A_304 = arith.constant 0 : i32
    %dma_wait3A_305 = tpu.memref_slice %arg12[%dma_wait3A_303, %dma_wait3A_304] : memref<640x64xf32, #tpu.memory_space<vmem>> -> memref<128x64xf32, #tpu.memory_space<vmem>>
    %dma_wait3A_306 = arith.constant 0 : i32
    %dma_wait3A_307 = tpu.memref_slice %arg8[%dma_wait3A_302, %dma_wait3A_306] : memref<5x128xi32, #tpu.memory_space<vmem>> -> memref<1x128xi32, #tpu.memory_space<vmem>>
    %dma_wait3A_308 = tpu.memref_squeeze %dma_wait3A_307 : memref<1x128xi32, #tpu.memory_space<vmem>> -> memref<128xi32, #tpu.memory_space<vmem>>
    %dma_wait3A_309 = arith.constant 0 : i32
    %dma_wait3A_310 = arith.constant 0 : i32
    %dma_wait3A_311 = tpu.memref_slice %arg3[%dma_wait3A_309, %dma_wait3A_310] : memref<16384x64xf32, #tpu.memory_space<hbm>> -> memref<16384x64xf32, #tpu.memory_space<hbm>>
    tpu.wait_indirect_dma semaphore(%arg14 : memref<!tpu.dma_semaphore, #tpu.memory_space<semaphore_mem>>) src(%dma_wait3A_311 : memref<16384x64xf32, #tpu.memory_space<hbm>>) dst(%dma_wait3A_305 : memref<128x64xf32, #tpu.memory_space<vmem>>)
    %dma_wait3A_312 = arith.constant 2 : i32
    %dma_wait3A_313 = arith.constant 256 : i32
    %dma_wait3A_314 = arith.constant 0 : i32
    %dma_wait3A_315 = tpu.memref_slice %arg12[%dma_wait3A_313, %dma_wait3A_314] : memref<640x64xf32, #tpu.memory_space<vmem>> -> memref<128x64xf32, #tpu.memory_space<vmem>>
    %dma_wait3A_316 = arith.constant 0 : i32
    %dma_wait3A_317 = tpu.memref_slice %arg8[%dma_wait3A_312, %dma_wait3A_316] : memref<5x128xi32, #tpu.memory_space<vmem>> -> memref<1x128xi32, #tpu.memory_space<vmem>>
    %dma_wait3A_318 = tpu.memref_squeeze %dma_wait3A_317 : memref<1x128xi32, #tpu.memory_space<vmem>> -> memref<128xi32, #tpu.memory_space<vmem>>
    %dma_wait3A_319 = arith.constant 0 : i32
    %dma_wait3A_320 = arith.constant 0 : i32
    %dma_wait3A_321 = tpu.memref_slice %arg3[%dma_wait3A_319, %dma_wait3A_320] : memref<16384x64xf32, #tpu.memory_space<hbm>> -> memref<16384x64xf32, #tpu.memory_space<hbm>>
    tpu.wait_indirect_dma semaphore(%arg14 : memref<!tpu.dma_semaphore, #tpu.memory_space<semaphore_mem>>) src(%dma_wait3A_321 : memref<16384x64xf32, #tpu.memory_space<hbm>>) dst(%dma_wait3A_315 : memref<128x64xf32, #tpu.memory_space<vmem>>)
    %dma_wait3A_322 = arith.constant 3 : i32
    %dma_wait3A_323 = arith.constant 384 : i32
    %dma_wait3A_324 = arith.constant 0 : i32
    %dma_wait3A_325 = tpu.memref_slice %arg12[%dma_wait3A_323, %dma_wait3A_324] : memref<640x64xf32, #tpu.memory_space<vmem>> -> memref<128x64xf32, #tpu.memory_space<vmem>>
    %dma_wait3A_326 = arith.constant 0 : i32
    %dma_wait3A_327 = tpu.memref_slice %arg8[%dma_wait3A_322, %dma_wait3A_326] : memref<5x128xi32, #tpu.memory_space<vmem>> -> memref<1x128xi32, #tpu.memory_space<vmem>>
    %dma_wait3A_328 = tpu.memref_squeeze %dma_wait3A_327 : memref<1x128xi32, #tpu.memory_space<vmem>> -> memref<128xi32, #tpu.memory_space<vmem>>
    %dma_wait3A_329 = arith.constant 0 : i32
    %dma_wait3A_330 = arith.constant 0 : i32
    %dma_wait3A_331 = tpu.memref_slice %arg3[%dma_wait3A_329, %dma_wait3A_330] : memref<16384x64xf32, #tpu.memory_space<hbm>> -> memref<16384x64xf32, #tpu.memory_space<hbm>>
    tpu.wait_indirect_dma semaphore(%arg14 : memref<!tpu.dma_semaphore, #tpu.memory_space<semaphore_mem>>) src(%dma_wait3A_331 : memref<16384x64xf32, #tpu.memory_space<hbm>>) dst(%dma_wait3A_325 : memref<128x64xf32, #tpu.memory_space<vmem>>)
    %dma_wait3A_332 = arith.constant 4 : i32
    %dma_wait3A_333 = arith.constant 512 : i32
    %dma_wait3A_334 = arith.constant 0 : i32
    %dma_wait3A_335 = tpu.memref_slice %arg12[%dma_wait3A_333, %dma_wait3A_334] : memref<640x64xf32, #tpu.memory_space<vmem>> -> memref<128x64xf32, #tpu.memory_space<vmem>>
    %dma_wait3A_336 = arith.constant 0 : i32
    %dma_wait3A_337 = tpu.memref_slice %arg8[%dma_wait3A_332, %dma_wait3A_336] : memref<5x128xi32, #tpu.memory_space<vmem>> -> memref<1x128xi32, #tpu.memory_space<vmem>>
    %dma_wait3A_338 = tpu.memref_squeeze %dma_wait3A_337 : memref<1x128xi32, #tpu.memory_space<vmem>> -> memref<128xi32, #tpu.memory_space<vmem>>
    %dma_wait3A_339 = arith.constant 0 : i32
    %dma_wait3A_340 = arith.constant 0 : i32
    %dma_wait3A_341 = tpu.memref_slice %arg3[%dma_wait3A_339, %dma_wait3A_340] : memref<16384x64xf32, #tpu.memory_space<hbm>> -> memref<16384x64xf32, #tpu.memory_space<hbm>>
    tpu.wait_indirect_dma semaphore(%arg14 : memref<!tpu.dma_semaphore, #tpu.memory_space<semaphore_mem>>) src(%dma_wait3A_341 : memref<16384x64xf32, #tpu.memory_space<hbm>>) dst(%dma_wait3A_335 : memref<128x64xf32, #tpu.memory_space<vmem>>)
    %dma_start3A_342 = arith.constant 0 : i32
    %dma_start3A_343 = tpu.memref_slice %arg4[%add3A_235, %dma_start3A_342] : memref<204800x64xf32, #tpu.memory_space<hbm>> -> memref<640x64xf32, #tpu.memory_space<hbm>>
    %dma_start3A_344 = arith.constant 0 : i32
    %dma_start3A_345 = tpu.memref_slice %arg4[%add3A_235, %dma_start3A_344] : memref<204800x64xf32, #tpu.memory_space<hbm>> -> memref<640x64xf32, #tpu.memory_space<hbm>>
    tpu.enqueue_dma source(%arg12 : memref<640x64xf32, #tpu.memory_space<vmem>>) target(%dma_start3A_345 : memref<640x64xf32, #tpu.memory_space<hbm>>) target_semaphore(%arg15 : memref<!tpu.dma_semaphore, #tpu.memory_space<semaphore_mem>>)
    %dma_start3A_346 = tpu.memref_slice %arg5[%add3A_235] : memref<204800xf32, #tpu.memory_space<hbm>> -> memref<640xf32, #tpu.memory_space<hbm>>
    %dma_start3A_347 = tpu.memref_slice %arg5[%add3A_235] : memref<204800xf32, #tpu.memory_space<hbm>> -> memref<640xf32, #tpu.memory_space<hbm>>
    tpu.enqueue_dma source(%arg10 : memref<640xf32, #tpu.memory_space<vmem>>) target(%dma_start3A_347 : memref<640xf32, #tpu.memory_space<hbm>>) target_semaphore(%arg15 : memref<!tpu.dma_semaphore, #tpu.memory_space<semaphore_mem>>)
    %dma_wait3A_348 = arith.constant 0 : i32
    %dma_wait3A_349 = tpu.memref_slice %arg4[%add3A_115, %dma_wait3A_348] : memref<204800x64xf32, #tpu.memory_space<hbm>> -> memref<640x64xf32, #tpu.memory_space<hbm>>
    %dma_wait3A_350 = arith.constant 0 : i32
    %dma_wait3A_351 = tpu.memref_slice %arg4[%add3A_115, %dma_wait3A_350] : memref<204800x64xf32, #tpu.memory_space<hbm>> -> memref<640x64xf32, #tpu.memory_space<hbm>>
    tpu.wait_dma2 semaphore(%arg15 : memref<!tpu.dma_semaphore, #tpu.memory_space<semaphore_mem>>) src(%arg13 : memref<640x64xf32, #tpu.memory_space<vmem>>) dst(%dma_wait3A_351 : memref<640x64xf32, #tpu.memory_space<hbm>>)
    %dma_wait3A_352 = tpu.memref_slice %arg5[%add3A_115] : memref<204800xf32, #tpu.memory_space<hbm>> -> memref<640xf32, #tpu.memory_space<hbm>>
    %dma_wait3A_353 = tpu.memref_slice %arg5[%add3A_115] : memref<204800xf32, #tpu.memory_space<hbm>> -> memref<640xf32, #tpu.memory_space<hbm>>
    tpu.wait_dma2 semaphore(%arg15 : memref<!tpu.dma_semaphore, #tpu.memory_space<semaphore_mem>>) src(%arg11 : memref<640xf32, #tpu.memory_space<vmem>>) dst(%dma_wait3A_353 : memref<640xf32, #tpu.memory_space<hbm>>)
    %add3A_354 = arith.constant 1920 : i32
    %add3A_355 = arith.addi %mul3A_2, %add3A_354 : i32
    "tpu.region"() ({
      %run_scoped3A = tpu.sem_alloc : memref<!tpu.dma_semaphore, #tpu.memory_space<semaphore_mem>>
      %dma_start3A_1200 = tpu.memref_slice %arg2[%add3A_355] : memref<204800xi32, #tpu.memory_space<hbm>> -> memref<640xi32, #tpu.memory_space<hbm>>
      %dma_start3A_1201 = tpu.memref_slice %arg2[%add3A_355] : memref<204800xi32, #tpu.memory_space<hbm>> -> memref<640xi32, #tpu.memory_space<hbm>>
      tpu.enqueue_dma source(%dma_start3A_1201 : memref<640xi32, #tpu.memory_space<hbm>>) target(%arg7 : memref<640xi32, #tpu.memory_space<vmem>>) target_semaphore(%run_scoped3A : memref<!tpu.dma_semaphore, #tpu.memory_space<semaphore_mem>>)
      %dma_wait3A_1202 = tpu.memref_slice %arg2[%add3A_355] : memref<204800xi32, #tpu.memory_space<hbm>> -> memref<640xi32, #tpu.memory_space<hbm>>
      %dma_wait3A_1203 = tpu.memref_slice %arg2[%add3A_355] : memref<204800xi32, #tpu.memory_space<hbm>> -> memref<640xi32, #tpu.memory_space<hbm>>
      tpu.wait_dma2 semaphore(%run_scoped3A : memref<!tpu.dma_semaphore, #tpu.memory_space<semaphore_mem>>) src(%dma_wait3A_1203 : memref<640xi32, #tpu.memory_space<hbm>>) dst(%arg7 : memref<640xi32, #tpu.memory_space<vmem>>)
      tpu.yield
    }) : () -> ()
    %scan3A_356 = arith.constant 0 : i32
    %scan3A_357 = arith.constant 0 : i32
    %scan3A_358 = arith.constant 40 : i32
    %scan3A_359 = arith.addi %scan3A_357, %scan3A_358 : i32
    %scan3A_360 = arith.constant 1 : i32
    scf.for %scan3A_1200 = %scan3A_357 to %scan3A_359 step %scan3A_360  : i32 {
      %jit3A = arith.constant 8 : i32
      %div3A = arith.divsi %scan3A_1200, %jit3A : i32
      %sign3A = arith.constant 0 : i32
      %sign3A_1201 = arith.cmpi sgt, %scan3A_1200, %sign3A : i32
      %sign3A_1202 = arith.extui %sign3A_1201 : i1 to i32
      %sign3A_1203 = arith.constant 0 : i32
      %sign3A_1204 = arith.cmpi slt, %scan3A_1200, %sign3A_1203 : i32
      %sign3A_1205 = arith.extui %sign3A_1204 : i1 to i32
      %sign3A_1206 = arith.subi %sign3A_1202, %sign3A_1205 : i32
      %sign3A_1207 = arith.constant 0 : i32
      %sign3A_1208 = arith.cmpi sgt, %jit3A, %sign3A_1207 : i32
      %sign3A_1209 = arith.extui %sign3A_1208 : i1 to i32
      %sign3A_1210 = arith.constant 0 : i32
      %sign3A_1211 = arith.cmpi slt, %jit3A, %sign3A_1210 : i32
      %sign3A_1212 = arith.extui %sign3A_1211 : i1 to i32
      %sign3A_1213 = arith.subi %sign3A_1209, %sign3A_1212 : i32
      %ne3A = arith.cmpi ne, %sign3A_1206, %sign3A_1213 : i32
      %rem3A = arith.remsi %scan3A_1200, %jit3A : i32
      %ne3A_1214 = arith.constant 0 : i32
      %ne3A_1215 = arith.cmpi ne, %rem3A, %ne3A_1214 : i32
      %and3A = arith.andi %ne3A, %ne3A_1215 : i1
      %sub3A = arith.constant 1 : i32
      %sub3A_1216 = arith.subi %div3A, %sub3A : i32
      %select_n3A = arith.select %and3A, %sub3A_1216, %div3A : i32
      %jit3A_1217 = arith.constant 8 : i32
      %eq3A = arith.constant 0 : i32
      %eq3A_1218 = arith.cmpi eq, %jit3A_1217, %eq3A : i32
      %jit3A_1219 = arith.constant 1 : i32
      %select_n3A_1220 = arith.select %eq3A_1218, %jit3A_1219, %jit3A_1217 : i32
      %rem3A_1221 = arith.remsi %scan3A_1200, %select_n3A_1220 : i32
      %ne3A_1222 = arith.constant 0 : i32
      %ne3A_1223 = arith.cmpi ne, %rem3A_1221, %ne3A_1222 : i32
      %lt3A = arith.constant 0 : i32
      %lt3A_1224 = arith.cmpi slt, %rem3A_1221, %lt3A : i32
      %lt3A_1225 = arith.constant 0 : i32
      %lt3A_1226 = arith.cmpi slt, %select_n3A_1220, %lt3A_1225 : i32
      %ne3A_1227 = arith.xori %lt3A_1224, %lt3A_1226 : i1
      %and3A_1228 = arith.andi %ne3A_1227, %ne3A_1223 : i1
      %add3A_1229 = arith.addi %rem3A_1221, %select_n3A_1220 : i32
      %select_n3A_1230 = arith.select %and3A_1228, %add3A_1229, %rem3A_1221 : i32
      %mul3A_1231 = arith.constant 128 : i32
      %mul3A_1232 = arith.muli %select_n3A, %mul3A_1231 : i32
      %mul3A_1233 = arith.constant 16 : i32
      %mul3A_1234 = arith.muli %select_n3A_1230, %mul3A_1233 : i32
      %add3A_1235 = arith.addi %mul3A_1232, %mul3A_1234 : i32
      %get3A = arith.index_cast %add3A_1235 : i32 to index
      %get3A_1236 = tpu.vector_load %arg7[%get3A] {strides = array<i32>} : memref<640xi32, #tpu.memory_space<vmem>>, vector<16xi32>,
      %get3A_1237 = vector.shape_cast %get3A_1236 : vector<16xi32> to vector<16xi32>
      %and3A_1238 = arith.constant 16383 : i32
      %and3A_1239 = vector.broadcast %and3A_1238 : i32 to vector<16xi32>
      %and3A_1240 = arith.andi %get3A_1237, %and3A_1239 : vector<16xi32>
      %mul3A_1241 = arith.constant 16 : i32
      %mul3A_1242 = arith.muli %select_n3A_1230, %mul3A_1241 : i32
      %swap3A = arith.index_cast %select_n3A : i32 to index
      %swap3A_1243 = arith.index_cast %mul3A_1242 : i32 to index
      %swap3A_1244 = tpu.vector_load %arg9[%swap3A, %swap3A_1243] {strides = array<i32>} : memref<5x128xi32, #tpu.memory_space<vmem>>, vector<1x16xi32>,
      %swap3A_1245 = vector.shape_cast %swap3A_1244 : vector<1x16xi32> to vector<16xi32>
      %swap3A_1246 = vector.shape_cast %and3A_1240 : vector<16xi32> to vector<1x16xi32>
      tpu.vector_store %arg9[%swap3A, %swap3A_1243], %swap3A_1246 {strides = array<i32>} : memref<5x128xi32, #tpu.memory_space<vmem>>, vector<1x16xi32>,
      %and3A_1247 = arith.constant 49152 : i32
      %and3A_1248 = vector.broadcast %and3A_1247 : i32 to vector<16xi32>
      %and3A_1249 = arith.andi %get3A_1237, %and3A_1248 : vector<16xi32>
      %eq3A_1250 = arith.constant 0 : i32
      %eq3A_1251 = vector.broadcast %eq3A_1250 : i32 to vector<16xi32>
      %eq3A_1252 = arith.cmpi eq, %and3A_1249, %eq3A_1251 : vector<16xi32>
      %jit3A_1253 = arith.constant 1.000000e+00 : f32
      %jit3A_1254 = arith.constant 0.000000e+00 : f32
      %broadcast_in_dim3A = vector.broadcast %jit3A_1253 : f32 to vector<16xf32>
      %broadcast_in_dim3A_1255 = vector.broadcast %jit3A_1254 : f32 to vector<16xf32>
      %select_n3A_1256 = arith.select %eq3A_1252, %broadcast_in_dim3A, %broadcast_in_dim3A_1255 : vector<16xi1>, vector<16xf32>
      %mul3A_1257 = arith.constant 128 : i32
      %mul3A_1258 = arith.muli %select_n3A, %mul3A_1257 : i32
      %mul3A_1259 = arith.constant 16 : i32
      %mul3A_1260 = arith.muli %select_n3A_1230, %mul3A_1259 : i32
      %add3A_1261 = arith.addi %mul3A_1258, %mul3A_1260 : i32
      %swap3A_1262 = arith.index_cast %add3A_1261 : i32 to index
      %swap3A_1263 = tpu.vector_load %arg11[%swap3A_1262] {strides = array<i32>} : memref<640xf32, #tpu.memory_space<vmem>>, vector<16xf32>,
      %swap3A_1264 = vector.shape_cast %swap3A_1263 : vector<16xf32> to vector<16xf32>
      %swap3A_1265 = vector.shape_cast %select_n3A_1256 : vector<16xf32> to vector<16xf32>
      tpu.vector_store %arg11[%swap3A_1262], %swap3A_1265 {strides = array<i32>} : memref<640xf32, #tpu.memory_space<vmem>>, vector<16xf32>,
    }
    %scan3A_361 = arith.constant 40 : i32
    %dma_start3A_362 = arith.constant 0 : i32
    %dma_start3A_363 = arith.constant 0 : i32
    %dma_start3A_364 = arith.constant 0 : i32
    %dma_start3A_365 = tpu.memref_slice %arg13[%dma_start3A_363, %dma_start3A_364] : memref<640x64xf32, #tpu.memory_space<vmem>> -> memref<128x64xf32, #tpu.memory_space<vmem>>
    %dma_start3A_366 = arith.constant 0 : i32
    %dma_start3A_367 = tpu.memref_slice %arg9[%dma_start3A_362, %dma_start3A_366] : memref<5x128xi32, #tpu.memory_space<vmem>> -> memref<1x128xi32, #tpu.memory_space<vmem>>
    %dma_start3A_368 = tpu.memref_squeeze %dma_start3A_367 : memref<1x128xi32, #tpu.memory_space<vmem>> -> memref<128xi32, #tpu.memory_space<vmem>>
    %dma_start3A_369 = arith.constant 0 : i32
    %dma_start3A_370 = arith.constant 0 : i32
    %dma_start3A_371 = tpu.memref_slice %arg3[%dma_start3A_369, %dma_start3A_370] : memref<16384x64xf32, #tpu.memory_space<hbm>> -> memref<16384x64xf32, #tpu.memory_space<hbm>>
    tpu.enqueue_indirect_dma source(%dma_start3A_371 : memref<16384x64xf32, #tpu.memory_space<hbm>>) target(%dma_start3A_365 : memref<128x64xf32, #tpu.memory_space<vmem>>) offsets(%dma_start3A_368 : memref<128xi32, #tpu.memory_space<vmem>>) semaphore(%arg14 : memref<!tpu.dma_semaphore, #tpu.memory_space<semaphore_mem>>)
    %dma_start3A_372 = arith.constant 1 : i32
    %dma_start3A_373 = arith.constant 128 : i32
    %dma_start3A_374 = arith.constant 0 : i32
    %dma_start3A_375 = tpu.memref_slice %arg13[%dma_start3A_373, %dma_start3A_374] : memref<640x64xf32, #tpu.memory_space<vmem>> -> memref<128x64xf32, #tpu.memory_space<vmem>>
    %dma_start3A_376 = arith.constant 0 : i32
    %dma_start3A_377 = tpu.memref_slice %arg9[%dma_start3A_372, %dma_start3A_376] : memref<5x128xi32, #tpu.memory_space<vmem>> -> memref<1x128xi32, #tpu.memory_space<vmem>>
    %dma_start3A_378 = tpu.memref_squeeze %dma_start3A_377 : memref<1x128xi32, #tpu.memory_space<vmem>> -> memref<128xi32, #tpu.memory_space<vmem>>
    %dma_start3A_379 = arith.constant 0 : i32
    %dma_start3A_380 = arith.constant 0 : i32
    %dma_start3A_381 = tpu.memref_slice %arg3[%dma_start3A_379, %dma_start3A_380] : memref<16384x64xf32, #tpu.memory_space<hbm>> -> memref<16384x64xf32, #tpu.memory_space<hbm>>
    tpu.enqueue_indirect_dma source(%dma_start3A_381 : memref<16384x64xf32, #tpu.memory_space<hbm>>) target(%dma_start3A_375 : memref<128x64xf32, #tpu.memory_space<vmem>>) offsets(%dma_start3A_378 : memref<128xi32, #tpu.memory_space<vmem>>) semaphore(%arg14 : memref<!tpu.dma_semaphore, #tpu.memory_space<semaphore_mem>>)
    %dma_start3A_382 = arith.constant 2 : i32
    %dma_start3A_383 = arith.constant 256 : i32
    %dma_start3A_384 = arith.constant 0 : i32
    %dma_start3A_385 = tpu.memref_slice %arg13[%dma_start3A_383, %dma_start3A_384] : memref<640x64xf32, #tpu.memory_space<vmem>> -> memref<128x64xf32, #tpu.memory_space<vmem>>
    %dma_start3A_386 = arith.constant 0 : i32
    %dma_start3A_387 = tpu.memref_slice %arg9[%dma_start3A_382, %dma_start3A_386] : memref<5x128xi32, #tpu.memory_space<vmem>> -> memref<1x128xi32, #tpu.memory_space<vmem>>
    %dma_start3A_388 = tpu.memref_squeeze %dma_start3A_387 : memref<1x128xi32, #tpu.memory_space<vmem>> -> memref<128xi32, #tpu.memory_space<vmem>>
    %dma_start3A_389 = arith.constant 0 : i32
    %dma_start3A_390 = arith.constant 0 : i32
    %dma_start3A_391 = tpu.memref_slice %arg3[%dma_start3A_389, %dma_start3A_390] : memref<16384x64xf32, #tpu.memory_space<hbm>> -> memref<16384x64xf32, #tpu.memory_space<hbm>>
    tpu.enqueue_indirect_dma source(%dma_start3A_391 : memref<16384x64xf32, #tpu.memory_space<hbm>>) target(%dma_start3A_385 : memref<128x64xf32, #tpu.memory_space<vmem>>) offsets(%dma_start3A_388 : memref<128xi32, #tpu.memory_space<vmem>>) semaphore(%arg14 : memref<!tpu.dma_semaphore, #tpu.memory_space<semaphore_mem>>)
    %dma_start3A_392 = arith.constant 3 : i32
    %dma_start3A_393 = arith.constant 384 : i32
    %dma_start3A_394 = arith.constant 0 : i32
    %dma_start3A_395 = tpu.memref_slice %arg13[%dma_start3A_393, %dma_start3A_394] : memref<640x64xf32, #tpu.memory_space<vmem>> -> memref<128x64xf32, #tpu.memory_space<vmem>>
    %dma_start3A_396 = arith.constant 0 : i32
    %dma_start3A_397 = tpu.memref_slice %arg9[%dma_start3A_392, %dma_start3A_396] : memref<5x128xi32, #tpu.memory_space<vmem>> -> memref<1x128xi32, #tpu.memory_space<vmem>>
    %dma_start3A_398 = tpu.memref_squeeze %dma_start3A_397 : memref<1x128xi32, #tpu.memory_space<vmem>> -> memref<128xi32, #tpu.memory_space<vmem>>
    %dma_start3A_399 = arith.constant 0 : i32
    %dma_start3A_400 = arith.constant 0 : i32
    %dma_start3A_401 = tpu.memref_slice %arg3[%dma_start3A_399, %dma_start3A_400] : memref<16384x64xf32, #tpu.memory_space<hbm>> -> memref<16384x64xf32, #tpu.memory_space<hbm>>
    tpu.enqueue_indirect_dma source(%dma_start3A_401 : memref<16384x64xf32, #tpu.memory_space<hbm>>) target(%dma_start3A_395 : memref<128x64xf32, #tpu.memory_space<vmem>>) offsets(%dma_start3A_398 : memref<128xi32, #tpu.memory_space<vmem>>) semaphore(%arg14 : memref<!tpu.dma_semaphore, #tpu.memory_space<semaphore_mem>>)
    %dma_start3A_402 = arith.constant 4 : i32
    %dma_start3A_403 = arith.constant 512 : i32
    %dma_start3A_404 = arith.constant 0 : i32
    %dma_start3A_405 = tpu.memref_slice %arg13[%dma_start3A_403, %dma_start3A_404] : memref<640x64xf32, #tpu.memory_space<vmem>> -> memref<128x64xf32, #tpu.memory_space<vmem>>
    %dma_start3A_406 = arith.constant 0 : i32
    %dma_start3A_407 = tpu.memref_slice %arg9[%dma_start3A_402, %dma_start3A_406] : memref<5x128xi32, #tpu.memory_space<vmem>> -> memref<1x128xi32, #tpu.memory_space<vmem>>
    %dma_start3A_408 = tpu.memref_squeeze %dma_start3A_407 : memref<1x128xi32, #tpu.memory_space<vmem>> -> memref<128xi32, #tpu.memory_space<vmem>>
    %dma_start3A_409 = arith.constant 0 : i32
    %dma_start3A_410 = arith.constant 0 : i32
    %dma_start3A_411 = tpu.memref_slice %arg3[%dma_start3A_409, %dma_start3A_410] : memref<16384x64xf32, #tpu.memory_space<hbm>> -> memref<16384x64xf32, #tpu.memory_space<hbm>>
    tpu.enqueue_indirect_dma source(%dma_start3A_411 : memref<16384x64xf32, #tpu.memory_space<hbm>>) target(%dma_start3A_405 : memref<128x64xf32, #tpu.memory_space<vmem>>) offsets(%dma_start3A_408 : memref<128xi32, #tpu.memory_space<vmem>>) semaphore(%arg14 : memref<!tpu.dma_semaphore, #tpu.memory_space<semaphore_mem>>)
    %dma_wait3A_412 = arith.constant 0 : i32
    %dma_wait3A_413 = arith.constant 0 : i32
    %dma_wait3A_414 = arith.constant 0 : i32
    %dma_wait3A_415 = tpu.memref_slice %arg13[%dma_wait3A_413, %dma_wait3A_414] : memref<640x64xf32, #tpu.memory_space<vmem>> -> memref<128x64xf32, #tpu.memory_space<vmem>>
    %dma_wait3A_416 = arith.constant 0 : i32
    %dma_wait3A_417 = tpu.memref_slice %arg9[%dma_wait3A_412, %dma_wait3A_416] : memref<5x128xi32, #tpu.memory_space<vmem>> -> memref<1x128xi32, #tpu.memory_space<vmem>>
    %dma_wait3A_418 = tpu.memref_squeeze %dma_wait3A_417 : memref<1x128xi32, #tpu.memory_space<vmem>> -> memref<128xi32, #tpu.memory_space<vmem>>
    %dma_wait3A_419 = arith.constant 0 : i32
    %dma_wait3A_420 = arith.constant 0 : i32
    %dma_wait3A_421 = tpu.memref_slice %arg3[%dma_wait3A_419, %dma_wait3A_420] : memref<16384x64xf32, #tpu.memory_space<hbm>> -> memref<16384x64xf32, #tpu.memory_space<hbm>>
    tpu.wait_indirect_dma semaphore(%arg14 : memref<!tpu.dma_semaphore, #tpu.memory_space<semaphore_mem>>) src(%dma_wait3A_421 : memref<16384x64xf32, #tpu.memory_space<hbm>>) dst(%dma_wait3A_415 : memref<128x64xf32, #tpu.memory_space<vmem>>)
    %dma_wait3A_422 = arith.constant 1 : i32
    %dma_wait3A_423 = arith.constant 128 : i32
    %dma_wait3A_424 = arith.constant 0 : i32
    %dma_wait3A_425 = tpu.memref_slice %arg13[%dma_wait3A_423, %dma_wait3A_424] : memref<640x64xf32, #tpu.memory_space<vmem>> -> memref<128x64xf32, #tpu.memory_space<vmem>>
    %dma_wait3A_426 = arith.constant 0 : i32
    %dma_wait3A_427 = tpu.memref_slice %arg9[%dma_wait3A_422, %dma_wait3A_426] : memref<5x128xi32, #tpu.memory_space<vmem>> -> memref<1x128xi32, #tpu.memory_space<vmem>>
    %dma_wait3A_428 = tpu.memref_squeeze %dma_wait3A_427 : memref<1x128xi32, #tpu.memory_space<vmem>> -> memref<128xi32, #tpu.memory_space<vmem>>
    %dma_wait3A_429 = arith.constant 0 : i32
    %dma_wait3A_430 = arith.constant 0 : i32
    %dma_wait3A_431 = tpu.memref_slice %arg3[%dma_wait3A_429, %dma_wait3A_430] : memref<16384x64xf32, #tpu.memory_space<hbm>> -> memref<16384x64xf32, #tpu.memory_space<hbm>>
    tpu.wait_indirect_dma semaphore(%arg14 : memref<!tpu.dma_semaphore, #tpu.memory_space<semaphore_mem>>) src(%dma_wait3A_431 : memref<16384x64xf32, #tpu.memory_space<hbm>>) dst(%dma_wait3A_425 : memref<128x64xf32, #tpu.memory_space<vmem>>)
    %dma_wait3A_432 = arith.constant 2 : i32
    %dma_wait3A_433 = arith.constant 256 : i32
    %dma_wait3A_434 = arith.constant 0 : i32
    %dma_wait3A_435 = tpu.memref_slice %arg13[%dma_wait3A_433, %dma_wait3A_434] : memref<640x64xf32, #tpu.memory_space<vmem>> -> memref<128x64xf32, #tpu.memory_space<vmem>>
    %dma_wait3A_436 = arith.constant 0 : i32
    %dma_wait3A_437 = tpu.memref_slice %arg9[%dma_wait3A_432, %dma_wait3A_436] : memref<5x128xi32, #tpu.memory_space<vmem>> -> memref<1x128xi32, #tpu.memory_space<vmem>>
    %dma_wait3A_438 = tpu.memref_squeeze %dma_wait3A_437 : memref<1x128xi32, #tpu.memory_space<vmem>> -> memref<128xi32, #tpu.memory_space<vmem>>
    %dma_wait3A_439 = arith.constant 0 : i32
    %dma_wait3A_440 = arith.constant 0 : i32
    %dma_wait3A_441 = tpu.memref_slice %arg3[%dma_wait3A_439, %dma_wait3A_440] : memref<16384x64xf32, #tpu.memory_space<hbm>> -> memref<16384x64xf32, #tpu.memory_space<hbm>>
    tpu.wait_indirect_dma semaphore(%arg14 : memref<!tpu.dma_semaphore, #tpu.memory_space<semaphore_mem>>) src(%dma_wait3A_441 : memref<16384x64xf32, #tpu.memory_space<hbm>>) dst(%dma_wait3A_435 : memref<128x64xf32, #tpu.memory_space<vmem>>)
    %dma_wait3A_442 = arith.constant 3 : i32
    %dma_wait3A_443 = arith.constant 384 : i32
    %dma_wait3A_444 = arith.constant 0 : i32
    %dma_wait3A_445 = tpu.memref_slice %arg13[%dma_wait3A_443, %dma_wait3A_444] : memref<640x64xf32, #tpu.memory_space<vmem>> -> memref<128x64xf32, #tpu.memory_space<vmem>>
    %dma_wait3A_446 = arith.constant 0 : i32
    %dma_wait3A_447 = tpu.memref_slice %arg9[%dma_wait3A_442, %dma_wait3A_446] : memref<5x128xi32, #tpu.memory_space<vmem>> -> memref<1x128xi32, #tpu.memory_space<vmem>>
    %dma_wait3A_448 = tpu.memref_squeeze %dma_wait3A_447 : memref<1x128xi32, #tpu.memory_space<vmem>> -> memref<128xi32, #tpu.memory_space<vmem>>
    %dma_wait3A_449 = arith.constant 0 : i32
    %dma_wait3A_450 = arith.constant 0 : i32
    %dma_wait3A_451 = tpu.memref_slice %arg3[%dma_wait3A_449, %dma_wait3A_450] : memref<16384x64xf32, #tpu.memory_space<hbm>> -> memref<16384x64xf32, #tpu.memory_space<hbm>>
    tpu.wait_indirect_dma semaphore(%arg14 : memref<!tpu.dma_semaphore, #tpu.memory_space<semaphore_mem>>) src(%dma_wait3A_451 : memref<16384x64xf32, #tpu.memory_space<hbm>>) dst(%dma_wait3A_445 : memref<128x64xf32, #tpu.memory_space<vmem>>)
    %dma_wait3A_452 = arith.constant 4 : i32
    %dma_wait3A_453 = arith.constant 512 : i32
    %dma_wait3A_454 = arith.constant 0 : i32
    %dma_wait3A_455 = tpu.memref_slice %arg13[%dma_wait3A_453, %dma_wait3A_454] : memref<640x64xf32, #tpu.memory_space<vmem>> -> memref<128x64xf32, #tpu.memory_space<vmem>>
    %dma_wait3A_456 = arith.constant 0 : i32
    %dma_wait3A_457 = tpu.memref_slice %arg9[%dma_wait3A_452, %dma_wait3A_456] : memref<5x128xi32, #tpu.memory_space<vmem>> -> memref<1x128xi32, #tpu.memory_space<vmem>>
    %dma_wait3A_458 = tpu.memref_squeeze %dma_wait3A_457 : memref<1x128xi32, #tpu.memory_space<vmem>> -> memref<128xi32, #tpu.memory_space<vmem>>
    %dma_wait3A_459 = arith.constant 0 : i32
    %dma_wait3A_460 = arith.constant 0 : i32
    %dma_wait3A_461 = tpu.memref_slice %arg3[%dma_wait3A_459, %dma_wait3A_460] : memref<16384x64xf32, #tpu.memory_space<hbm>> -> memref<16384x64xf32, #tpu.memory_space<hbm>>
    tpu.wait_indirect_dma semaphore(%arg14 : memref<!tpu.dma_semaphore, #tpu.memory_space<semaphore_mem>>) src(%dma_wait3A_461 : memref<16384x64xf32, #tpu.memory_space<hbm>>) dst(%dma_wait3A_455 : memref<128x64xf32, #tpu.memory_space<vmem>>)
    %dma_start3A_462 = arith.constant 0 : i32
    %dma_start3A_463 = tpu.memref_slice %arg4[%add3A_355, %dma_start3A_462] : memref<204800x64xf32, #tpu.memory_space<hbm>> -> memref<640x64xf32, #tpu.memory_space<hbm>>
    %dma_start3A_464 = arith.constant 0 : i32
    %dma_start3A_465 = tpu.memref_slice %arg4[%add3A_355, %dma_start3A_464] : memref<204800x64xf32, #tpu.memory_space<hbm>> -> memref<640x64xf32, #tpu.memory_space<hbm>>
    tpu.enqueue_dma source(%arg13 : memref<640x64xf32, #tpu.memory_space<vmem>>) target(%dma_start3A_465 : memref<640x64xf32, #tpu.memory_space<hbm>>) target_semaphore(%arg15 : memref<!tpu.dma_semaphore, #tpu.memory_space<semaphore_mem>>)
    %dma_start3A_466 = tpu.memref_slice %arg5[%add3A_355] : memref<204800xf32, #tpu.memory_space<hbm>> -> memref<640xf32, #tpu.memory_space<hbm>>
    %dma_start3A_467 = tpu.memref_slice %arg5[%add3A_355] : memref<204800xf32, #tpu.memory_space<hbm>> -> memref<640xf32, #tpu.memory_space<hbm>>
    tpu.enqueue_dma source(%arg11 : memref<640xf32, #tpu.memory_space<vmem>>) target(%dma_start3A_467 : memref<640xf32, #tpu.memory_space<hbm>>) target_semaphore(%arg15 : memref<!tpu.dma_semaphore, #tpu.memory_space<semaphore_mem>>)
    %dma_wait3A_468 = arith.constant 0 : i32
    %dma_wait3A_469 = tpu.memref_slice %arg4[%add3A_235, %dma_wait3A_468] : memref<204800x64xf32, #tpu.memory_space<hbm>> -> memref<640x64xf32, #tpu.memory_space<hbm>>
    %dma_wait3A_470 = arith.constant 0 : i32
    %dma_wait3A_471 = tpu.memref_slice %arg4[%add3A_235, %dma_wait3A_470] : memref<204800x64xf32, #tpu.memory_space<hbm>> -> memref<640x64xf32, #tpu.memory_space<hbm>>
    tpu.wait_dma2 semaphore(%arg15 : memref<!tpu.dma_semaphore, #tpu.memory_space<semaphore_mem>>) src(%arg12 : memref<640x64xf32, #tpu.memory_space<vmem>>) dst(%dma_wait3A_471 : memref<640x64xf32, #tpu.memory_space<hbm>>)
    %dma_wait3A_472 = tpu.memref_slice %arg5[%add3A_235] : memref<204800xf32, #tpu.memory_space<hbm>> -> memref<640xf32, #tpu.memory_space<hbm>>
    %dma_wait3A_473 = tpu.memref_slice %arg5[%add3A_235] : memref<204800xf32, #tpu.memory_space<hbm>> -> memref<640xf32, #tpu.memory_space<hbm>>
    tpu.wait_dma2 semaphore(%arg15 : memref<!tpu.dma_semaphore, #tpu.memory_space<semaphore_mem>>) src(%arg10 : memref<640xf32, #tpu.memory_space<vmem>>) dst(%dma_wait3A_473 : memref<640xf32, #tpu.memory_space<hbm>>)
    %add3A_474 = arith.constant 2560 : i32
    %add3A_475 = arith.addi %mul3A_2, %add3A_474 : i32
    "tpu.region"() ({
      %run_scoped3A = tpu.sem_alloc : memref<!tpu.dma_semaphore, #tpu.memory_space<semaphore_mem>>
      %dma_start3A_1200 = tpu.memref_slice %arg2[%add3A_475] : memref<204800xi32, #tpu.memory_space<hbm>> -> memref<640xi32, #tpu.memory_space<hbm>>
      %dma_start3A_1201 = tpu.memref_slice %arg2[%add3A_475] : memref<204800xi32, #tpu.memory_space<hbm>> -> memref<640xi32, #tpu.memory_space<hbm>>
      tpu.enqueue_dma source(%dma_start3A_1201 : memref<640xi32, #tpu.memory_space<hbm>>) target(%arg6 : memref<640xi32, #tpu.memory_space<vmem>>) target_semaphore(%run_scoped3A : memref<!tpu.dma_semaphore, #tpu.memory_space<semaphore_mem>>)
      %dma_wait3A_1202 = tpu.memref_slice %arg2[%add3A_475] : memref<204800xi32, #tpu.memory_space<hbm>> -> memref<640xi32, #tpu.memory_space<hbm>>
      %dma_wait3A_1203 = tpu.memref_slice %arg2[%add3A_475] : memref<204800xi32, #tpu.memory_space<hbm>> -> memref<640xi32, #tpu.memory_space<hbm>>
      tpu.wait_dma2 semaphore(%run_scoped3A : memref<!tpu.dma_semaphore, #tpu.memory_space<semaphore_mem>>) src(%dma_wait3A_1203 : memref<640xi32, #tpu.memory_space<hbm>>) dst(%arg6 : memref<640xi32, #tpu.memory_space<vmem>>)
      tpu.yield
    }) : () -> ()
    %scan3A_476 = arith.constant 0 : i32
    %scan3A_477 = arith.constant 0 : i32
    %scan3A_478 = arith.constant 40 : i32
    %scan3A_479 = arith.addi %scan3A_477, %scan3A_478 : i32
    %scan3A_480 = arith.constant 1 : i32
    scf.for %scan3A_1200 = %scan3A_477 to %scan3A_479 step %scan3A_480  : i32 {
      %jit3A = arith.constant 8 : i32
      %div3A = arith.divsi %scan3A_1200, %jit3A : i32
      %sign3A = arith.constant 0 : i32
      %sign3A_1201 = arith.cmpi sgt, %scan3A_1200, %sign3A : i32
      %sign3A_1202 = arith.extui %sign3A_1201 : i1 to i32
      %sign3A_1203 = arith.constant 0 : i32
      %sign3A_1204 = arith.cmpi slt, %scan3A_1200, %sign3A_1203 : i32
      %sign3A_1205 = arith.extui %sign3A_1204 : i1 to i32
      %sign3A_1206 = arith.subi %sign3A_1202, %sign3A_1205 : i32
      %sign3A_1207 = arith.constant 0 : i32
      %sign3A_1208 = arith.cmpi sgt, %jit3A, %sign3A_1207 : i32
      %sign3A_1209 = arith.extui %sign3A_1208 : i1 to i32
      %sign3A_1210 = arith.constant 0 : i32
      %sign3A_1211 = arith.cmpi slt, %jit3A, %sign3A_1210 : i32
      %sign3A_1212 = arith.extui %sign3A_1211 : i1 to i32
      %sign3A_1213 = arith.subi %sign3A_1209, %sign3A_1212 : i32
      %ne3A = arith.cmpi ne, %sign3A_1206, %sign3A_1213 : i32
      %rem3A = arith.remsi %scan3A_1200, %jit3A : i32
      %ne3A_1214 = arith.constant 0 : i32
      %ne3A_1215 = arith.cmpi ne, %rem3A, %ne3A_1214 : i32
      %and3A = arith.andi %ne3A, %ne3A_1215 : i1
      %sub3A = arith.constant 1 : i32
      %sub3A_1216 = arith.subi %div3A, %sub3A : i32
      %select_n3A = arith.select %and3A, %sub3A_1216, %div3A : i32
      %jit3A_1217 = arith.constant 8 : i32
      %eq3A = arith.constant 0 : i32
      %eq3A_1218 = arith.cmpi eq, %jit3A_1217, %eq3A : i32
      %jit3A_1219 = arith.constant 1 : i32
      %select_n3A_1220 = arith.select %eq3A_1218, %jit3A_1219, %jit3A_1217 : i32
      %rem3A_1221 = arith.remsi %scan3A_1200, %select_n3A_1220 : i32
      %ne3A_1222 = arith.constant 0 : i32
      %ne3A_1223 = arith.cmpi ne, %rem3A_1221, %ne3A_1222 : i32
      %lt3A = arith.constant 0 : i32
      %lt3A_1224 = arith.cmpi slt, %rem3A_1221, %lt3A : i32
      %lt3A_1225 = arith.constant 0 : i32
      %lt3A_1226 = arith.cmpi slt, %select_n3A_1220, %lt3A_1225 : i32
      %ne3A_1227 = arith.xori %lt3A_1224, %lt3A_1226 : i1
      %and3A_1228 = arith.andi %ne3A_1227, %ne3A_1223 : i1
      %add3A_1229 = arith.addi %rem3A_1221, %select_n3A_1220 : i32
      %select_n3A_1230 = arith.select %and3A_1228, %add3A_1229, %rem3A_1221 : i32
      %mul3A_1231 = arith.constant 128 : i32
      %mul3A_1232 = arith.muli %select_n3A, %mul3A_1231 : i32
      %mul3A_1233 = arith.constant 16 : i32
      %mul3A_1234 = arith.muli %select_n3A_1230, %mul3A_1233 : i32
      %add3A_1235 = arith.addi %mul3A_1232, %mul3A_1234 : i32
      %get3A = arith.index_cast %add3A_1235 : i32 to index
      %get3A_1236 = tpu.vector_load %arg6[%get3A] {strides = array<i32>} : memref<640xi32, #tpu.memory_space<vmem>>, vector<16xi32>,
      %get3A_1237 = vector.shape_cast %get3A_1236 : vector<16xi32> to vector<16xi32>
      %and3A_1238 = arith.constant 16383 : i32
      %and3A_1239 = vector.broadcast %and3A_1238 : i32 to vector<16xi32>
      %and3A_1240 = arith.andi %get3A_1237, %and3A_1239 : vector<16xi32>
      %mul3A_1241 = arith.constant 16 : i32
      %mul3A_1242 = arith.muli %select_n3A_1230, %mul3A_1241 : i32
      %swap3A = arith.index_cast %select_n3A : i32 to index
      %swap3A_1243 = arith.index_cast %mul3A_1242 : i32 to index
      %swap3A_1244 = tpu.vector_load %arg8[%swap3A, %swap3A_1243] {strides = array<i32>} : memref<5x128xi32, #tpu.memory_space<vmem>>, vector<1x16xi32>,
      %swap3A_1245 = vector.shape_cast %swap3A_1244 : vector<1x16xi32> to vector<16xi32>
      %swap3A_1246 = vector.shape_cast %and3A_1240 : vector<16xi32> to vector<1x16xi32>
      tpu.vector_store %arg8[%swap3A, %swap3A_1243], %swap3A_1246 {strides = array<i32>} : memref<5x128xi32, #tpu.memory_space<vmem>>, vector<1x16xi32>,
      %and3A_1247 = arith.constant 49152 : i32
      %and3A_1248 = vector.broadcast %and3A_1247 : i32 to vector<16xi32>
      %and3A_1249 = arith.andi %get3A_1237, %and3A_1248 : vector<16xi32>
      %eq3A_1250 = arith.constant 0 : i32
      %eq3A_1251 = vector.broadcast %eq3A_1250 : i32 to vector<16xi32>
      %eq3A_1252 = arith.cmpi eq, %and3A_1249, %eq3A_1251 : vector<16xi32>
      %jit3A_1253 = arith.constant 1.000000e+00 : f32
      %jit3A_1254 = arith.constant 0.000000e+00 : f32
      %broadcast_in_dim3A = vector.broadcast %jit3A_1253 : f32 to vector<16xf32>
      %broadcast_in_dim3A_1255 = vector.broadcast %jit3A_1254 : f32 to vector<16xf32>
      %select_n3A_1256 = arith.select %eq3A_1252, %broadcast_in_dim3A, %broadcast_in_dim3A_1255 : vector<16xi1>, vector<16xf32>
      %mul3A_1257 = arith.constant 128 : i32
      %mul3A_1258 = arith.muli %select_n3A, %mul3A_1257 : i32
      %mul3A_1259 = arith.constant 16 : i32
      %mul3A_1260 = arith.muli %select_n3A_1230, %mul3A_1259 : i32
      %add3A_1261 = arith.addi %mul3A_1258, %mul3A_1260 : i32
      %swap3A_1262 = arith.index_cast %add3A_1261 : i32 to index
      %swap3A_1263 = tpu.vector_load %arg10[%swap3A_1262] {strides = array<i32>} : memref<640xf32, #tpu.memory_space<vmem>>, vector<16xf32>,
      %swap3A_1264 = vector.shape_cast %swap3A_1263 : vector<16xf32> to vector<16xf32>
      %swap3A_1265 = vector.shape_cast %select_n3A_1256 : vector<16xf32> to vector<16xf32>
      tpu.vector_store %arg10[%swap3A_1262], %swap3A_1265 {strides = array<i32>} : memref<640xf32, #tpu.memory_space<vmem>>, vector<16xf32>,
    }
    %scan3A_481 = arith.constant 40 : i32
    %dma_start3A_482 = arith.constant 0 : i32
    %dma_start3A_483 = arith.constant 0 : i32
    %dma_start3A_484 = arith.constant 0 : i32
    %dma_start3A_485 = tpu.memref_slice %arg12[%dma_start3A_483, %dma_start3A_484] : memref<640x64xf32, #tpu.memory_space<vmem>> -> memref<128x64xf32, #tpu.memory_space<vmem>>
    %dma_start3A_486 = arith.constant 0 : i32
    %dma_start3A_487 = tpu.memref_slice %arg8[%dma_start3A_482, %dma_start3A_486] : memref<5x128xi32, #tpu.memory_space<vmem>> -> memref<1x128xi32, #tpu.memory_space<vmem>>
    %dma_start3A_488 = tpu.memref_squeeze %dma_start3A_487 : memref<1x128xi32, #tpu.memory_space<vmem>> -> memref<128xi32, #tpu.memory_space<vmem>>
    %dma_start3A_489 = arith.constant 0 : i32
    %dma_start3A_490 = arith.constant 0 : i32
    %dma_start3A_491 = tpu.memref_slice %arg3[%dma_start3A_489, %dma_start3A_490] : memref<16384x64xf32, #tpu.memory_space<hbm>> -> memref<16384x64xf32, #tpu.memory_space<hbm>>
    tpu.enqueue_indirect_dma source(%dma_start3A_491 : memref<16384x64xf32, #tpu.memory_space<hbm>>) target(%dma_start3A_485 : memref<128x64xf32, #tpu.memory_space<vmem>>) offsets(%dma_start3A_488 : memref<128xi32, #tpu.memory_space<vmem>>) semaphore(%arg14 : memref<!tpu.dma_semaphore, #tpu.memory_space<semaphore_mem>>)
    %dma_start3A_492 = arith.constant 1 : i32
    %dma_start3A_493 = arith.constant 128 : i32
    %dma_start3A_494 = arith.constant 0 : i32
    %dma_start3A_495 = tpu.memref_slice %arg12[%dma_start3A_493, %dma_start3A_494] : memref<640x64xf32, #tpu.memory_space<vmem>> -> memref<128x64xf32, #tpu.memory_space<vmem>>
    %dma_start3A_496 = arith.constant 0 : i32
    %dma_start3A_497 = tpu.memref_slice %arg8[%dma_start3A_492, %dma_start3A_496] : memref<5x128xi32, #tpu.memory_space<vmem>> -> memref<1x128xi32, #tpu.memory_space<vmem>>
    %dma_start3A_498 = tpu.memref_squeeze %dma_start3A_497 : memref<1x128xi32, #tpu.memory_space<vmem>> -> memref<128xi32, #tpu.memory_space<vmem>>
    %dma_start3A_499 = arith.constant 0 : i32
    %dma_start3A_500 = arith.constant 0 : i32
    %dma_start3A_501 = tpu.memref_slice %arg3[%dma_start3A_499, %dma_start3A_500] : memref<16384x64xf32, #tpu.memory_space<hbm>> -> memref<16384x64xf32, #tpu.memory_space<hbm>>
    tpu.enqueue_indirect_dma source(%dma_start3A_501 : memref<16384x64xf32, #tpu.memory_space<hbm>>) target(%dma_start3A_495 : memref<128x64xf32, #tpu.memory_space<vmem>>) offsets(%dma_start3A_498 : memref<128xi32, #tpu.memory_space<vmem>>) semaphore(%arg14 : memref<!tpu.dma_semaphore, #tpu.memory_space<semaphore_mem>>)
    %dma_start3A_502 = arith.constant 2 : i32
    %dma_start3A_503 = arith.constant 256 : i32
    %dma_start3A_504 = arith.constant 0 : i32
    %dma_start3A_505 = tpu.memref_slice %arg12[%dma_start3A_503, %dma_start3A_504] : memref<640x64xf32, #tpu.memory_space<vmem>> -> memref<128x64xf32, #tpu.memory_space<vmem>>
    %dma_start3A_506 = arith.constant 0 : i32
    %dma_start3A_507 = tpu.memref_slice %arg8[%dma_start3A_502, %dma_start3A_506] : memref<5x128xi32, #tpu.memory_space<vmem>> -> memref<1x128xi32, #tpu.memory_space<vmem>>
    %dma_start3A_508 = tpu.memref_squeeze %dma_start3A_507 : memref<1x128xi32, #tpu.memory_space<vmem>> -> memref<128xi32, #tpu.memory_space<vmem>>
    %dma_start3A_509 = arith.constant 0 : i32
    %dma_start3A_510 = arith.constant 0 : i32
    %dma_start3A_511 = tpu.memref_slice %arg3[%dma_start3A_509, %dma_start3A_510] : memref<16384x64xf32, #tpu.memory_space<hbm>> -> memref<16384x64xf32, #tpu.memory_space<hbm>>
    tpu.enqueue_indirect_dma source(%dma_start3A_511 : memref<16384x64xf32, #tpu.memory_space<hbm>>) target(%dma_start3A_505 : memref<128x64xf32, #tpu.memory_space<vmem>>) offsets(%dma_start3A_508 : memref<128xi32, #tpu.memory_space<vmem>>) semaphore(%arg14 : memref<!tpu.dma_semaphore, #tpu.memory_space<semaphore_mem>>)
    %dma_start3A_512 = arith.constant 3 : i32
    %dma_start3A_513 = arith.constant 384 : i32
    %dma_start3A_514 = arith.constant 0 : i32
    %dma_start3A_515 = tpu.memref_slice %arg12[%dma_start3A_513, %dma_start3A_514] : memref<640x64xf32, #tpu.memory_space<vmem>> -> memref<128x64xf32, #tpu.memory_space<vmem>>
    %dma_start3A_516 = arith.constant 0 : i32
    %dma_start3A_517 = tpu.memref_slice %arg8[%dma_start3A_512, %dma_start3A_516] : memref<5x128xi32, #tpu.memory_space<vmem>> -> memref<1x128xi32, #tpu.memory_space<vmem>>
    %dma_start3A_518 = tpu.memref_squeeze %dma_start3A_517 : memref<1x128xi32, #tpu.memory_space<vmem>> -> memref<128xi32, #tpu.memory_space<vmem>>
    %dma_start3A_519 = arith.constant 0 : i32
    %dma_start3A_520 = arith.constant 0 : i32
    %dma_start3A_521 = tpu.memref_slice %arg3[%dma_start3A_519, %dma_start3A_520] : memref<16384x64xf32, #tpu.memory_space<hbm>> -> memref<16384x64xf32, #tpu.memory_space<hbm>>
    tpu.enqueue_indirect_dma source(%dma_start3A_521 : memref<16384x64xf32, #tpu.memory_space<hbm>>) target(%dma_start3A_515 : memref<128x64xf32, #tpu.memory_space<vmem>>) offsets(%dma_start3A_518 : memref<128xi32, #tpu.memory_space<vmem>>) semaphore(%arg14 : memref<!tpu.dma_semaphore, #tpu.memory_space<semaphore_mem>>)
    %dma_start3A_522 = arith.constant 4 : i32
    %dma_start3A_523 = arith.constant 512 : i32
    %dma_start3A_524 = arith.constant 0 : i32
    %dma_start3A_525 = tpu.memref_slice %arg12[%dma_start3A_523, %dma_start3A_524] : memref<640x64xf32, #tpu.memory_space<vmem>> -> memref<128x64xf32, #tpu.memory_space<vmem>>
    %dma_start3A_526 = arith.constant 0 : i32
    %dma_start3A_527 = tpu.memref_slice %arg8[%dma_start3A_522, %dma_start3A_526] : memref<5x128xi32, #tpu.memory_space<vmem>> -> memref<1x128xi32, #tpu.memory_space<vmem>>
    %dma_start3A_528 = tpu.memref_squeeze %dma_start3A_527 : memref<1x128xi32, #tpu.memory_space<vmem>> -> memref<128xi32, #tpu.memory_space<vmem>>
    %dma_start3A_529 = arith.constant 0 : i32
    %dma_start3A_530 = arith.constant 0 : i32
    %dma_start3A_531 = tpu.memref_slice %arg3[%dma_start3A_529, %dma_start3A_530] : memref<16384x64xf32, #tpu.memory_space<hbm>> -> memref<16384x64xf32, #tpu.memory_space<hbm>>
    tpu.enqueue_indirect_dma source(%dma_start3A_531 : memref<16384x64xf32, #tpu.memory_space<hbm>>) target(%dma_start3A_525 : memref<128x64xf32, #tpu.memory_space<vmem>>) offsets(%dma_start3A_528 : memref<128xi32, #tpu.memory_space<vmem>>) semaphore(%arg14 : memref<!tpu.dma_semaphore, #tpu.memory_space<semaphore_mem>>)
    %dma_wait3A_532 = arith.constant 0 : i32
    %dma_wait3A_533 = arith.constant 0 : i32
    %dma_wait3A_534 = arith.constant 0 : i32
    %dma_wait3A_535 = tpu.memref_slice %arg12[%dma_wait3A_533, %dma_wait3A_534] : memref<640x64xf32, #tpu.memory_space<vmem>> -> memref<128x64xf32, #tpu.memory_space<vmem>>
    %dma_wait3A_536 = arith.constant 0 : i32
    %dma_wait3A_537 = tpu.memref_slice %arg8[%dma_wait3A_532, %dma_wait3A_536] : memref<5x128xi32, #tpu.memory_space<vmem>> -> memref<1x128xi32, #tpu.memory_space<vmem>>
    %dma_wait3A_538 = tpu.memref_squeeze %dma_wait3A_537 : memref<1x128xi32, #tpu.memory_space<vmem>> -> memref<128xi32, #tpu.memory_space<vmem>>
    %dma_wait3A_539 = arith.constant 0 : i32
    %dma_wait3A_540 = arith.constant 0 : i32
    %dma_wait3A_541 = tpu.memref_slice %arg3[%dma_wait3A_539, %dma_wait3A_540] : memref<16384x64xf32, #tpu.memory_space<hbm>> -> memref<16384x64xf32, #tpu.memory_space<hbm>>
    tpu.wait_indirect_dma semaphore(%arg14 : memref<!tpu.dma_semaphore, #tpu.memory_space<semaphore_mem>>) src(%dma_wait3A_541 : memref<16384x64xf32, #tpu.memory_space<hbm>>) dst(%dma_wait3A_535 : memref<128x64xf32, #tpu.memory_space<vmem>>)
    %dma_wait3A_542 = arith.constant 1 : i32
    %dma_wait3A_543 = arith.constant 128 : i32
    %dma_wait3A_544 = arith.constant 0 : i32
    %dma_wait3A_545 = tpu.memref_slice %arg12[%dma_wait3A_543, %dma_wait3A_544] : memref<640x64xf32, #tpu.memory_space<vmem>> -> memref<128x64xf32, #tpu.memory_space<vmem>>
    %dma_wait3A_546 = arith.constant 0 : i32
    %dma_wait3A_547 = tpu.memref_slice %arg8[%dma_wait3A_542, %dma_wait3A_546] : memref<5x128xi32, #tpu.memory_space<vmem>> -> memref<1x128xi32, #tpu.memory_space<vmem>>
    %dma_wait3A_548 = tpu.memref_squeeze %dma_wait3A_547 : memref<1x128xi32, #tpu.memory_space<vmem>> -> memref<128xi32, #tpu.memory_space<vmem>>
    %dma_wait3A_549 = arith.constant 0 : i32
    %dma_wait3A_550 = arith.constant 0 : i32
    %dma_wait3A_551 = tpu.memref_slice %arg3[%dma_wait3A_549, %dma_wait3A_550] : memref<16384x64xf32, #tpu.memory_space<hbm>> -> memref<16384x64xf32, #tpu.memory_space<hbm>>
    tpu.wait_indirect_dma semaphore(%arg14 : memref<!tpu.dma_semaphore, #tpu.memory_space<semaphore_mem>>) src(%dma_wait3A_551 : memref<16384x64xf32, #tpu.memory_space<hbm>>) dst(%dma_wait3A_545 : memref<128x64xf32, #tpu.memory_space<vmem>>)
    %dma_wait3A_552 = arith.constant 2 : i32
    %dma_wait3A_553 = arith.constant 256 : i32
    %dma_wait3A_554 = arith.constant 0 : i32
    %dma_wait3A_555 = tpu.memref_slice %arg12[%dma_wait3A_553, %dma_wait3A_554] : memref<640x64xf32, #tpu.memory_space<vmem>> -> memref<128x64xf32, #tpu.memory_space<vmem>>
    %dma_wait3A_556 = arith.constant 0 : i32
    %dma_wait3A_557 = tpu.memref_slice %arg8[%dma_wait3A_552, %dma_wait3A_556] : memref<5x128xi32, #tpu.memory_space<vmem>> -> memref<1x128xi32, #tpu.memory_space<vmem>>
    %dma_wait3A_558 = tpu.memref_squeeze %dma_wait3A_557 : memref<1x128xi32, #tpu.memory_space<vmem>> -> memref<128xi32, #tpu.memory_space<vmem>>
    %dma_wait3A_559 = arith.constant 0 : i32
    %dma_wait3A_560 = arith.constant 0 : i32
    %dma_wait3A_561 = tpu.memref_slice %arg3[%dma_wait3A_559, %dma_wait3A_560] : memref<16384x64xf32, #tpu.memory_space<hbm>> -> memref<16384x64xf32, #tpu.memory_space<hbm>>
    tpu.wait_indirect_dma semaphore(%arg14 : memref<!tpu.dma_semaphore, #tpu.memory_space<semaphore_mem>>) src(%dma_wait3A_561 : memref<16384x64xf32, #tpu.memory_space<hbm>>) dst(%dma_wait3A_555 : memref<128x64xf32, #tpu.memory_space<vmem>>)
    %dma_wait3A_562 = arith.constant 3 : i32
    %dma_wait3A_563 = arith.constant 384 : i32
    %dma_wait3A_564 = arith.constant 0 : i32
    %dma_wait3A_565 = tpu.memref_slice %arg12[%dma_wait3A_563, %dma_wait3A_564] : memref<640x64xf32, #tpu.memory_space<vmem>> -> memref<128x64xf32, #tpu.memory_space<vmem>>
    %dma_wait3A_566 = arith.constant 0 : i32
    %dma_wait3A_567 = tpu.memref_slice %arg8[%dma_wait3A_562, %dma_wait3A_566] : memref<5x128xi32, #tpu.memory_space<vmem>> -> memref<1x128xi32, #tpu.memory_space<vmem>>
    %dma_wait3A_568 = tpu.memref_squeeze %dma_wait3A_567 : memref<1x128xi32, #tpu.memory_space<vmem>> -> memref<128xi32, #tpu.memory_space<vmem>>
    %dma_wait3A_569 = arith.constant 0 : i32
    %dma_wait3A_570 = arith.constant 0 : i32
    %dma_wait3A_571 = tpu.memref_slice %arg3[%dma_wait3A_569, %dma_wait3A_570] : memref<16384x64xf32, #tpu.memory_space<hbm>> -> memref<16384x64xf32, #tpu.memory_space<hbm>>
    tpu.wait_indirect_dma semaphore(%arg14 : memref<!tpu.dma_semaphore, #tpu.memory_space<semaphore_mem>>) src(%dma_wait3A_571 : memref<16384x64xf32, #tpu.memory_space<hbm>>) dst(%dma_wait3A_565 : memref<128x64xf32, #tpu.memory_space<vmem>>)
    %dma_wait3A_572 = arith.constant 4 : i32
    %dma_wait3A_573 = arith.constant 512 : i32
    %dma_wait3A_574 = arith.constant 0 : i32
    %dma_wait3A_575 = tpu.memref_slice %arg12[%dma_wait3A_573, %dma_wait3A_574] : memref<640x64xf32, #tpu.memory_space<vmem>> -> memref<128x64xf32, #tpu.memory_space<vmem>>
    %dma_wait3A_576 = arith.constant 0 : i32
    %dma_wait3A_577 = tpu.memref_slice %arg8[%dma_wait3A_572, %dma_wait3A_576] : memref<5x128xi32, #tpu.memory_space<vmem>> -> memref<1x128xi32, #tpu.memory_space<vmem>>
    %dma_wait3A_578 = tpu.memref_squeeze %dma_wait3A_577 : memref<1x128xi32, #tpu.memory_space<vmem>> -> memref<128xi32, #tpu.memory_space<vmem>>
    %dma_wait3A_579 = arith.constant 0 : i32
    %dma_wait3A_580 = arith.constant 0 : i32
    %dma_wait3A_581 = tpu.memref_slice %arg3[%dma_wait3A_579, %dma_wait3A_580] : memref<16384x64xf32, #tpu.memory_space<hbm>> -> memref<16384x64xf32, #tpu.memory_space<hbm>>
    tpu.wait_indirect_dma semaphore(%arg14 : memref<!tpu.dma_semaphore, #tpu.memory_space<semaphore_mem>>) src(%dma_wait3A_581 : memref<16384x64xf32, #tpu.memory_space<hbm>>) dst(%dma_wait3A_575 : memref<128x64xf32, #tpu.memory_space<vmem>>)
    %dma_start3A_582 = arith.constant 0 : i32
    %dma_start3A_583 = tpu.memref_slice %arg4[%add3A_475, %dma_start3A_582] : memref<204800x64xf32, #tpu.memory_space<hbm>> -> memref<640x64xf32, #tpu.memory_space<hbm>>
    %dma_start3A_584 = arith.constant 0 : i32
    %dma_start3A_585 = tpu.memref_slice %arg4[%add3A_475, %dma_start3A_584] : memref<204800x64xf32, #tpu.memory_space<hbm>> -> memref<640x64xf32, #tpu.memory_space<hbm>>
    tpu.enqueue_dma source(%arg12 : memref<640x64xf32, #tpu.memory_space<vmem>>) target(%dma_start3A_585 : memref<640x64xf32, #tpu.memory_space<hbm>>) target_semaphore(%arg15 : memref<!tpu.dma_semaphore, #tpu.memory_space<semaphore_mem>>)
    %dma_start3A_586 = tpu.memref_slice %arg5[%add3A_475] : memref<204800xf32, #tpu.memory_space<hbm>> -> memref<640xf32, #tpu.memory_space<hbm>>
    %dma_start3A_587 = tpu.memref_slice %arg5[%add3A_475] : memref<204800xf32, #tpu.memory_space<hbm>> -> memref<640xf32, #tpu.memory_space<hbm>>
    tpu.enqueue_dma source(%arg10 : memref<640xf32, #tpu.memory_space<vmem>>) target(%dma_start3A_587 : memref<640xf32, #tpu.memory_space<hbm>>) target_semaphore(%arg15 : memref<!tpu.dma_semaphore, #tpu.memory_space<semaphore_mem>>)
    %dma_wait3A_588 = arith.constant 0 : i32
    %dma_wait3A_589 = tpu.memref_slice %arg4[%add3A_355, %dma_wait3A_588] : memref<204800x64xf32, #tpu.memory_space<hbm>> -> memref<640x64xf32, #tpu.memory_space<hbm>>
    %dma_wait3A_590 = arith.constant 0 : i32
    %dma_wait3A_591 = tpu.memref_slice %arg4[%add3A_355, %dma_wait3A_590] : memref<204800x64xf32, #tpu.memory_space<hbm>> -> memref<640x64xf32, #tpu.memory_space<hbm>>
    tpu.wait_dma2 semaphore(%arg15 : memref<!tpu.dma_semaphore, #tpu.memory_space<semaphore_mem>>) src(%arg13 : memref<640x64xf32, #tpu.memory_space<vmem>>) dst(%dma_wait3A_591 : memref<640x64xf32, #tpu.memory_space<hbm>>)
    %dma_wait3A_592 = tpu.memref_slice %arg5[%add3A_355] : memref<204800xf32, #tpu.memory_space<hbm>> -> memref<640xf32, #tpu.memory_space<hbm>>
    %dma_wait3A_593 = tpu.memref_slice %arg5[%add3A_355] : memref<204800xf32, #tpu.memory_space<hbm>> -> memref<640xf32, #tpu.memory_space<hbm>>
    tpu.wait_dma2 semaphore(%arg15 : memref<!tpu.dma_semaphore, #tpu.memory_space<semaphore_mem>>) src(%arg11 : memref<640xf32, #tpu.memory_space<vmem>>) dst(%dma_wait3A_593 : memref<640xf32, #tpu.memory_space<hbm>>)
    %add3A_594 = arith.constant 3200 : i32
    %add3A_595 = arith.addi %mul3A_2, %add3A_594 : i32
    "tpu.region"() ({
      %run_scoped3A = tpu.sem_alloc : memref<!tpu.dma_semaphore, #tpu.memory_space<semaphore_mem>>
      %dma_start3A_1200 = tpu.memref_slice %arg2[%add3A_595] : memref<204800xi32, #tpu.memory_space<hbm>> -> memref<640xi32, #tpu.memory_space<hbm>>
      %dma_start3A_1201 = tpu.memref_slice %arg2[%add3A_595] : memref<204800xi32, #tpu.memory_space<hbm>> -> memref<640xi32, #tpu.memory_space<hbm>>
      tpu.enqueue_dma source(%dma_start3A_1201 : memref<640xi32, #tpu.memory_space<hbm>>) target(%arg7 : memref<640xi32, #tpu.memory_space<vmem>>) target_semaphore(%run_scoped3A : memref<!tpu.dma_semaphore, #tpu.memory_space<semaphore_mem>>)
      %dma_wait3A_1202 = tpu.memref_slice %arg2[%add3A_595] : memref<204800xi32, #tpu.memory_space<hbm>> -> memref<640xi32, #tpu.memory_space<hbm>>
      %dma_wait3A_1203 = tpu.memref_slice %arg2[%add3A_595] : memref<204800xi32, #tpu.memory_space<hbm>> -> memref<640xi32, #tpu.memory_space<hbm>>
      tpu.wait_dma2 semaphore(%run_scoped3A : memref<!tpu.dma_semaphore, #tpu.memory_space<semaphore_mem>>) src(%dma_wait3A_1203 : memref<640xi32, #tpu.memory_space<hbm>>) dst(%arg7 : memref<640xi32, #tpu.memory_space<vmem>>)
      tpu.yield
    }) : () -> ()
    %scan3A_596 = arith.constant 0 : i32
    %scan3A_597 = arith.constant 0 : i32
    %scan3A_598 = arith.constant 40 : i32
    %scan3A_599 = arith.addi %scan3A_597, %scan3A_598 : i32
    %scan3A_600 = arith.constant 1 : i32
    scf.for %scan3A_1200 = %scan3A_597 to %scan3A_599 step %scan3A_600  : i32 {
      %jit3A = arith.constant 8 : i32
      %div3A = arith.divsi %scan3A_1200, %jit3A : i32
      %sign3A = arith.constant 0 : i32
      %sign3A_1201 = arith.cmpi sgt, %scan3A_1200, %sign3A : i32
      %sign3A_1202 = arith.extui %sign3A_1201 : i1 to i32
      %sign3A_1203 = arith.constant 0 : i32
      %sign3A_1204 = arith.cmpi slt, %scan3A_1200, %sign3A_1203 : i32
      %sign3A_1205 = arith.extui %sign3A_1204 : i1 to i32
      %sign3A_1206 = arith.subi %sign3A_1202, %sign3A_1205 : i32
      %sign3A_1207 = arith.constant 0 : i32
      %sign3A_1208 = arith.cmpi sgt, %jit3A, %sign3A_1207 : i32
      %sign3A_1209 = arith.extui %sign3A_1208 : i1 to i32
      %sign3A_1210 = arith.constant 0 : i32
      %sign3A_1211 = arith.cmpi slt, %jit3A, %sign3A_1210 : i32
      %sign3A_1212 = arith.extui %sign3A_1211 : i1 to i32
      %sign3A_1213 = arith.subi %sign3A_1209, %sign3A_1212 : i32
      %ne3A = arith.cmpi ne, %sign3A_1206, %sign3A_1213 : i32
      %rem3A = arith.remsi %scan3A_1200, %jit3A : i32
      %ne3A_1214 = arith.constant 0 : i32
      %ne3A_1215 = arith.cmpi ne, %rem3A, %ne3A_1214 : i32
      %and3A = arith.andi %ne3A, %ne3A_1215 : i1
      %sub3A = arith.constant 1 : i32
      %sub3A_1216 = arith.subi %div3A, %sub3A : i32
      %select_n3A = arith.select %and3A, %sub3A_1216, %div3A : i32
      %jit3A_1217 = arith.constant 8 : i32
      %eq3A = arith.constant 0 : i32
      %eq3A_1218 = arith.cmpi eq, %jit3A_1217, %eq3A : i32
      %jit3A_1219 = arith.constant 1 : i32
      %select_n3A_1220 = arith.select %eq3A_1218, %jit3A_1219, %jit3A_1217 : i32
      %rem3A_1221 = arith.remsi %scan3A_1200, %select_n3A_1220 : i32
      %ne3A_1222 = arith.constant 0 : i32
      %ne3A_1223 = arith.cmpi ne, %rem3A_1221, %ne3A_1222 : i32
      %lt3A = arith.constant 0 : i32
      %lt3A_1224 = arith.cmpi slt, %rem3A_1221, %lt3A : i32
      %lt3A_1225 = arith.constant 0 : i32
      %lt3A_1226 = arith.cmpi slt, %select_n3A_1220, %lt3A_1225 : i32
      %ne3A_1227 = arith.xori %lt3A_1224, %lt3A_1226 : i1
      %and3A_1228 = arith.andi %ne3A_1227, %ne3A_1223 : i1
      %add3A_1229 = arith.addi %rem3A_1221, %select_n3A_1220 : i32
      %select_n3A_1230 = arith.select %and3A_1228, %add3A_1229, %rem3A_1221 : i32
      %mul3A_1231 = arith.constant 128 : i32
      %mul3A_1232 = arith.muli %select_n3A, %mul3A_1231 : i32
      %mul3A_1233 = arith.constant 16 : i32
      %mul3A_1234 = arith.muli %select_n3A_1230, %mul3A_1233 : i32
      %add3A_1235 = arith.addi %mul3A_1232, %mul3A_1234 : i32
      %get3A = arith.index_cast %add3A_1235 : i32 to index
      %get3A_1236 = tpu.vector_load %arg7[%get3A] {strides = array<i32>} : memref<640xi32, #tpu.memory_space<vmem>>, vector<16xi32>,
      %get3A_1237 = vector.shape_cast %get3A_1236 : vector<16xi32> to vector<16xi32>
      %and3A_1238 = arith.constant 16383 : i32
      %and3A_1239 = vector.broadcast %and3A_1238 : i32 to vector<16xi32>
      %and3A_1240 = arith.andi %get3A_1237, %and3A_1239 : vector<16xi32>
      %mul3A_1241 = arith.constant 16 : i32
      %mul3A_1242 = arith.muli %select_n3A_1230, %mul3A_1241 : i32
      %swap3A = arith.index_cast %select_n3A : i32 to index
      %swap3A_1243 = arith.index_cast %mul3A_1242 : i32 to index
      %swap3A_1244 = tpu.vector_load %arg9[%swap3A, %swap3A_1243] {strides = array<i32>} : memref<5x128xi32, #tpu.memory_space<vmem>>, vector<1x16xi32>,
      %swap3A_1245 = vector.shape_cast %swap3A_1244 : vector<1x16xi32> to vector<16xi32>
      %swap3A_1246 = vector.shape_cast %and3A_1240 : vector<16xi32> to vector<1x16xi32>
      tpu.vector_store %arg9[%swap3A, %swap3A_1243], %swap3A_1246 {strides = array<i32>} : memref<5x128xi32, #tpu.memory_space<vmem>>, vector<1x16xi32>,
      %and3A_1247 = arith.constant 49152 : i32
      %and3A_1248 = vector.broadcast %and3A_1247 : i32 to vector<16xi32>
      %and3A_1249 = arith.andi %get3A_1237, %and3A_1248 : vector<16xi32>
      %eq3A_1250 = arith.constant 0 : i32
      %eq3A_1251 = vector.broadcast %eq3A_1250 : i32 to vector<16xi32>
      %eq3A_1252 = arith.cmpi eq, %and3A_1249, %eq3A_1251 : vector<16xi32>
      %jit3A_1253 = arith.constant 1.000000e+00 : f32
      %jit3A_1254 = arith.constant 0.000000e+00 : f32
      %broadcast_in_dim3A = vector.broadcast %jit3A_1253 : f32 to vector<16xf32>
      %broadcast_in_dim3A_1255 = vector.broadcast %jit3A_1254 : f32 to vector<16xf32>
      %select_n3A_1256 = arith.select %eq3A_1252, %broadcast_in_dim3A, %broadcast_in_dim3A_1255 : vector<16xi1>, vector<16xf32>
      %mul3A_1257 = arith.constant 128 : i32
      %mul3A_1258 = arith.muli %select_n3A, %mul3A_1257 : i32
      %mul3A_1259 = arith.constant 16 : i32
      %mul3A_1260 = arith.muli %select_n3A_1230, %mul3A_1259 : i32
      %add3A_1261 = arith.addi %mul3A_1258, %mul3A_1260 : i32
      %swap3A_1262 = arith.index_cast %add3A_1261 : i32 to index
      %swap3A_1263 = tpu.vector_load %arg11[%swap3A_1262] {strides = array<i32>} : memref<640xf32, #tpu.memory_space<vmem>>, vector<16xf32>,
      %swap3A_1264 = vector.shape_cast %swap3A_1263 : vector<16xf32> to vector<16xf32>
      %swap3A_1265 = vector.shape_cast %select_n3A_1256 : vector<16xf32> to vector<16xf32>
      tpu.vector_store %arg11[%swap3A_1262], %swap3A_1265 {strides = array<i32>} : memref<640xf32, #tpu.memory_space<vmem>>, vector<16xf32>,
    }
    %scan3A_601 = arith.constant 40 : i32
    %dma_start3A_602 = arith.constant 0 : i32
    %dma_start3A_603 = arith.constant 0 : i32
    %dma_start3A_604 = arith.constant 0 : i32
    %dma_start3A_605 = tpu.memref_slice %arg13[%dma_start3A_603, %dma_start3A_604] : memref<640x64xf32, #tpu.memory_space<vmem>> -> memref<128x64xf32, #tpu.memory_space<vmem>>
    %dma_start3A_606 = arith.constant 0 : i32
    %dma_start3A_607 = tpu.memref_slice %arg9[%dma_start3A_602, %dma_start3A_606] : memref<5x128xi32, #tpu.memory_space<vmem>> -> memref<1x128xi32, #tpu.memory_space<vmem>>
    %dma_start3A_608 = tpu.memref_squeeze %dma_start3A_607 : memref<1x128xi32, #tpu.memory_space<vmem>> -> memref<128xi32, #tpu.memory_space<vmem>>
    %dma_start3A_609 = arith.constant 0 : i32
    %dma_start3A_610 = arith.constant 0 : i32
    %dma_start3A_611 = tpu.memref_slice %arg3[%dma_start3A_609, %dma_start3A_610] : memref<16384x64xf32, #tpu.memory_space<hbm>> -> memref<16384x64xf32, #tpu.memory_space<hbm>>
    tpu.enqueue_indirect_dma source(%dma_start3A_611 : memref<16384x64xf32, #tpu.memory_space<hbm>>) target(%dma_start3A_605 : memref<128x64xf32, #tpu.memory_space<vmem>>) offsets(%dma_start3A_608 : memref<128xi32, #tpu.memory_space<vmem>>) semaphore(%arg14 : memref<!tpu.dma_semaphore, #tpu.memory_space<semaphore_mem>>)
    %dma_start3A_612 = arith.constant 1 : i32
    %dma_start3A_613 = arith.constant 128 : i32
    %dma_start3A_614 = arith.constant 0 : i32
    %dma_start3A_615 = tpu.memref_slice %arg13[%dma_start3A_613, %dma_start3A_614] : memref<640x64xf32, #tpu.memory_space<vmem>> -> memref<128x64xf32, #tpu.memory_space<vmem>>
    %dma_start3A_616 = arith.constant 0 : i32
    %dma_start3A_617 = tpu.memref_slice %arg9[%dma_start3A_612, %dma_start3A_616] : memref<5x128xi32, #tpu.memory_space<vmem>> -> memref<1x128xi32, #tpu.memory_space<vmem>>
    %dma_start3A_618 = tpu.memref_squeeze %dma_start3A_617 : memref<1x128xi32, #tpu.memory_space<vmem>> -> memref<128xi32, #tpu.memory_space<vmem>>
    %dma_start3A_619 = arith.constant 0 : i32
    %dma_start3A_620 = arith.constant 0 : i32
    %dma_start3A_621 = tpu.memref_slice %arg3[%dma_start3A_619, %dma_start3A_620] : memref<16384x64xf32, #tpu.memory_space<hbm>> -> memref<16384x64xf32, #tpu.memory_space<hbm>>
    tpu.enqueue_indirect_dma source(%dma_start3A_621 : memref<16384x64xf32, #tpu.memory_space<hbm>>) target(%dma_start3A_615 : memref<128x64xf32, #tpu.memory_space<vmem>>) offsets(%dma_start3A_618 : memref<128xi32, #tpu.memory_space<vmem>>) semaphore(%arg14 : memref<!tpu.dma_semaphore, #tpu.memory_space<semaphore_mem>>)
    %dma_start3A_622 = arith.constant 2 : i32
    %dma_start3A_623 = arith.constant 256 : i32
    %dma_start3A_624 = arith.constant 0 : i32
    %dma_start3A_625 = tpu.memref_slice %arg13[%dma_start3A_623, %dma_start3A_624] : memref<640x64xf32, #tpu.memory_space<vmem>> -> memref<128x64xf32, #tpu.memory_space<vmem>>
    %dma_start3A_626 = arith.constant 0 : i32
    %dma_start3A_627 = tpu.memref_slice %arg9[%dma_start3A_622, %dma_start3A_626] : memref<5x128xi32, #tpu.memory_space<vmem>> -> memref<1x128xi32, #tpu.memory_space<vmem>>
    %dma_start3A_628 = tpu.memref_squeeze %dma_start3A_627 : memref<1x128xi32, #tpu.memory_space<vmem>> -> memref<128xi32, #tpu.memory_space<vmem>>
    %dma_start3A_629 = arith.constant 0 : i32
    %dma_start3A_630 = arith.constant 0 : i32
    %dma_start3A_631 = tpu.memref_slice %arg3[%dma_start3A_629, %dma_start3A_630] : memref<16384x64xf32, #tpu.memory_space<hbm>> -> memref<16384x64xf32, #tpu.memory_space<hbm>>
    tpu.enqueue_indirect_dma source(%dma_start3A_631 : memref<16384x64xf32, #tpu.memory_space<hbm>>) target(%dma_start3A_625 : memref<128x64xf32, #tpu.memory_space<vmem>>) offsets(%dma_start3A_628 : memref<128xi32, #tpu.memory_space<vmem>>) semaphore(%arg14 : memref<!tpu.dma_semaphore, #tpu.memory_space<semaphore_mem>>)
    %dma_start3A_632 = arith.constant 3 : i32
    %dma_start3A_633 = arith.constant 384 : i32
    %dma_start3A_634 = arith.constant 0 : i32
    %dma_start3A_635 = tpu.memref_slice %arg13[%dma_start3A_633, %dma_start3A_634] : memref<640x64xf32, #tpu.memory_space<vmem>> -> memref<128x64xf32, #tpu.memory_space<vmem>>
    %dma_start3A_636 = arith.constant 0 : i32
    %dma_start3A_637 = tpu.memref_slice %arg9[%dma_start3A_632, %dma_start3A_636] : memref<5x128xi32, #tpu.memory_space<vmem>> -> memref<1x128xi32, #tpu.memory_space<vmem>>
    %dma_start3A_638 = tpu.memref_squeeze %dma_start3A_637 : memref<1x128xi32, #tpu.memory_space<vmem>> -> memref<128xi32, #tpu.memory_space<vmem>>
    %dma_start3A_639 = arith.constant 0 : i32
    %dma_start3A_640 = arith.constant 0 : i32
    %dma_start3A_641 = tpu.memref_slice %arg3[%dma_start3A_639, %dma_start3A_640] : memref<16384x64xf32, #tpu.memory_space<hbm>> -> memref<16384x64xf32, #tpu.memory_space<hbm>>
    tpu.enqueue_indirect_dma source(%dma_start3A_641 : memref<16384x64xf32, #tpu.memory_space<hbm>>) target(%dma_start3A_635 : memref<128x64xf32, #tpu.memory_space<vmem>>) offsets(%dma_start3A_638 : memref<128xi32, #tpu.memory_space<vmem>>) semaphore(%arg14 : memref<!tpu.dma_semaphore, #tpu.memory_space<semaphore_mem>>)
    %dma_start3A_642 = arith.constant 4 : i32
    %dma_start3A_643 = arith.constant 512 : i32
    %dma_start3A_644 = arith.constant 0 : i32
    %dma_start3A_645 = tpu.memref_slice %arg13[%dma_start3A_643, %dma_start3A_644] : memref<640x64xf32, #tpu.memory_space<vmem>> -> memref<128x64xf32, #tpu.memory_space<vmem>>
    %dma_start3A_646 = arith.constant 0 : i32
    %dma_start3A_647 = tpu.memref_slice %arg9[%dma_start3A_642, %dma_start3A_646] : memref<5x128xi32, #tpu.memory_space<vmem>> -> memref<1x128xi32, #tpu.memory_space<vmem>>
    %dma_start3A_648 = tpu.memref_squeeze %dma_start3A_647 : memref<1x128xi32, #tpu.memory_space<vmem>> -> memref<128xi32, #tpu.memory_space<vmem>>
    %dma_start3A_649 = arith.constant 0 : i32
    %dma_start3A_650 = arith.constant 0 : i32
    %dma_start3A_651 = tpu.memref_slice %arg3[%dma_start3A_649, %dma_start3A_650] : memref<16384x64xf32, #tpu.memory_space<hbm>> -> memref<16384x64xf32, #tpu.memory_space<hbm>>
    tpu.enqueue_indirect_dma source(%dma_start3A_651 : memref<16384x64xf32, #tpu.memory_space<hbm>>) target(%dma_start3A_645 : memref<128x64xf32, #tpu.memory_space<vmem>>) offsets(%dma_start3A_648 : memref<128xi32, #tpu.memory_space<vmem>>) semaphore(%arg14 : memref<!tpu.dma_semaphore, #tpu.memory_space<semaphore_mem>>)
    %dma_wait3A_652 = arith.constant 0 : i32
    %dma_wait3A_653 = arith.constant 0 : i32
    %dma_wait3A_654 = arith.constant 0 : i32
    %dma_wait3A_655 = tpu.memref_slice %arg13[%dma_wait3A_653, %dma_wait3A_654] : memref<640x64xf32, #tpu.memory_space<vmem>> -> memref<128x64xf32, #tpu.memory_space<vmem>>
    %dma_wait3A_656 = arith.constant 0 : i32
    %dma_wait3A_657 = tpu.memref_slice %arg9[%dma_wait3A_652, %dma_wait3A_656] : memref<5x128xi32, #tpu.memory_space<vmem>> -> memref<1x128xi32, #tpu.memory_space<vmem>>
    %dma_wait3A_658 = tpu.memref_squeeze %dma_wait3A_657 : memref<1x128xi32, #tpu.memory_space<vmem>> -> memref<128xi32, #tpu.memory_space<vmem>>
    %dma_wait3A_659 = arith.constant 0 : i32
    %dma_wait3A_660 = arith.constant 0 : i32
    %dma_wait3A_661 = tpu.memref_slice %arg3[%dma_wait3A_659, %dma_wait3A_660] : memref<16384x64xf32, #tpu.memory_space<hbm>> -> memref<16384x64xf32, #tpu.memory_space<hbm>>
    tpu.wait_indirect_dma semaphore(%arg14 : memref<!tpu.dma_semaphore, #tpu.memory_space<semaphore_mem>>) src(%dma_wait3A_661 : memref<16384x64xf32, #tpu.memory_space<hbm>>) dst(%dma_wait3A_655 : memref<128x64xf32, #tpu.memory_space<vmem>>)
    %dma_wait3A_662 = arith.constant 1 : i32
    %dma_wait3A_663 = arith.constant 128 : i32
    %dma_wait3A_664 = arith.constant 0 : i32
    %dma_wait3A_665 = tpu.memref_slice %arg13[%dma_wait3A_663, %dma_wait3A_664] : memref<640x64xf32, #tpu.memory_space<vmem>> -> memref<128x64xf32, #tpu.memory_space<vmem>>
    %dma_wait3A_666 = arith.constant 0 : i32
    %dma_wait3A_667 = tpu.memref_slice %arg9[%dma_wait3A_662, %dma_wait3A_666] : memref<5x128xi32, #tpu.memory_space<vmem>> -> memref<1x128xi32, #tpu.memory_space<vmem>>
    %dma_wait3A_668 = tpu.memref_squeeze %dma_wait3A_667 : memref<1x128xi32, #tpu.memory_space<vmem>> -> memref<128xi32, #tpu.memory_space<vmem>>
    %dma_wait3A_669 = arith.constant 0 : i32
    %dma_wait3A_670 = arith.constant 0 : i32
    %dma_wait3A_671 = tpu.memref_slice %arg3[%dma_wait3A_669, %dma_wait3A_670] : memref<16384x64xf32, #tpu.memory_space<hbm>> -> memref<16384x64xf32, #tpu.memory_space<hbm>>
    tpu.wait_indirect_dma semaphore(%arg14 : memref<!tpu.dma_semaphore, #tpu.memory_space<semaphore_mem>>) src(%dma_wait3A_671 : memref<16384x64xf32, #tpu.memory_space<hbm>>) dst(%dma_wait3A_665 : memref<128x64xf32, #tpu.memory_space<vmem>>)
    %dma_wait3A_672 = arith.constant 2 : i32
    %dma_wait3A_673 = arith.constant 256 : i32
    %dma_wait3A_674 = arith.constant 0 : i32
    %dma_wait3A_675 = tpu.memref_slice %arg13[%dma_wait3A_673, %dma_wait3A_674] : memref<640x64xf32, #tpu.memory_space<vmem>> -> memref<128x64xf32, #tpu.memory_space<vmem>>
    %dma_wait3A_676 = arith.constant 0 : i32
    %dma_wait3A_677 = tpu.memref_slice %arg9[%dma_wait3A_672, %dma_wait3A_676] : memref<5x128xi32, #tpu.memory_space<vmem>> -> memref<1x128xi32, #tpu.memory_space<vmem>>
    %dma_wait3A_678 = tpu.memref_squeeze %dma_wait3A_677 : memref<1x128xi32, #tpu.memory_space<vmem>> -> memref<128xi32, #tpu.memory_space<vmem>>
    %dma_wait3A_679 = arith.constant 0 : i32
    %dma_wait3A_680 = arith.constant 0 : i32
    %dma_wait3A_681 = tpu.memref_slice %arg3[%dma_wait3A_679, %dma_wait3A_680] : memref<16384x64xf32, #tpu.memory_space<hbm>> -> memref<16384x64xf32, #tpu.memory_space<hbm>>
    tpu.wait_indirect_dma semaphore(%arg14 : memref<!tpu.dma_semaphore, #tpu.memory_space<semaphore_mem>>) src(%dma_wait3A_681 : memref<16384x64xf32, #tpu.memory_space<hbm>>) dst(%dma_wait3A_675 : memref<128x64xf32, #tpu.memory_space<vmem>>)
    %dma_wait3A_682 = arith.constant 3 : i32
    %dma_wait3A_683 = arith.constant 384 : i32
    %dma_wait3A_684 = arith.constant 0 : i32
    %dma_wait3A_685 = tpu.memref_slice %arg13[%dma_wait3A_683, %dma_wait3A_684] : memref<640x64xf32, #tpu.memory_space<vmem>> -> memref<128x64xf32, #tpu.memory_space<vmem>>
    %dma_wait3A_686 = arith.constant 0 : i32
    %dma_wait3A_687 = tpu.memref_slice %arg9[%dma_wait3A_682, %dma_wait3A_686] : memref<5x128xi32, #tpu.memory_space<vmem>> -> memref<1x128xi32, #tpu.memory_space<vmem>>
    %dma_wait3A_688 = tpu.memref_squeeze %dma_wait3A_687 : memref<1x128xi32, #tpu.memory_space<vmem>> -> memref<128xi32, #tpu.memory_space<vmem>>
    %dma_wait3A_689 = arith.constant 0 : i32
    %dma_wait3A_690 = arith.constant 0 : i32
    %dma_wait3A_691 = tpu.memref_slice %arg3[%dma_wait3A_689, %dma_wait3A_690] : memref<16384x64xf32, #tpu.memory_space<hbm>> -> memref<16384x64xf32, #tpu.memory_space<hbm>>
    tpu.wait_indirect_dma semaphore(%arg14 : memref<!tpu.dma_semaphore, #tpu.memory_space<semaphore_mem>>) src(%dma_wait3A_691 : memref<16384x64xf32, #tpu.memory_space<hbm>>) dst(%dma_wait3A_685 : memref<128x64xf32, #tpu.memory_space<vmem>>)
    %dma_wait3A_692 = arith.constant 4 : i32
    %dma_wait3A_693 = arith.constant 512 : i32
    %dma_wait3A_694 = arith.constant 0 : i32
    %dma_wait3A_695 = tpu.memref_slice %arg13[%dma_wait3A_693, %dma_wait3A_694] : memref<640x64xf32, #tpu.memory_space<vmem>> -> memref<128x64xf32, #tpu.memory_space<vmem>>
    %dma_wait3A_696 = arith.constant 0 : i32
    %dma_wait3A_697 = tpu.memref_slice %arg9[%dma_wait3A_692, %dma_wait3A_696] : memref<5x128xi32, #tpu.memory_space<vmem>> -> memref<1x128xi32, #tpu.memory_space<vmem>>
    %dma_wait3A_698 = tpu.memref_squeeze %dma_wait3A_697 : memref<1x128xi32, #tpu.memory_space<vmem>> -> memref<128xi32, #tpu.memory_space<vmem>>
    %dma_wait3A_699 = arith.constant 0 : i32
    %dma_wait3A_700 = arith.constant 0 : i32
    %dma_wait3A_701 = tpu.memref_slice %arg3[%dma_wait3A_699, %dma_wait3A_700] : memref<16384x64xf32, #tpu.memory_space<hbm>> -> memref<16384x64xf32, #tpu.memory_space<hbm>>
    tpu.wait_indirect_dma semaphore(%arg14 : memref<!tpu.dma_semaphore, #tpu.memory_space<semaphore_mem>>) src(%dma_wait3A_701 : memref<16384x64xf32, #tpu.memory_space<hbm>>) dst(%dma_wait3A_695 : memref<128x64xf32, #tpu.memory_space<vmem>>)
    %dma_start3A_702 = arith.constant 0 : i32
    %dma_start3A_703 = tpu.memref_slice %arg4[%add3A_595, %dma_start3A_702] : memref<204800x64xf32, #tpu.memory_space<hbm>> -> memref<640x64xf32, #tpu.memory_space<hbm>>
    %dma_start3A_704 = arith.constant 0 : i32
    %dma_start3A_705 = tpu.memref_slice %arg4[%add3A_595, %dma_start3A_704] : memref<204800x64xf32, #tpu.memory_space<hbm>> -> memref<640x64xf32, #tpu.memory_space<hbm>>
    tpu.enqueue_dma source(%arg13 : memref<640x64xf32, #tpu.memory_space<vmem>>) target(%dma_start3A_705 : memref<640x64xf32, #tpu.memory_space<hbm>>) target_semaphore(%arg15 : memref<!tpu.dma_semaphore, #tpu.memory_space<semaphore_mem>>)
    %dma_start3A_706 = tpu.memref_slice %arg5[%add3A_595] : memref<204800xf32, #tpu.memory_space<hbm>> -> memref<640xf32, #tpu.memory_space<hbm>>
    %dma_start3A_707 = tpu.memref_slice %arg5[%add3A_595] : memref<204800xf32, #tpu.memory_space<hbm>> -> memref<640xf32, #tpu.memory_space<hbm>>
    tpu.enqueue_dma source(%arg11 : memref<640xf32, #tpu.memory_space<vmem>>) target(%dma_start3A_707 : memref<640xf32, #tpu.memory_space<hbm>>) target_semaphore(%arg15 : memref<!tpu.dma_semaphore, #tpu.memory_space<semaphore_mem>>)
    %dma_wait3A_708 = arith.constant 0 : i32
    %dma_wait3A_709 = tpu.memref_slice %arg4[%add3A_475, %dma_wait3A_708] : memref<204800x64xf32, #tpu.memory_space<hbm>> -> memref<640x64xf32, #tpu.memory_space<hbm>>
    %dma_wait3A_710 = arith.constant 0 : i32
    %dma_wait3A_711 = tpu.memref_slice %arg4[%add3A_475, %dma_wait3A_710] : memref<204800x64xf32, #tpu.memory_space<hbm>> -> memref<640x64xf32, #tpu.memory_space<hbm>>
    tpu.wait_dma2 semaphore(%arg15 : memref<!tpu.dma_semaphore, #tpu.memory_space<semaphore_mem>>) src(%arg12 : memref<640x64xf32, #tpu.memory_space<vmem>>) dst(%dma_wait3A_711 : memref<640x64xf32, #tpu.memory_space<hbm>>)
    %dma_wait3A_712 = tpu.memref_slice %arg5[%add3A_475] : memref<204800xf32, #tpu.memory_space<hbm>> -> memref<640xf32, #tpu.memory_space<hbm>>
    %dma_wait3A_713 = tpu.memref_slice %arg5[%add3A_475] : memref<204800xf32, #tpu.memory_space<hbm>> -> memref<640xf32, #tpu.memory_space<hbm>>
    tpu.wait_dma2 semaphore(%arg15 : memref<!tpu.dma_semaphore, #tpu.memory_space<semaphore_mem>>) src(%arg10 : memref<640xf32, #tpu.memory_space<vmem>>) dst(%dma_wait3A_713 : memref<640xf32, #tpu.memory_space<hbm>>)
    %add3A_714 = arith.constant 3840 : i32
    %add3A_715 = arith.addi %mul3A_2, %add3A_714 : i32
    "tpu.region"() ({
      %run_scoped3A = tpu.sem_alloc : memref<!tpu.dma_semaphore, #tpu.memory_space<semaphore_mem>>
      %dma_start3A_1200 = tpu.memref_slice %arg2[%add3A_715] : memref<204800xi32, #tpu.memory_space<hbm>> -> memref<640xi32, #tpu.memory_space<hbm>>
      %dma_start3A_1201 = tpu.memref_slice %arg2[%add3A_715] : memref<204800xi32, #tpu.memory_space<hbm>> -> memref<640xi32, #tpu.memory_space<hbm>>
      tpu.enqueue_dma source(%dma_start3A_1201 : memref<640xi32, #tpu.memory_space<hbm>>) target(%arg6 : memref<640xi32, #tpu.memory_space<vmem>>) target_semaphore(%run_scoped3A : memref<!tpu.dma_semaphore, #tpu.memory_space<semaphore_mem>>)
      %dma_wait3A_1202 = tpu.memref_slice %arg2[%add3A_715] : memref<204800xi32, #tpu.memory_space<hbm>> -> memref<640xi32, #tpu.memory_space<hbm>>
      %dma_wait3A_1203 = tpu.memref_slice %arg2[%add3A_715] : memref<204800xi32, #tpu.memory_space<hbm>> -> memref<640xi32, #tpu.memory_space<hbm>>
      tpu.wait_dma2 semaphore(%run_scoped3A : memref<!tpu.dma_semaphore, #tpu.memory_space<semaphore_mem>>) src(%dma_wait3A_1203 : memref<640xi32, #tpu.memory_space<hbm>>) dst(%arg6 : memref<640xi32, #tpu.memory_space<vmem>>)
      tpu.yield
    }) : () -> ()
    %scan3A_716 = arith.constant 0 : i32
    %scan3A_717 = arith.constant 0 : i32
    %scan3A_718 = arith.constant 40 : i32
    %scan3A_719 = arith.addi %scan3A_717, %scan3A_718 : i32
    %scan3A_720 = arith.constant 1 : i32
    scf.for %scan3A_1200 = %scan3A_717 to %scan3A_719 step %scan3A_720  : i32 {
      %jit3A = arith.constant 8 : i32
      %div3A = arith.divsi %scan3A_1200, %jit3A : i32
      %sign3A = arith.constant 0 : i32
      %sign3A_1201 = arith.cmpi sgt, %scan3A_1200, %sign3A : i32
      %sign3A_1202 = arith.extui %sign3A_1201 : i1 to i32
      %sign3A_1203 = arith.constant 0 : i32
      %sign3A_1204 = arith.cmpi slt, %scan3A_1200, %sign3A_1203 : i32
      %sign3A_1205 = arith.extui %sign3A_1204 : i1 to i32
      %sign3A_1206 = arith.subi %sign3A_1202, %sign3A_1205 : i32
      %sign3A_1207 = arith.constant 0 : i32
      %sign3A_1208 = arith.cmpi sgt, %jit3A, %sign3A_1207 : i32
      %sign3A_1209 = arith.extui %sign3A_1208 : i1 to i32
      %sign3A_1210 = arith.constant 0 : i32
      %sign3A_1211 = arith.cmpi slt, %jit3A, %sign3A_1210 : i32
      %sign3A_1212 = arith.extui %sign3A_1211 : i1 to i32
      %sign3A_1213 = arith.subi %sign3A_1209, %sign3A_1212 : i32
      %ne3A = arith.cmpi ne, %sign3A_1206, %sign3A_1213 : i32
      %rem3A = arith.remsi %scan3A_1200, %jit3A : i32
      %ne3A_1214 = arith.constant 0 : i32
      %ne3A_1215 = arith.cmpi ne, %rem3A, %ne3A_1214 : i32
      %and3A = arith.andi %ne3A, %ne3A_1215 : i1
      %sub3A = arith.constant 1 : i32
      %sub3A_1216 = arith.subi %div3A, %sub3A : i32
      %select_n3A = arith.select %and3A, %sub3A_1216, %div3A : i32
      %jit3A_1217 = arith.constant 8 : i32
      %eq3A = arith.constant 0 : i32
      %eq3A_1218 = arith.cmpi eq, %jit3A_1217, %eq3A : i32
      %jit3A_1219 = arith.constant 1 : i32
      %select_n3A_1220 = arith.select %eq3A_1218, %jit3A_1219, %jit3A_1217 : i32
      %rem3A_1221 = arith.remsi %scan3A_1200, %select_n3A_1220 : i32
      %ne3A_1222 = arith.constant 0 : i32
      %ne3A_1223 = arith.cmpi ne, %rem3A_1221, %ne3A_1222 : i32
      %lt3A = arith.constant 0 : i32
      %lt3A_1224 = arith.cmpi slt, %rem3A_1221, %lt3A : i32
      %lt3A_1225 = arith.constant 0 : i32
      %lt3A_1226 = arith.cmpi slt, %select_n3A_1220, %lt3A_1225 : i32
      %ne3A_1227 = arith.xori %lt3A_1224, %lt3A_1226 : i1
      %and3A_1228 = arith.andi %ne3A_1227, %ne3A_1223 : i1
      %add3A_1229 = arith.addi %rem3A_1221, %select_n3A_1220 : i32
      %select_n3A_1230 = arith.select %and3A_1228, %add3A_1229, %rem3A_1221 : i32
      %mul3A_1231 = arith.constant 128 : i32
      %mul3A_1232 = arith.muli %select_n3A, %mul3A_1231 : i32
      %mul3A_1233 = arith.constant 16 : i32
      %mul3A_1234 = arith.muli %select_n3A_1230, %mul3A_1233 : i32
      %add3A_1235 = arith.addi %mul3A_1232, %mul3A_1234 : i32
      %get3A = arith.index_cast %add3A_1235 : i32 to index
      %get3A_1236 = tpu.vector_load %arg6[%get3A] {strides = array<i32>} : memref<640xi32, #tpu.memory_space<vmem>>, vector<16xi32>,
      %get3A_1237 = vector.shape_cast %get3A_1236 : vector<16xi32> to vector<16xi32>
      %and3A_1238 = arith.constant 16383 : i32
      %and3A_1239 = vector.broadcast %and3A_1238 : i32 to vector<16xi32>
      %and3A_1240 = arith.andi %get3A_1237, %and3A_1239 : vector<16xi32>
      %mul3A_1241 = arith.constant 16 : i32
      %mul3A_1242 = arith.muli %select_n3A_1230, %mul3A_1241 : i32
      %swap3A = arith.index_cast %select_n3A : i32 to index
      %swap3A_1243 = arith.index_cast %mul3A_1242 : i32 to index
      %swap3A_1244 = tpu.vector_load %arg8[%swap3A, %swap3A_1243] {strides = array<i32>} : memref<5x128xi32, #tpu.memory_space<vmem>>, vector<1x16xi32>,
      %swap3A_1245 = vector.shape_cast %swap3A_1244 : vector<1x16xi32> to vector<16xi32>
      %swap3A_1246 = vector.shape_cast %and3A_1240 : vector<16xi32> to vector<1x16xi32>
      tpu.vector_store %arg8[%swap3A, %swap3A_1243], %swap3A_1246 {strides = array<i32>} : memref<5x128xi32, #tpu.memory_space<vmem>>, vector<1x16xi32>,
      %and3A_1247 = arith.constant 49152 : i32
      %and3A_1248 = vector.broadcast %and3A_1247 : i32 to vector<16xi32>
      %and3A_1249 = arith.andi %get3A_1237, %and3A_1248 : vector<16xi32>
      %eq3A_1250 = arith.constant 0 : i32
      %eq3A_1251 = vector.broadcast %eq3A_1250 : i32 to vector<16xi32>
      %eq3A_1252 = arith.cmpi eq, %and3A_1249, %eq3A_1251 : vector<16xi32>
      %jit3A_1253 = arith.constant 1.000000e+00 : f32
      %jit3A_1254 = arith.constant 0.000000e+00 : f32
      %broadcast_in_dim3A = vector.broadcast %jit3A_1253 : f32 to vector<16xf32>
      %broadcast_in_dim3A_1255 = vector.broadcast %jit3A_1254 : f32 to vector<16xf32>
      %select_n3A_1256 = arith.select %eq3A_1252, %broadcast_in_dim3A, %broadcast_in_dim3A_1255 : vector<16xi1>, vector<16xf32>
      %mul3A_1257 = arith.constant 128 : i32
      %mul3A_1258 = arith.muli %select_n3A, %mul3A_1257 : i32
      %mul3A_1259 = arith.constant 16 : i32
      %mul3A_1260 = arith.muli %select_n3A_1230, %mul3A_1259 : i32
      %add3A_1261 = arith.addi %mul3A_1258, %mul3A_1260 : i32
      %swap3A_1262 = arith.index_cast %add3A_1261 : i32 to index
      %swap3A_1263 = tpu.vector_load %arg10[%swap3A_1262] {strides = array<i32>} : memref<640xf32, #tpu.memory_space<vmem>>, vector<16xf32>,
      %swap3A_1264 = vector.shape_cast %swap3A_1263 : vector<16xf32> to vector<16xf32>
      %swap3A_1265 = vector.shape_cast %select_n3A_1256 : vector<16xf32> to vector<16xf32>
      tpu.vector_store %arg10[%swap3A_1262], %swap3A_1265 {strides = array<i32>} : memref<640xf32, #tpu.memory_space<vmem>>, vector<16xf32>,
    }
    %scan3A_721 = arith.constant 40 : i32
    %dma_start3A_722 = arith.constant 0 : i32
    %dma_start3A_723 = arith.constant 0 : i32
    %dma_start3A_724 = arith.constant 0 : i32
    %dma_start3A_725 = tpu.memref_slice %arg12[%dma_start3A_723, %dma_start3A_724] : memref<640x64xf32, #tpu.memory_space<vmem>> -> memref<128x64xf32, #tpu.memory_space<vmem>>
    %dma_start3A_726 = arith.constant 0 : i32
    %dma_start3A_727 = tpu.memref_slice %arg8[%dma_start3A_722, %dma_start3A_726] : memref<5x128xi32, #tpu.memory_space<vmem>> -> memref<1x128xi32, #tpu.memory_space<vmem>>
    %dma_start3A_728 = tpu.memref_squeeze %dma_start3A_727 : memref<1x128xi32, #tpu.memory_space<vmem>> -> memref<128xi32, #tpu.memory_space<vmem>>
    %dma_start3A_729 = arith.constant 0 : i32
    %dma_start3A_730 = arith.constant 0 : i32
    %dma_start3A_731 = tpu.memref_slice %arg3[%dma_start3A_729, %dma_start3A_730] : memref<16384x64xf32, #tpu.memory_space<hbm>> -> memref<16384x64xf32, #tpu.memory_space<hbm>>
    tpu.enqueue_indirect_dma source(%dma_start3A_731 : memref<16384x64xf32, #tpu.memory_space<hbm>>) target(%dma_start3A_725 : memref<128x64xf32, #tpu.memory_space<vmem>>) offsets(%dma_start3A_728 : memref<128xi32, #tpu.memory_space<vmem>>) semaphore(%arg14 : memref<!tpu.dma_semaphore, #tpu.memory_space<semaphore_mem>>)
    %dma_start3A_732 = arith.constant 1 : i32
    %dma_start3A_733 = arith.constant 128 : i32
    %dma_start3A_734 = arith.constant 0 : i32
    %dma_start3A_735 = tpu.memref_slice %arg12[%dma_start3A_733, %dma_start3A_734] : memref<640x64xf32, #tpu.memory_space<vmem>> -> memref<128x64xf32, #tpu.memory_space<vmem>>
    %dma_start3A_736 = arith.constant 0 : i32
    %dma_start3A_737 = tpu.memref_slice %arg8[%dma_start3A_732, %dma_start3A_736] : memref<5x128xi32, #tpu.memory_space<vmem>> -> memref<1x128xi32, #tpu.memory_space<vmem>>
    %dma_start3A_738 = tpu.memref_squeeze %dma_start3A_737 : memref<1x128xi32, #tpu.memory_space<vmem>> -> memref<128xi32, #tpu.memory_space<vmem>>
    %dma_start3A_739 = arith.constant 0 : i32
    %dma_start3A_740 = arith.constant 0 : i32
    %dma_start3A_741 = tpu.memref_slice %arg3[%dma_start3A_739, %dma_start3A_740] : memref<16384x64xf32, #tpu.memory_space<hbm>> -> memref<16384x64xf32, #tpu.memory_space<hbm>>
    tpu.enqueue_indirect_dma source(%dma_start3A_741 : memref<16384x64xf32, #tpu.memory_space<hbm>>) target(%dma_start3A_735 : memref<128x64xf32, #tpu.memory_space<vmem>>) offsets(%dma_start3A_738 : memref<128xi32, #tpu.memory_space<vmem>>) semaphore(%arg14 : memref<!tpu.dma_semaphore, #tpu.memory_space<semaphore_mem>>)
    %dma_start3A_742 = arith.constant 2 : i32
    %dma_start3A_743 = arith.constant 256 : i32
    %dma_start3A_744 = arith.constant 0 : i32
    %dma_start3A_745 = tpu.memref_slice %arg12[%dma_start3A_743, %dma_start3A_744] : memref<640x64xf32, #tpu.memory_space<vmem>> -> memref<128x64xf32, #tpu.memory_space<vmem>>
    %dma_start3A_746 = arith.constant 0 : i32
    %dma_start3A_747 = tpu.memref_slice %arg8[%dma_start3A_742, %dma_start3A_746] : memref<5x128xi32, #tpu.memory_space<vmem>> -> memref<1x128xi32, #tpu.memory_space<vmem>>
    %dma_start3A_748 = tpu.memref_squeeze %dma_start3A_747 : memref<1x128xi32, #tpu.memory_space<vmem>> -> memref<128xi32, #tpu.memory_space<vmem>>
    %dma_start3A_749 = arith.constant 0 : i32
    %dma_start3A_750 = arith.constant 0 : i32
    %dma_start3A_751 = tpu.memref_slice %arg3[%dma_start3A_749, %dma_start3A_750] : memref<16384x64xf32, #tpu.memory_space<hbm>> -> memref<16384x64xf32, #tpu.memory_space<hbm>>
    tpu.enqueue_indirect_dma source(%dma_start3A_751 : memref<16384x64xf32, #tpu.memory_space<hbm>>) target(%dma_start3A_745 : memref<128x64xf32, #tpu.memory_space<vmem>>) offsets(%dma_start3A_748 : memref<128xi32, #tpu.memory_space<vmem>>) semaphore(%arg14 : memref<!tpu.dma_semaphore, #tpu.memory_space<semaphore_mem>>)
    %dma_start3A_752 = arith.constant 3 : i32
    %dma_start3A_753 = arith.constant 384 : i32
    %dma_start3A_754 = arith.constant 0 : i32
    %dma_start3A_755 = tpu.memref_slice %arg12[%dma_start3A_753, %dma_start3A_754] : memref<640x64xf32, #tpu.memory_space<vmem>> -> memref<128x64xf32, #tpu.memory_space<vmem>>
    %dma_start3A_756 = arith.constant 0 : i32
    %dma_start3A_757 = tpu.memref_slice %arg8[%dma_start3A_752, %dma_start3A_756] : memref<5x128xi32, #tpu.memory_space<vmem>> -> memref<1x128xi32, #tpu.memory_space<vmem>>
    %dma_start3A_758 = tpu.memref_squeeze %dma_start3A_757 : memref<1x128xi32, #tpu.memory_space<vmem>> -> memref<128xi32, #tpu.memory_space<vmem>>
    %dma_start3A_759 = arith.constant 0 : i32
    %dma_start3A_760 = arith.constant 0 : i32
    %dma_start3A_761 = tpu.memref_slice %arg3[%dma_start3A_759, %dma_start3A_760] : memref<16384x64xf32, #tpu.memory_space<hbm>> -> memref<16384x64xf32, #tpu.memory_space<hbm>>
    tpu.enqueue_indirect_dma source(%dma_start3A_761 : memref<16384x64xf32, #tpu.memory_space<hbm>>) target(%dma_start3A_755 : memref<128x64xf32, #tpu.memory_space<vmem>>) offsets(%dma_start3A_758 : memref<128xi32, #tpu.memory_space<vmem>>) semaphore(%arg14 : memref<!tpu.dma_semaphore, #tpu.memory_space<semaphore_mem>>)
    %dma_start3A_762 = arith.constant 4 : i32
    %dma_start3A_763 = arith.constant 512 : i32
    %dma_start3A_764 = arith.constant 0 : i32
    %dma_start3A_765 = tpu.memref_slice %arg12[%dma_start3A_763, %dma_start3A_764] : memref<640x64xf32, #tpu.memory_space<vmem>> -> memref<128x64xf32, #tpu.memory_space<vmem>>
    %dma_start3A_766 = arith.constant 0 : i32
    %dma_start3A_767 = tpu.memref_slice %arg8[%dma_start3A_762, %dma_start3A_766] : memref<5x128xi32, #tpu.memory_space<vmem>> -> memref<1x128xi32, #tpu.memory_space<vmem>>
    %dma_start3A_768 = tpu.memref_squeeze %dma_start3A_767 : memref<1x128xi32, #tpu.memory_space<vmem>> -> memref<128xi32, #tpu.memory_space<vmem>>
    %dma_start3A_769 = arith.constant 0 : i32
    %dma_start3A_770 = arith.constant 0 : i32
    %dma_start3A_771 = tpu.memref_slice %arg3[%dma_start3A_769, %dma_start3A_770] : memref<16384x64xf32, #tpu.memory_space<hbm>> -> memref<16384x64xf32, #tpu.memory_space<hbm>>
    tpu.enqueue_indirect_dma source(%dma_start3A_771 : memref<16384x64xf32, #tpu.memory_space<hbm>>) target(%dma_start3A_765 : memref<128x64xf32, #tpu.memory_space<vmem>>) offsets(%dma_start3A_768 : memref<128xi32, #tpu.memory_space<vmem>>) semaphore(%arg14 : memref<!tpu.dma_semaphore, #tpu.memory_space<semaphore_mem>>)
    %dma_wait3A_772 = arith.constant 0 : i32
    %dma_wait3A_773 = arith.constant 0 : i32
    %dma_wait3A_774 = arith.constant 0 : i32
    %dma_wait3A_775 = tpu.memref_slice %arg12[%dma_wait3A_773, %dma_wait3A_774] : memref<640x64xf32, #tpu.memory_space<vmem>> -> memref<128x64xf32, #tpu.memory_space<vmem>>
    %dma_wait3A_776 = arith.constant 0 : i32
    %dma_wait3A_777 = tpu.memref_slice %arg8[%dma_wait3A_772, %dma_wait3A_776] : memref<5x128xi32, #tpu.memory_space<vmem>> -> memref<1x128xi32, #tpu.memory_space<vmem>>
    %dma_wait3A_778 = tpu.memref_squeeze %dma_wait3A_777 : memref<1x128xi32, #tpu.memory_space<vmem>> -> memref<128xi32, #tpu.memory_space<vmem>>
    %dma_wait3A_779 = arith.constant 0 : i32
    %dma_wait3A_780 = arith.constant 0 : i32
    %dma_wait3A_781 = tpu.memref_slice %arg3[%dma_wait3A_779, %dma_wait3A_780] : memref<16384x64xf32, #tpu.memory_space<hbm>> -> memref<16384x64xf32, #tpu.memory_space<hbm>>
    tpu.wait_indirect_dma semaphore(%arg14 : memref<!tpu.dma_semaphore, #tpu.memory_space<semaphore_mem>>) src(%dma_wait3A_781 : memref<16384x64xf32, #tpu.memory_space<hbm>>) dst(%dma_wait3A_775 : memref<128x64xf32, #tpu.memory_space<vmem>>)
    %dma_wait3A_782 = arith.constant 1 : i32
    %dma_wait3A_783 = arith.constant 128 : i32
    %dma_wait3A_784 = arith.constant 0 : i32
    %dma_wait3A_785 = tpu.memref_slice %arg12[%dma_wait3A_783, %dma_wait3A_784] : memref<640x64xf32, #tpu.memory_space<vmem>> -> memref<128x64xf32, #tpu.memory_space<vmem>>
    %dma_wait3A_786 = arith.constant 0 : i32
    %dma_wait3A_787 = tpu.memref_slice %arg8[%dma_wait3A_782, %dma_wait3A_786] : memref<5x128xi32, #tpu.memory_space<vmem>> -> memref<1x128xi32, #tpu.memory_space<vmem>>
    %dma_wait3A_788 = tpu.memref_squeeze %dma_wait3A_787 : memref<1x128xi32, #tpu.memory_space<vmem>> -> memref<128xi32, #tpu.memory_space<vmem>>
    %dma_wait3A_789 = arith.constant 0 : i32
    %dma_wait3A_790 = arith.constant 0 : i32
    %dma_wait3A_791 = tpu.memref_slice %arg3[%dma_wait3A_789, %dma_wait3A_790] : memref<16384x64xf32, #tpu.memory_space<hbm>> -> memref<16384x64xf32, #tpu.memory_space<hbm>>
    tpu.wait_indirect_dma semaphore(%arg14 : memref<!tpu.dma_semaphore, #tpu.memory_space<semaphore_mem>>) src(%dma_wait3A_791 : memref<16384x64xf32, #tpu.memory_space<hbm>>) dst(%dma_wait3A_785 : memref<128x64xf32, #tpu.memory_space<vmem>>)
    %dma_wait3A_792 = arith.constant 2 : i32
    %dma_wait3A_793 = arith.constant 256 : i32
    %dma_wait3A_794 = arith.constant 0 : i32
    %dma_wait3A_795 = tpu.memref_slice %arg12[%dma_wait3A_793, %dma_wait3A_794] : memref<640x64xf32, #tpu.memory_space<vmem>> -> memref<128x64xf32, #tpu.memory_space<vmem>>
    %dma_wait3A_796 = arith.constant 0 : i32
    %dma_wait3A_797 = tpu.memref_slice %arg8[%dma_wait3A_792, %dma_wait3A_796] : memref<5x128xi32, #tpu.memory_space<vmem>> -> memref<1x128xi32, #tpu.memory_space<vmem>>
    %dma_wait3A_798 = tpu.memref_squeeze %dma_wait3A_797 : memref<1x128xi32, #tpu.memory_space<vmem>> -> memref<128xi32, #tpu.memory_space<vmem>>
    %dma_wait3A_799 = arith.constant 0 : i32
    %dma_wait3A_800 = arith.constant 0 : i32
    %dma_wait3A_801 = tpu.memref_slice %arg3[%dma_wait3A_799, %dma_wait3A_800] : memref<16384x64xf32, #tpu.memory_space<hbm>> -> memref<16384x64xf32, #tpu.memory_space<hbm>>
    tpu.wait_indirect_dma semaphore(%arg14 : memref<!tpu.dma_semaphore, #tpu.memory_space<semaphore_mem>>) src(%dma_wait3A_801 : memref<16384x64xf32, #tpu.memory_space<hbm>>) dst(%dma_wait3A_795 : memref<128x64xf32, #tpu.memory_space<vmem>>)
    %dma_wait3A_802 = arith.constant 3 : i32
    %dma_wait3A_803 = arith.constant 384 : i32
    %dma_wait3A_804 = arith.constant 0 : i32
    %dma_wait3A_805 = tpu.memref_slice %arg12[%dma_wait3A_803, %dma_wait3A_804] : memref<640x64xf32, #tpu.memory_space<vmem>> -> memref<128x64xf32, #tpu.memory_space<vmem>>
    %dma_wait3A_806 = arith.constant 0 : i32
    %dma_wait3A_807 = tpu.memref_slice %arg8[%dma_wait3A_802, %dma_wait3A_806] : memref<5x128xi32, #tpu.memory_space<vmem>> -> memref<1x128xi32, #tpu.memory_space<vmem>>
    %dma_wait3A_808 = tpu.memref_squeeze %dma_wait3A_807 : memref<1x128xi32, #tpu.memory_space<vmem>> -> memref<128xi32, #tpu.memory_space<vmem>>
    %dma_wait3A_809 = arith.constant 0 : i32
    %dma_wait3A_810 = arith.constant 0 : i32
    %dma_wait3A_811 = tpu.memref_slice %arg3[%dma_wait3A_809, %dma_wait3A_810] : memref<16384x64xf32, #tpu.memory_space<hbm>> -> memref<16384x64xf32, #tpu.memory_space<hbm>>
    tpu.wait_indirect_dma semaphore(%arg14 : memref<!tpu.dma_semaphore, #tpu.memory_space<semaphore_mem>>) src(%dma_wait3A_811 : memref<16384x64xf32, #tpu.memory_space<hbm>>) dst(%dma_wait3A_805 : memref<128x64xf32, #tpu.memory_space<vmem>>)
    %dma_wait3A_812 = arith.constant 4 : i32
    %dma_wait3A_813 = arith.constant 512 : i32
    %dma_wait3A_814 = arith.constant 0 : i32
    %dma_wait3A_815 = tpu.memref_slice %arg12[%dma_wait3A_813, %dma_wait3A_814] : memref<640x64xf32, #tpu.memory_space<vmem>> -> memref<128x64xf32, #tpu.memory_space<vmem>>
    %dma_wait3A_816 = arith.constant 0 : i32
    %dma_wait3A_817 = tpu.memref_slice %arg8[%dma_wait3A_812, %dma_wait3A_816] : memref<5x128xi32, #tpu.memory_space<vmem>> -> memref<1x128xi32, #tpu.memory_space<vmem>>
    %dma_wait3A_818 = tpu.memref_squeeze %dma_wait3A_817 : memref<1x128xi32, #tpu.memory_space<vmem>> -> memref<128xi32, #tpu.memory_space<vmem>>
    %dma_wait3A_819 = arith.constant 0 : i32
    %dma_wait3A_820 = arith.constant 0 : i32
    %dma_wait3A_821 = tpu.memref_slice %arg3[%dma_wait3A_819, %dma_wait3A_820] : memref<16384x64xf32, #tpu.memory_space<hbm>> -> memref<16384x64xf32, #tpu.memory_space<hbm>>
    tpu.wait_indirect_dma semaphore(%arg14 : memref<!tpu.dma_semaphore, #tpu.memory_space<semaphore_mem>>) src(%dma_wait3A_821 : memref<16384x64xf32, #tpu.memory_space<hbm>>) dst(%dma_wait3A_815 : memref<128x64xf32, #tpu.memory_space<vmem>>)
    %dma_start3A_822 = arith.constant 0 : i32
    %dma_start3A_823 = tpu.memref_slice %arg4[%add3A_715, %dma_start3A_822] : memref<204800x64xf32, #tpu.memory_space<hbm>> -> memref<640x64xf32, #tpu.memory_space<hbm>>
    %dma_start3A_824 = arith.constant 0 : i32
    %dma_start3A_825 = tpu.memref_slice %arg4[%add3A_715, %dma_start3A_824] : memref<204800x64xf32, #tpu.memory_space<hbm>> -> memref<640x64xf32, #tpu.memory_space<hbm>>
    tpu.enqueue_dma source(%arg12 : memref<640x64xf32, #tpu.memory_space<vmem>>) target(%dma_start3A_825 : memref<640x64xf32, #tpu.memory_space<hbm>>) target_semaphore(%arg15 : memref<!tpu.dma_semaphore, #tpu.memory_space<semaphore_mem>>)
    %dma_start3A_826 = tpu.memref_slice %arg5[%add3A_715] : memref<204800xf32, #tpu.memory_space<hbm>> -> memref<640xf32, #tpu.memory_space<hbm>>
    %dma_start3A_827 = tpu.memref_slice %arg5[%add3A_715] : memref<204800xf32, #tpu.memory_space<hbm>> -> memref<640xf32, #tpu.memory_space<hbm>>
    tpu.enqueue_dma source(%arg10 : memref<640xf32, #tpu.memory_space<vmem>>) target(%dma_start3A_827 : memref<640xf32, #tpu.memory_space<hbm>>) target_semaphore(%arg15 : memref<!tpu.dma_semaphore, #tpu.memory_space<semaphore_mem>>)
    %dma_wait3A_828 = arith.constant 0 : i32
    %dma_wait3A_829 = tpu.memref_slice %arg4[%add3A_595, %dma_wait3A_828] : memref<204800x64xf32, #tpu.memory_space<hbm>> -> memref<640x64xf32, #tpu.memory_space<hbm>>
    %dma_wait3A_830 = arith.constant 0 : i32
    %dma_wait3A_831 = tpu.memref_slice %arg4[%add3A_595, %dma_wait3A_830] : memref<204800x64xf32, #tpu.memory_space<hbm>> -> memref<640x64xf32, #tpu.memory_space<hbm>>
    tpu.wait_dma2 semaphore(%arg15 : memref<!tpu.dma_semaphore, #tpu.memory_space<semaphore_mem>>) src(%arg13 : memref<640x64xf32, #tpu.memory_space<vmem>>) dst(%dma_wait3A_831 : memref<640x64xf32, #tpu.memory_space<hbm>>)
    %dma_wait3A_832 = tpu.memref_slice %arg5[%add3A_595] : memref<204800xf32, #tpu.memory_space<hbm>> -> memref<640xf32, #tpu.memory_space<hbm>>
    %dma_wait3A_833 = tpu.memref_slice %arg5[%add3A_595] : memref<204800xf32, #tpu.memory_space<hbm>> -> memref<640xf32, #tpu.memory_space<hbm>>
    tpu.wait_dma2 semaphore(%arg15 : memref<!tpu.dma_semaphore, #tpu.memory_space<semaphore_mem>>) src(%arg11 : memref<640xf32, #tpu.memory_space<vmem>>) dst(%dma_wait3A_833 : memref<640xf32, #tpu.memory_space<hbm>>)
    %add3A_834 = arith.constant 4480 : i32
    %add3A_835 = arith.addi %mul3A_2, %add3A_834 : i32
    "tpu.region"() ({
      %run_scoped3A = tpu.sem_alloc : memref<!tpu.dma_semaphore, #tpu.memory_space<semaphore_mem>>
      %dma_start3A_1200 = tpu.memref_slice %arg2[%add3A_835] : memref<204800xi32, #tpu.memory_space<hbm>> -> memref<640xi32, #tpu.memory_space<hbm>>
      %dma_start3A_1201 = tpu.memref_slice %arg2[%add3A_835] : memref<204800xi32, #tpu.memory_space<hbm>> -> memref<640xi32, #tpu.memory_space<hbm>>
      tpu.enqueue_dma source(%dma_start3A_1201 : memref<640xi32, #tpu.memory_space<hbm>>) target(%arg7 : memref<640xi32, #tpu.memory_space<vmem>>) target_semaphore(%run_scoped3A : memref<!tpu.dma_semaphore, #tpu.memory_space<semaphore_mem>>)
      %dma_wait3A_1202 = tpu.memref_slice %arg2[%add3A_835] : memref<204800xi32, #tpu.memory_space<hbm>> -> memref<640xi32, #tpu.memory_space<hbm>>
      %dma_wait3A_1203 = tpu.memref_slice %arg2[%add3A_835] : memref<204800xi32, #tpu.memory_space<hbm>> -> memref<640xi32, #tpu.memory_space<hbm>>
      tpu.wait_dma2 semaphore(%run_scoped3A : memref<!tpu.dma_semaphore, #tpu.memory_space<semaphore_mem>>) src(%dma_wait3A_1203 : memref<640xi32, #tpu.memory_space<hbm>>) dst(%arg7 : memref<640xi32, #tpu.memory_space<vmem>>)
      tpu.yield
    }) : () -> ()
    %scan3A_836 = arith.constant 0 : i32
    %scan3A_837 = arith.constant 0 : i32
    %scan3A_838 = arith.constant 40 : i32
    %scan3A_839 = arith.addi %scan3A_837, %scan3A_838 : i32
    %scan3A_840 = arith.constant 1 : i32
    scf.for %scan3A_1200 = %scan3A_837 to %scan3A_839 step %scan3A_840  : i32 {
      %jit3A = arith.constant 8 : i32
      %div3A = arith.divsi %scan3A_1200, %jit3A : i32
      %sign3A = arith.constant 0 : i32
      %sign3A_1201 = arith.cmpi sgt, %scan3A_1200, %sign3A : i32
      %sign3A_1202 = arith.extui %sign3A_1201 : i1 to i32
      %sign3A_1203 = arith.constant 0 : i32
      %sign3A_1204 = arith.cmpi slt, %scan3A_1200, %sign3A_1203 : i32
      %sign3A_1205 = arith.extui %sign3A_1204 : i1 to i32
      %sign3A_1206 = arith.subi %sign3A_1202, %sign3A_1205 : i32
      %sign3A_1207 = arith.constant 0 : i32
      %sign3A_1208 = arith.cmpi sgt, %jit3A, %sign3A_1207 : i32
      %sign3A_1209 = arith.extui %sign3A_1208 : i1 to i32
      %sign3A_1210 = arith.constant 0 : i32
      %sign3A_1211 = arith.cmpi slt, %jit3A, %sign3A_1210 : i32
      %sign3A_1212 = arith.extui %sign3A_1211 : i1 to i32
      %sign3A_1213 = arith.subi %sign3A_1209, %sign3A_1212 : i32
      %ne3A = arith.cmpi ne, %sign3A_1206, %sign3A_1213 : i32
      %rem3A = arith.remsi %scan3A_1200, %jit3A : i32
      %ne3A_1214 = arith.constant 0 : i32
      %ne3A_1215 = arith.cmpi ne, %rem3A, %ne3A_1214 : i32
      %and3A = arith.andi %ne3A, %ne3A_1215 : i1
      %sub3A = arith.constant 1 : i32
      %sub3A_1216 = arith.subi %div3A, %sub3A : i32
      %select_n3A = arith.select %and3A, %sub3A_1216, %div3A : i32
      %jit3A_1217 = arith.constant 8 : i32
      %eq3A = arith.constant 0 : i32
      %eq3A_1218 = arith.cmpi eq, %jit3A_1217, %eq3A : i32
      %jit3A_1219 = arith.constant 1 : i32
      %select_n3A_1220 = arith.select %eq3A_1218, %jit3A_1219, %jit3A_1217 : i32
      %rem3A_1221 = arith.remsi %scan3A_1200, %select_n3A_1220 : i32
      %ne3A_1222 = arith.constant 0 : i32
      %ne3A_1223 = arith.cmpi ne, %rem3A_1221, %ne3A_1222 : i32
      %lt3A = arith.constant 0 : i32
      %lt3A_1224 = arith.cmpi slt, %rem3A_1221, %lt3A : i32
      %lt3A_1225 = arith.constant 0 : i32
      %lt3A_1226 = arith.cmpi slt, %select_n3A_1220, %lt3A_1225 : i32
      %ne3A_1227 = arith.xori %lt3A_1224, %lt3A_1226 : i1
      %and3A_1228 = arith.andi %ne3A_1227, %ne3A_1223 : i1
      %add3A_1229 = arith.addi %rem3A_1221, %select_n3A_1220 : i32
      %select_n3A_1230 = arith.select %and3A_1228, %add3A_1229, %rem3A_1221 : i32
      %mul3A_1231 = arith.constant 128 : i32
      %mul3A_1232 = arith.muli %select_n3A, %mul3A_1231 : i32
      %mul3A_1233 = arith.constant 16 : i32
      %mul3A_1234 = arith.muli %select_n3A_1230, %mul3A_1233 : i32
      %add3A_1235 = arith.addi %mul3A_1232, %mul3A_1234 : i32
      %get3A = arith.index_cast %add3A_1235 : i32 to index
      %get3A_1236 = tpu.vector_load %arg7[%get3A] {strides = array<i32>} : memref<640xi32, #tpu.memory_space<vmem>>, vector<16xi32>,
      %get3A_1237 = vector.shape_cast %get3A_1236 : vector<16xi32> to vector<16xi32>
      %and3A_1238 = arith.constant 16383 : i32
      %and3A_1239 = vector.broadcast %and3A_1238 : i32 to vector<16xi32>
      %and3A_1240 = arith.andi %get3A_1237, %and3A_1239 : vector<16xi32>
      %mul3A_1241 = arith.constant 16 : i32
      %mul3A_1242 = arith.muli %select_n3A_1230, %mul3A_1241 : i32
      %swap3A = arith.index_cast %select_n3A : i32 to index
      %swap3A_1243 = arith.index_cast %mul3A_1242 : i32 to index
      %swap3A_1244 = tpu.vector_load %arg9[%swap3A, %swap3A_1243] {strides = array<i32>} : memref<5x128xi32, #tpu.memory_space<vmem>>, vector<1x16xi32>,
      %swap3A_1245 = vector.shape_cast %swap3A_1244 : vector<1x16xi32> to vector<16xi32>
      %swap3A_1246 = vector.shape_cast %and3A_1240 : vector<16xi32> to vector<1x16xi32>
      tpu.vector_store %arg9[%swap3A, %swap3A_1243], %swap3A_1246 {strides = array<i32>} : memref<5x128xi32, #tpu.memory_space<vmem>>, vector<1x16xi32>,
      %and3A_1247 = arith.constant 49152 : i32
      %and3A_1248 = vector.broadcast %and3A_1247 : i32 to vector<16xi32>
      %and3A_1249 = arith.andi %get3A_1237, %and3A_1248 : vector<16xi32>
      %eq3A_1250 = arith.constant 0 : i32
      %eq3A_1251 = vector.broadcast %eq3A_1250 : i32 to vector<16xi32>
      %eq3A_1252 = arith.cmpi eq, %and3A_1249, %eq3A_1251 : vector<16xi32>
      %jit3A_1253 = arith.constant 1.000000e+00 : f32
      %jit3A_1254 = arith.constant 0.000000e+00 : f32
      %broadcast_in_dim3A = vector.broadcast %jit3A_1253 : f32 to vector<16xf32>
      %broadcast_in_dim3A_1255 = vector.broadcast %jit3A_1254 : f32 to vector<16xf32>
      %select_n3A_1256 = arith.select %eq3A_1252, %broadcast_in_dim3A, %broadcast_in_dim3A_1255 : vector<16xi1>, vector<16xf32>
      %mul3A_1257 = arith.constant 128 : i32
      %mul3A_1258 = arith.muli %select_n3A, %mul3A_1257 : i32
      %mul3A_1259 = arith.constant 16 : i32
      %mul3A_1260 = arith.muli %select_n3A_1230, %mul3A_1259 : i32
      %add3A_1261 = arith.addi %mul3A_1258, %mul3A_1260 : i32
      %swap3A_1262 = arith.index_cast %add3A_1261 : i32 to index
      %swap3A_1263 = tpu.vector_load %arg11[%swap3A_1262] {strides = array<i32>} : memref<640xf32, #tpu.memory_space<vmem>>, vector<16xf32>,
      %swap3A_1264 = vector.shape_cast %swap3A_1263 : vector<16xf32> to vector<16xf32>
      %swap3A_1265 = vector.shape_cast %select_n3A_1256 : vector<16xf32> to vector<16xf32>
      tpu.vector_store %arg11[%swap3A_1262], %swap3A_1265 {strides = array<i32>} : memref<640xf32, #tpu.memory_space<vmem>>, vector<16xf32>,
    }
    %scan3A_841 = arith.constant 40 : i32
    %dma_start3A_842 = arith.constant 0 : i32
    %dma_start3A_843 = arith.constant 0 : i32
    %dma_start3A_844 = arith.constant 0 : i32
    %dma_start3A_845 = tpu.memref_slice %arg13[%dma_start3A_843, %dma_start3A_844] : memref<640x64xf32, #tpu.memory_space<vmem>> -> memref<128x64xf32, #tpu.memory_space<vmem>>
    %dma_start3A_846 = arith.constant 0 : i32
    %dma_start3A_847 = tpu.memref_slice %arg9[%dma_start3A_842, %dma_start3A_846] : memref<5x128xi32, #tpu.memory_space<vmem>> -> memref<1x128xi32, #tpu.memory_space<vmem>>
    %dma_start3A_848 = tpu.memref_squeeze %dma_start3A_847 : memref<1x128xi32, #tpu.memory_space<vmem>> -> memref<128xi32, #tpu.memory_space<vmem>>
    %dma_start3A_849 = arith.constant 0 : i32
    %dma_start3A_850 = arith.constant 0 : i32
    %dma_start3A_851 = tpu.memref_slice %arg3[%dma_start3A_849, %dma_start3A_850] : memref<16384x64xf32, #tpu.memory_space<hbm>> -> memref<16384x64xf32, #tpu.memory_space<hbm>>
    tpu.enqueue_indirect_dma source(%dma_start3A_851 : memref<16384x64xf32, #tpu.memory_space<hbm>>) target(%dma_start3A_845 : memref<128x64xf32, #tpu.memory_space<vmem>>) offsets(%dma_start3A_848 : memref<128xi32, #tpu.memory_space<vmem>>) semaphore(%arg14 : memref<!tpu.dma_semaphore, #tpu.memory_space<semaphore_mem>>)
    %dma_start3A_852 = arith.constant 1 : i32
    %dma_start3A_853 = arith.constant 128 : i32
    %dma_start3A_854 = arith.constant 0 : i32
    %dma_start3A_855 = tpu.memref_slice %arg13[%dma_start3A_853, %dma_start3A_854] : memref<640x64xf32, #tpu.memory_space<vmem>> -> memref<128x64xf32, #tpu.memory_space<vmem>>
    %dma_start3A_856 = arith.constant 0 : i32
    %dma_start3A_857 = tpu.memref_slice %arg9[%dma_start3A_852, %dma_start3A_856] : memref<5x128xi32, #tpu.memory_space<vmem>> -> memref<1x128xi32, #tpu.memory_space<vmem>>
    %dma_start3A_858 = tpu.memref_squeeze %dma_start3A_857 : memref<1x128xi32, #tpu.memory_space<vmem>> -> memref<128xi32, #tpu.memory_space<vmem>>
    %dma_start3A_859 = arith.constant 0 : i32
    %dma_start3A_860 = arith.constant 0 : i32
    %dma_start3A_861 = tpu.memref_slice %arg3[%dma_start3A_859, %dma_start3A_860] : memref<16384x64xf32, #tpu.memory_space<hbm>> -> memref<16384x64xf32, #tpu.memory_space<hbm>>
    tpu.enqueue_indirect_dma source(%dma_start3A_861 : memref<16384x64xf32, #tpu.memory_space<hbm>>) target(%dma_start3A_855 : memref<128x64xf32, #tpu.memory_space<vmem>>) offsets(%dma_start3A_858 : memref<128xi32, #tpu.memory_space<vmem>>) semaphore(%arg14 : memref<!tpu.dma_semaphore, #tpu.memory_space<semaphore_mem>>)
    %dma_start3A_862 = arith.constant 2 : i32
    %dma_start3A_863 = arith.constant 256 : i32
    %dma_start3A_864 = arith.constant 0 : i32
    %dma_start3A_865 = tpu.memref_slice %arg13[%dma_start3A_863, %dma_start3A_864] : memref<640x64xf32, #tpu.memory_space<vmem>> -> memref<128x64xf32, #tpu.memory_space<vmem>>
    %dma_start3A_866 = arith.constant 0 : i32
    %dma_start3A_867 = tpu.memref_slice %arg9[%dma_start3A_862, %dma_start3A_866] : memref<5x128xi32, #tpu.memory_space<vmem>> -> memref<1x128xi32, #tpu.memory_space<vmem>>
    %dma_start3A_868 = tpu.memref_squeeze %dma_start3A_867 : memref<1x128xi32, #tpu.memory_space<vmem>> -> memref<128xi32, #tpu.memory_space<vmem>>
    %dma_start3A_869 = arith.constant 0 : i32
    %dma_start3A_870 = arith.constant 0 : i32
    %dma_start3A_871 = tpu.memref_slice %arg3[%dma_start3A_869, %dma_start3A_870] : memref<16384x64xf32, #tpu.memory_space<hbm>> -> memref<16384x64xf32, #tpu.memory_space<hbm>>
    tpu.enqueue_indirect_dma source(%dma_start3A_871 : memref<16384x64xf32, #tpu.memory_space<hbm>>) target(%dma_start3A_865 : memref<128x64xf32, #tpu.memory_space<vmem>>) offsets(%dma_start3A_868 : memref<128xi32, #tpu.memory_space<vmem>>) semaphore(%arg14 : memref<!tpu.dma_semaphore, #tpu.memory_space<semaphore_mem>>)
    %dma_start3A_872 = arith.constant 3 : i32
    %dma_start3A_873 = arith.constant 384 : i32
    %dma_start3A_874 = arith.constant 0 : i32
    %dma_start3A_875 = tpu.memref_slice %arg13[%dma_start3A_873, %dma_start3A_874] : memref<640x64xf32, #tpu.memory_space<vmem>> -> memref<128x64xf32, #tpu.memory_space<vmem>>
    %dma_start3A_876 = arith.constant 0 : i32
    %dma_start3A_877 = tpu.memref_slice %arg9[%dma_start3A_872, %dma_start3A_876] : memref<5x128xi32, #tpu.memory_space<vmem>> -> memref<1x128xi32, #tpu.memory_space<vmem>>
    %dma_start3A_878 = tpu.memref_squeeze %dma_start3A_877 : memref<1x128xi32, #tpu.memory_space<vmem>> -> memref<128xi32, #tpu.memory_space<vmem>>
    %dma_start3A_879 = arith.constant 0 : i32
    %dma_start3A_880 = arith.constant 0 : i32
    %dma_start3A_881 = tpu.memref_slice %arg3[%dma_start3A_879, %dma_start3A_880] : memref<16384x64xf32, #tpu.memory_space<hbm>> -> memref<16384x64xf32, #tpu.memory_space<hbm>>
    tpu.enqueue_indirect_dma source(%dma_start3A_881 : memref<16384x64xf32, #tpu.memory_space<hbm>>) target(%dma_start3A_875 : memref<128x64xf32, #tpu.memory_space<vmem>>) offsets(%dma_start3A_878 : memref<128xi32, #tpu.memory_space<vmem>>) semaphore(%arg14 : memref<!tpu.dma_semaphore, #tpu.memory_space<semaphore_mem>>)
    %dma_start3A_882 = arith.constant 4 : i32
    %dma_start3A_883 = arith.constant 512 : i32
    %dma_start3A_884 = arith.constant 0 : i32
    %dma_start3A_885 = tpu.memref_slice %arg13[%dma_start3A_883, %dma_start3A_884] : memref<640x64xf32, #tpu.memory_space<vmem>> -> memref<128x64xf32, #tpu.memory_space<vmem>>
    %dma_start3A_886 = arith.constant 0 : i32
    %dma_start3A_887 = tpu.memref_slice %arg9[%dma_start3A_882, %dma_start3A_886] : memref<5x128xi32, #tpu.memory_space<vmem>> -> memref<1x128xi32, #tpu.memory_space<vmem>>
    %dma_start3A_888 = tpu.memref_squeeze %dma_start3A_887 : memref<1x128xi32, #tpu.memory_space<vmem>> -> memref<128xi32, #tpu.memory_space<vmem>>
    %dma_start3A_889 = arith.constant 0 : i32
    %dma_start3A_890 = arith.constant 0 : i32
    %dma_start3A_891 = tpu.memref_slice %arg3[%dma_start3A_889, %dma_start3A_890] : memref<16384x64xf32, #tpu.memory_space<hbm>> -> memref<16384x64xf32, #tpu.memory_space<hbm>>
    tpu.enqueue_indirect_dma source(%dma_start3A_891 : memref<16384x64xf32, #tpu.memory_space<hbm>>) target(%dma_start3A_885 : memref<128x64xf32, #tpu.memory_space<vmem>>) offsets(%dma_start3A_888 : memref<128xi32, #tpu.memory_space<vmem>>) semaphore(%arg14 : memref<!tpu.dma_semaphore, #tpu.memory_space<semaphore_mem>>)
    %dma_wait3A_892 = arith.constant 0 : i32
    %dma_wait3A_893 = arith.constant 0 : i32
    %dma_wait3A_894 = arith.constant 0 : i32
    %dma_wait3A_895 = tpu.memref_slice %arg13[%dma_wait3A_893, %dma_wait3A_894] : memref<640x64xf32, #tpu.memory_space<vmem>> -> memref<128x64xf32, #tpu.memory_space<vmem>>
    %dma_wait3A_896 = arith.constant 0 : i32
    %dma_wait3A_897 = tpu.memref_slice %arg9[%dma_wait3A_892, %dma_wait3A_896] : memref<5x128xi32, #tpu.memory_space<vmem>> -> memref<1x128xi32, #tpu.memory_space<vmem>>
    %dma_wait3A_898 = tpu.memref_squeeze %dma_wait3A_897 : memref<1x128xi32, #tpu.memory_space<vmem>> -> memref<128xi32, #tpu.memory_space<vmem>>
    %dma_wait3A_899 = arith.constant 0 : i32
    %dma_wait3A_900 = arith.constant 0 : i32
    %dma_wait3A_901 = tpu.memref_slice %arg3[%dma_wait3A_899, %dma_wait3A_900] : memref<16384x64xf32, #tpu.memory_space<hbm>> -> memref<16384x64xf32, #tpu.memory_space<hbm>>
    tpu.wait_indirect_dma semaphore(%arg14 : memref<!tpu.dma_semaphore, #tpu.memory_space<semaphore_mem>>) src(%dma_wait3A_901 : memref<16384x64xf32, #tpu.memory_space<hbm>>) dst(%dma_wait3A_895 : memref<128x64xf32, #tpu.memory_space<vmem>>)
    %dma_wait3A_902 = arith.constant 1 : i32
    %dma_wait3A_903 = arith.constant 128 : i32
    %dma_wait3A_904 = arith.constant 0 : i32
    %dma_wait3A_905 = tpu.memref_slice %arg13[%dma_wait3A_903, %dma_wait3A_904] : memref<640x64xf32, #tpu.memory_space<vmem>> -> memref<128x64xf32, #tpu.memory_space<vmem>>
    %dma_wait3A_906 = arith.constant 0 : i32
    %dma_wait3A_907 = tpu.memref_slice %arg9[%dma_wait3A_902, %dma_wait3A_906] : memref<5x128xi32, #tpu.memory_space<vmem>> -> memref<1x128xi32, #tpu.memory_space<vmem>>
    %dma_wait3A_908 = tpu.memref_squeeze %dma_wait3A_907 : memref<1x128xi32, #tpu.memory_space<vmem>> -> memref<128xi32, #tpu.memory_space<vmem>>
    %dma_wait3A_909 = arith.constant 0 : i32
    %dma_wait3A_910 = arith.constant 0 : i32
    %dma_wait3A_911 = tpu.memref_slice %arg3[%dma_wait3A_909, %dma_wait3A_910] : memref<16384x64xf32, #tpu.memory_space<hbm>> -> memref<16384x64xf32, #tpu.memory_space<hbm>>
    tpu.wait_indirect_dma semaphore(%arg14 : memref<!tpu.dma_semaphore, #tpu.memory_space<semaphore_mem>>) src(%dma_wait3A_911 : memref<16384x64xf32, #tpu.memory_space<hbm>>) dst(%dma_wait3A_905 : memref<128x64xf32, #tpu.memory_space<vmem>>)
    %dma_wait3A_912 = arith.constant 2 : i32
    %dma_wait3A_913 = arith.constant 256 : i32
    %dma_wait3A_914 = arith.constant 0 : i32
    %dma_wait3A_915 = tpu.memref_slice %arg13[%dma_wait3A_913, %dma_wait3A_914] : memref<640x64xf32, #tpu.memory_space<vmem>> -> memref<128x64xf32, #tpu.memory_space<vmem>>
    %dma_wait3A_916 = arith.constant 0 : i32
    %dma_wait3A_917 = tpu.memref_slice %arg9[%dma_wait3A_912, %dma_wait3A_916] : memref<5x128xi32, #tpu.memory_space<vmem>> -> memref<1x128xi32, #tpu.memory_space<vmem>>
    %dma_wait3A_918 = tpu.memref_squeeze %dma_wait3A_917 : memref<1x128xi32, #tpu.memory_space<vmem>> -> memref<128xi32, #tpu.memory_space<vmem>>
    %dma_wait3A_919 = arith.constant 0 : i32
    %dma_wait3A_920 = arith.constant 0 : i32
    %dma_wait3A_921 = tpu.memref_slice %arg3[%dma_wait3A_919, %dma_wait3A_920] : memref<16384x64xf32, #tpu.memory_space<hbm>> -> memref<16384x64xf32, #tpu.memory_space<hbm>>
    tpu.wait_indirect_dma semaphore(%arg14 : memref<!tpu.dma_semaphore, #tpu.memory_space<semaphore_mem>>) src(%dma_wait3A_921 : memref<16384x64xf32, #tpu.memory_space<hbm>>) dst(%dma_wait3A_915 : memref<128x64xf32, #tpu.memory_space<vmem>>)
    %dma_wait3A_922 = arith.constant 3 : i32
    %dma_wait3A_923 = arith.constant 384 : i32
    %dma_wait3A_924 = arith.constant 0 : i32
    %dma_wait3A_925 = tpu.memref_slice %arg13[%dma_wait3A_923, %dma_wait3A_924] : memref<640x64xf32, #tpu.memory_space<vmem>> -> memref<128x64xf32, #tpu.memory_space<vmem>>
    %dma_wait3A_926 = arith.constant 0 : i32
    %dma_wait3A_927 = tpu.memref_slice %arg9[%dma_wait3A_922, %dma_wait3A_926] : memref<5x128xi32, #tpu.memory_space<vmem>> -> memref<1x128xi32, #tpu.memory_space<vmem>>
    %dma_wait3A_928 = tpu.memref_squeeze %dma_wait3A_927 : memref<1x128xi32, #tpu.memory_space<vmem>> -> memref<128xi32, #tpu.memory_space<vmem>>
    %dma_wait3A_929 = arith.constant 0 : i32
    %dma_wait3A_930 = arith.constant 0 : i32
    %dma_wait3A_931 = tpu.memref_slice %arg3[%dma_wait3A_929, %dma_wait3A_930] : memref<16384x64xf32, #tpu.memory_space<hbm>> -> memref<16384x64xf32, #tpu.memory_space<hbm>>
    tpu.wait_indirect_dma semaphore(%arg14 : memref<!tpu.dma_semaphore, #tpu.memory_space<semaphore_mem>>) src(%dma_wait3A_931 : memref<16384x64xf32, #tpu.memory_space<hbm>>) dst(%dma_wait3A_925 : memref<128x64xf32, #tpu.memory_space<vmem>>)
    %dma_wait3A_932 = arith.constant 4 : i32
    %dma_wait3A_933 = arith.constant 512 : i32
    %dma_wait3A_934 = arith.constant 0 : i32
    %dma_wait3A_935 = tpu.memref_slice %arg13[%dma_wait3A_933, %dma_wait3A_934] : memref<640x64xf32, #tpu.memory_space<vmem>> -> memref<128x64xf32, #tpu.memory_space<vmem>>
    %dma_wait3A_936 = arith.constant 0 : i32
    %dma_wait3A_937 = tpu.memref_slice %arg9[%dma_wait3A_932, %dma_wait3A_936] : memref<5x128xi32, #tpu.memory_space<vmem>> -> memref<1x128xi32, #tpu.memory_space<vmem>>
    %dma_wait3A_938 = tpu.memref_squeeze %dma_wait3A_937 : memref<1x128xi32, #tpu.memory_space<vmem>> -> memref<128xi32, #tpu.memory_space<vmem>>
    %dma_wait3A_939 = arith.constant 0 : i32
    %dma_wait3A_940 = arith.constant 0 : i32
    %dma_wait3A_941 = tpu.memref_slice %arg3[%dma_wait3A_939, %dma_wait3A_940] : memref<16384x64xf32, #tpu.memory_space<hbm>> -> memref<16384x64xf32, #tpu.memory_space<hbm>>
    tpu.wait_indirect_dma semaphore(%arg14 : memref<!tpu.dma_semaphore, #tpu.memory_space<semaphore_mem>>) src(%dma_wait3A_941 : memref<16384x64xf32, #tpu.memory_space<hbm>>) dst(%dma_wait3A_935 : memref<128x64xf32, #tpu.memory_space<vmem>>)
    %dma_start3A_942 = arith.constant 0 : i32
    %dma_start3A_943 = tpu.memref_slice %arg4[%add3A_835, %dma_start3A_942] : memref<204800x64xf32, #tpu.memory_space<hbm>> -> memref<640x64xf32, #tpu.memory_space<hbm>>
    %dma_start3A_944 = arith.constant 0 : i32
    %dma_start3A_945 = tpu.memref_slice %arg4[%add3A_835, %dma_start3A_944] : memref<204800x64xf32, #tpu.memory_space<hbm>> -> memref<640x64xf32, #tpu.memory_space<hbm>>
    tpu.enqueue_dma source(%arg13 : memref<640x64xf32, #tpu.memory_space<vmem>>) target(%dma_start3A_945 : memref<640x64xf32, #tpu.memory_space<hbm>>) target_semaphore(%arg15 : memref<!tpu.dma_semaphore, #tpu.memory_space<semaphore_mem>>)
    %dma_start3A_946 = tpu.memref_slice %arg5[%add3A_835] : memref<204800xf32, #tpu.memory_space<hbm>> -> memref<640xf32, #tpu.memory_space<hbm>>
    %dma_start3A_947 = tpu.memref_slice %arg5[%add3A_835] : memref<204800xf32, #tpu.memory_space<hbm>> -> memref<640xf32, #tpu.memory_space<hbm>>
    tpu.enqueue_dma source(%arg11 : memref<640xf32, #tpu.memory_space<vmem>>) target(%dma_start3A_947 : memref<640xf32, #tpu.memory_space<hbm>>) target_semaphore(%arg15 : memref<!tpu.dma_semaphore, #tpu.memory_space<semaphore_mem>>)
    %dma_wait3A_948 = arith.constant 0 : i32
    %dma_wait3A_949 = tpu.memref_slice %arg4[%add3A_715, %dma_wait3A_948] : memref<204800x64xf32, #tpu.memory_space<hbm>> -> memref<640x64xf32, #tpu.memory_space<hbm>>
    %dma_wait3A_950 = arith.constant 0 : i32
    %dma_wait3A_951 = tpu.memref_slice %arg4[%add3A_715, %dma_wait3A_950] : memref<204800x64xf32, #tpu.memory_space<hbm>> -> memref<640x64xf32, #tpu.memory_space<hbm>>
    tpu.wait_dma2 semaphore(%arg15 : memref<!tpu.dma_semaphore, #tpu.memory_space<semaphore_mem>>) src(%arg12 : memref<640x64xf32, #tpu.memory_space<vmem>>) dst(%dma_wait3A_951 : memref<640x64xf32, #tpu.memory_space<hbm>>)
    %dma_wait3A_952 = tpu.memref_slice %arg5[%add3A_715] : memref<204800xf32, #tpu.memory_space<hbm>> -> memref<640xf32, #tpu.memory_space<hbm>>
    %dma_wait3A_953 = tpu.memref_slice %arg5[%add3A_715] : memref<204800xf32, #tpu.memory_space<hbm>> -> memref<640xf32, #tpu.memory_space<hbm>>
    tpu.wait_dma2 semaphore(%arg15 : memref<!tpu.dma_semaphore, #tpu.memory_space<semaphore_mem>>) src(%arg10 : memref<640xf32, #tpu.memory_space<vmem>>) dst(%dma_wait3A_953 : memref<640xf32, #tpu.memory_space<hbm>>)
    %add3A_954 = arith.constant 5120 : i32
    %add3A_955 = arith.addi %mul3A_2, %add3A_954 : i32
    "tpu.region"() ({
      %run_scoped3A = tpu.sem_alloc : memref<!tpu.dma_semaphore, #tpu.memory_space<semaphore_mem>>
      %dma_start3A_1200 = tpu.memref_slice %arg2[%add3A_955] : memref<204800xi32, #tpu.memory_space<hbm>> -> memref<640xi32, #tpu.memory_space<hbm>>
      %dma_start3A_1201 = tpu.memref_slice %arg2[%add3A_955] : memref<204800xi32, #tpu.memory_space<hbm>> -> memref<640xi32, #tpu.memory_space<hbm>>
      tpu.enqueue_dma source(%dma_start3A_1201 : memref<640xi32, #tpu.memory_space<hbm>>) target(%arg6 : memref<640xi32, #tpu.memory_space<vmem>>) target_semaphore(%run_scoped3A : memref<!tpu.dma_semaphore, #tpu.memory_space<semaphore_mem>>)
      %dma_wait3A_1202 = tpu.memref_slice %arg2[%add3A_955] : memref<204800xi32, #tpu.memory_space<hbm>> -> memref<640xi32, #tpu.memory_space<hbm>>
      %dma_wait3A_1203 = tpu.memref_slice %arg2[%add3A_955] : memref<204800xi32, #tpu.memory_space<hbm>> -> memref<640xi32, #tpu.memory_space<hbm>>
      tpu.wait_dma2 semaphore(%run_scoped3A : memref<!tpu.dma_semaphore, #tpu.memory_space<semaphore_mem>>) src(%dma_wait3A_1203 : memref<640xi32, #tpu.memory_space<hbm>>) dst(%arg6 : memref<640xi32, #tpu.memory_space<vmem>>)
      tpu.yield
    }) : () -> ()
    %scan3A_956 = arith.constant 0 : i32
    %scan3A_957 = arith.constant 0 : i32
    %scan3A_958 = arith.constant 40 : i32
    %scan3A_959 = arith.addi %scan3A_957, %scan3A_958 : i32
    %scan3A_960 = arith.constant 1 : i32
    scf.for %scan3A_1200 = %scan3A_957 to %scan3A_959 step %scan3A_960  : i32 {
      %jit3A = arith.constant 8 : i32
      %div3A = arith.divsi %scan3A_1200, %jit3A : i32
      %sign3A = arith.constant 0 : i32
      %sign3A_1201 = arith.cmpi sgt, %scan3A_1200, %sign3A : i32
      %sign3A_1202 = arith.extui %sign3A_1201 : i1 to i32
      %sign3A_1203 = arith.constant 0 : i32
      %sign3A_1204 = arith.cmpi slt, %scan3A_1200, %sign3A_1203 : i32
      %sign3A_1205 = arith.extui %sign3A_1204 : i1 to i32
      %sign3A_1206 = arith.subi %sign3A_1202, %sign3A_1205 : i32
      %sign3A_1207 = arith.constant 0 : i32
      %sign3A_1208 = arith.cmpi sgt, %jit3A, %sign3A_1207 : i32
      %sign3A_1209 = arith.extui %sign3A_1208 : i1 to i32
      %sign3A_1210 = arith.constant 0 : i32
      %sign3A_1211 = arith.cmpi slt, %jit3A, %sign3A_1210 : i32
      %sign3A_1212 = arith.extui %sign3A_1211 : i1 to i32
      %sign3A_1213 = arith.subi %sign3A_1209, %sign3A_1212 : i32
      %ne3A = arith.cmpi ne, %sign3A_1206, %sign3A_1213 : i32
      %rem3A = arith.remsi %scan3A_1200, %jit3A : i32
      %ne3A_1214 = arith.constant 0 : i32
      %ne3A_1215 = arith.cmpi ne, %rem3A, %ne3A_1214 : i32
      %and3A = arith.andi %ne3A, %ne3A_1215 : i1
      %sub3A = arith.constant 1 : i32
      %sub3A_1216 = arith.subi %div3A, %sub3A : i32
      %select_n3A = arith.select %and3A, %sub3A_1216, %div3A : i32
      %jit3A_1217 = arith.constant 8 : i32
      %eq3A = arith.constant 0 : i32
      %eq3A_1218 = arith.cmpi eq, %jit3A_1217, %eq3A : i32
      %jit3A_1219 = arith.constant 1 : i32
      %select_n3A_1220 = arith.select %eq3A_1218, %jit3A_1219, %jit3A_1217 : i32
      %rem3A_1221 = arith.remsi %scan3A_1200, %select_n3A_1220 : i32
      %ne3A_1222 = arith.constant 0 : i32
      %ne3A_1223 = arith.cmpi ne, %rem3A_1221, %ne3A_1222 : i32
      %lt3A = arith.constant 0 : i32
      %lt3A_1224 = arith.cmpi slt, %rem3A_1221, %lt3A : i32
      %lt3A_1225 = arith.constant 0 : i32
      %lt3A_1226 = arith.cmpi slt, %select_n3A_1220, %lt3A_1225 : i32
      %ne3A_1227 = arith.xori %lt3A_1224, %lt3A_1226 : i1
      %and3A_1228 = arith.andi %ne3A_1227, %ne3A_1223 : i1
      %add3A_1229 = arith.addi %rem3A_1221, %select_n3A_1220 : i32
      %select_n3A_1230 = arith.select %and3A_1228, %add3A_1229, %rem3A_1221 : i32
      %mul3A_1231 = arith.constant 128 : i32
      %mul3A_1232 = arith.muli %select_n3A, %mul3A_1231 : i32
      %mul3A_1233 = arith.constant 16 : i32
      %mul3A_1234 = arith.muli %select_n3A_1230, %mul3A_1233 : i32
      %add3A_1235 = arith.addi %mul3A_1232, %mul3A_1234 : i32
      %get3A = arith.index_cast %add3A_1235 : i32 to index
      %get3A_1236 = tpu.vector_load %arg6[%get3A] {strides = array<i32>} : memref<640xi32, #tpu.memory_space<vmem>>, vector<16xi32>,
      %get3A_1237 = vector.shape_cast %get3A_1236 : vector<16xi32> to vector<16xi32>
      %and3A_1238 = arith.constant 16383 : i32
      %and3A_1239 = vector.broadcast %and3A_1238 : i32 to vector<16xi32>
      %and3A_1240 = arith.andi %get3A_1237, %and3A_1239 : vector<16xi32>
      %mul3A_1241 = arith.constant 16 : i32
      %mul3A_1242 = arith.muli %select_n3A_1230, %mul3A_1241 : i32
      %swap3A = arith.index_cast %select_n3A : i32 to index
      %swap3A_1243 = arith.index_cast %mul3A_1242 : i32 to index
      %swap3A_1244 = tpu.vector_load %arg8[%swap3A, %swap3A_1243] {strides = array<i32>} : memref<5x128xi32, #tpu.memory_space<vmem>>, vector<1x16xi32>,
      %swap3A_1245 = vector.shape_cast %swap3A_1244 : vector<1x16xi32> to vector<16xi32>
      %swap3A_1246 = vector.shape_cast %and3A_1240 : vector<16xi32> to vector<1x16xi32>
      tpu.vector_store %arg8[%swap3A, %swap3A_1243], %swap3A_1246 {strides = array<i32>} : memref<5x128xi32, #tpu.memory_space<vmem>>, vector<1x16xi32>,
      %and3A_1247 = arith.constant 49152 : i32
      %and3A_1248 = vector.broadcast %and3A_1247 : i32 to vector<16xi32>
      %and3A_1249 = arith.andi %get3A_1237, %and3A_1248 : vector<16xi32>
      %eq3A_1250 = arith.constant 0 : i32
      %eq3A_1251 = vector.broadcast %eq3A_1250 : i32 to vector<16xi32>
      %eq3A_1252 = arith.cmpi eq, %and3A_1249, %eq3A_1251 : vector<16xi32>
      %jit3A_1253 = arith.constant 1.000000e+00 : f32
      %jit3A_1254 = arith.constant 0.000000e+00 : f32
      %broadcast_in_dim3A = vector.broadcast %jit3A_1253 : f32 to vector<16xf32>
      %broadcast_in_dim3A_1255 = vector.broadcast %jit3A_1254 : f32 to vector<16xf32>
      %select_n3A_1256 = arith.select %eq3A_1252, %broadcast_in_dim3A, %broadcast_in_dim3A_1255 : vector<16xi1>, vector<16xf32>
      %mul3A_1257 = arith.constant 128 : i32
      %mul3A_1258 = arith.muli %select_n3A, %mul3A_1257 : i32
      %mul3A_1259 = arith.constant 16 : i32
      %mul3A_1260 = arith.muli %select_n3A_1230, %mul3A_1259 : i32
      %add3A_1261 = arith.addi %mul3A_1258, %mul3A_1260 : i32
      %swap3A_1262 = arith.index_cast %add3A_1261 : i32 to index
      %swap3A_1263 = tpu.vector_load %arg10[%swap3A_1262] {strides = array<i32>} : memref<640xf32, #tpu.memory_space<vmem>>, vector<16xf32>,
      %swap3A_1264 = vector.shape_cast %swap3A_1263 : vector<16xf32> to vector<16xf32>
      %swap3A_1265 = vector.shape_cast %select_n3A_1256 : vector<16xf32> to vector<16xf32>
      tpu.vector_store %arg10[%swap3A_1262], %swap3A_1265 {strides = array<i32>} : memref<640xf32, #tpu.memory_space<vmem>>, vector<16xf32>,
    }
    %scan3A_961 = arith.constant 40 : i32
    %dma_start3A_962 = arith.constant 0 : i32
    %dma_start3A_963 = arith.constant 0 : i32
    %dma_start3A_964 = arith.constant 0 : i32
    %dma_start3A_965 = tpu.memref_slice %arg12[%dma_start3A_963, %dma_start3A_964] : memref<640x64xf32, #tpu.memory_space<vmem>> -> memref<128x64xf32, #tpu.memory_space<vmem>>
    %dma_start3A_966 = arith.constant 0 : i32
    %dma_start3A_967 = tpu.memref_slice %arg8[%dma_start3A_962, %dma_start3A_966] : memref<5x128xi32, #tpu.memory_space<vmem>> -> memref<1x128xi32, #tpu.memory_space<vmem>>
    %dma_start3A_968 = tpu.memref_squeeze %dma_start3A_967 : memref<1x128xi32, #tpu.memory_space<vmem>> -> memref<128xi32, #tpu.memory_space<vmem>>
    %dma_start3A_969 = arith.constant 0 : i32
    %dma_start3A_970 = arith.constant 0 : i32
    %dma_start3A_971 = tpu.memref_slice %arg3[%dma_start3A_969, %dma_start3A_970] : memref<16384x64xf32, #tpu.memory_space<hbm>> -> memref<16384x64xf32, #tpu.memory_space<hbm>>
    tpu.enqueue_indirect_dma source(%dma_start3A_971 : memref<16384x64xf32, #tpu.memory_space<hbm>>) target(%dma_start3A_965 : memref<128x64xf32, #tpu.memory_space<vmem>>) offsets(%dma_start3A_968 : memref<128xi32, #tpu.memory_space<vmem>>) semaphore(%arg14 : memref<!tpu.dma_semaphore, #tpu.memory_space<semaphore_mem>>)
    %dma_start3A_972 = arith.constant 1 : i32
    %dma_start3A_973 = arith.constant 128 : i32
    %dma_start3A_974 = arith.constant 0 : i32
    %dma_start3A_975 = tpu.memref_slice %arg12[%dma_start3A_973, %dma_start3A_974] : memref<640x64xf32, #tpu.memory_space<vmem>> -> memref<128x64xf32, #tpu.memory_space<vmem>>
    %dma_start3A_976 = arith.constant 0 : i32
    %dma_start3A_977 = tpu.memref_slice %arg8[%dma_start3A_972, %dma_start3A_976] : memref<5x128xi32, #tpu.memory_space<vmem>> -> memref<1x128xi32, #tpu.memory_space<vmem>>
    %dma_start3A_978 = tpu.memref_squeeze %dma_start3A_977 : memref<1x128xi32, #tpu.memory_space<vmem>> -> memref<128xi32, #tpu.memory_space<vmem>>
    %dma_start3A_979 = arith.constant 0 : i32
    %dma_start3A_980 = arith.constant 0 : i32
    %dma_start3A_981 = tpu.memref_slice %arg3[%dma_start3A_979, %dma_start3A_980] : memref<16384x64xf32, #tpu.memory_space<hbm>> -> memref<16384x64xf32, #tpu.memory_space<hbm>>
    tpu.enqueue_indirect_dma source(%dma_start3A_981 : memref<16384x64xf32, #tpu.memory_space<hbm>>) target(%dma_start3A_975 : memref<128x64xf32, #tpu.memory_space<vmem>>) offsets(%dma_start3A_978 : memref<128xi32, #tpu.memory_space<vmem>>) semaphore(%arg14 : memref<!tpu.dma_semaphore, #tpu.memory_space<semaphore_mem>>)
    %dma_start3A_982 = arith.constant 2 : i32
    %dma_start3A_983 = arith.constant 256 : i32
    %dma_start3A_984 = arith.constant 0 : i32
    %dma_start3A_985 = tpu.memref_slice %arg12[%dma_start3A_983, %dma_start3A_984] : memref<640x64xf32, #tpu.memory_space<vmem>> -> memref<128x64xf32, #tpu.memory_space<vmem>>
    %dma_start3A_986 = arith.constant 0 : i32
    %dma_start3A_987 = tpu.memref_slice %arg8[%dma_start3A_982, %dma_start3A_986] : memref<5x128xi32, #tpu.memory_space<vmem>> -> memref<1x128xi32, #tpu.memory_space<vmem>>
    %dma_start3A_988 = tpu.memref_squeeze %dma_start3A_987 : memref<1x128xi32, #tpu.memory_space<vmem>> -> memref<128xi32, #tpu.memory_space<vmem>>
    %dma_start3A_989 = arith.constant 0 : i32
    %dma_start3A_990 = arith.constant 0 : i32
    %dma_start3A_991 = tpu.memref_slice %arg3[%dma_start3A_989, %dma_start3A_990] : memref<16384x64xf32, #tpu.memory_space<hbm>> -> memref<16384x64xf32, #tpu.memory_space<hbm>>
    tpu.enqueue_indirect_dma source(%dma_start3A_991 : memref<16384x64xf32, #tpu.memory_space<hbm>>) target(%dma_start3A_985 : memref<128x64xf32, #tpu.memory_space<vmem>>) offsets(%dma_start3A_988 : memref<128xi32, #tpu.memory_space<vmem>>) semaphore(%arg14 : memref<!tpu.dma_semaphore, #tpu.memory_space<semaphore_mem>>)
    %dma_start3A_992 = arith.constant 3 : i32
    %dma_start3A_993 = arith.constant 384 : i32
    %dma_start3A_994 = arith.constant 0 : i32
    %dma_start3A_995 = tpu.memref_slice %arg12[%dma_start3A_993, %dma_start3A_994] : memref<640x64xf32, #tpu.memory_space<vmem>> -> memref<128x64xf32, #tpu.memory_space<vmem>>
    %dma_start3A_996 = arith.constant 0 : i32
    %dma_start3A_997 = tpu.memref_slice %arg8[%dma_start3A_992, %dma_start3A_996] : memref<5x128xi32, #tpu.memory_space<vmem>> -> memref<1x128xi32, #tpu.memory_space<vmem>>
    %dma_start3A_998 = tpu.memref_squeeze %dma_start3A_997 : memref<1x128xi32, #tpu.memory_space<vmem>> -> memref<128xi32, #tpu.memory_space<vmem>>
    %dma_start3A_999 = arith.constant 0 : i32
    %dma_start3A_1000 = arith.constant 0 : i32
    %dma_start3A_1001 = tpu.memref_slice %arg3[%dma_start3A_999, %dma_start3A_1000] : memref<16384x64xf32, #tpu.memory_space<hbm>> -> memref<16384x64xf32, #tpu.memory_space<hbm>>
    tpu.enqueue_indirect_dma source(%dma_start3A_1001 : memref<16384x64xf32, #tpu.memory_space<hbm>>) target(%dma_start3A_995 : memref<128x64xf32, #tpu.memory_space<vmem>>) offsets(%dma_start3A_998 : memref<128xi32, #tpu.memory_space<vmem>>) semaphore(%arg14 : memref<!tpu.dma_semaphore, #tpu.memory_space<semaphore_mem>>)
    %dma_start3A_1002 = arith.constant 4 : i32
    %dma_start3A_1003 = arith.constant 512 : i32
    %dma_start3A_1004 = arith.constant 0 : i32
    %dma_start3A_1005 = tpu.memref_slice %arg12[%dma_start3A_1003, %dma_start3A_1004] : memref<640x64xf32, #tpu.memory_space<vmem>> -> memref<128x64xf32, #tpu.memory_space<vmem>>
    %dma_start3A_1006 = arith.constant 0 : i32
    %dma_start3A_1007 = tpu.memref_slice %arg8[%dma_start3A_1002, %dma_start3A_1006] : memref<5x128xi32, #tpu.memory_space<vmem>> -> memref<1x128xi32, #tpu.memory_space<vmem>>
    %dma_start3A_1008 = tpu.memref_squeeze %dma_start3A_1007 : memref<1x128xi32, #tpu.memory_space<vmem>> -> memref<128xi32, #tpu.memory_space<vmem>>
    %dma_start3A_1009 = arith.constant 0 : i32
    %dma_start3A_1010 = arith.constant 0 : i32
    %dma_start3A_1011 = tpu.memref_slice %arg3[%dma_start3A_1009, %dma_start3A_1010] : memref<16384x64xf32, #tpu.memory_space<hbm>> -> memref<16384x64xf32, #tpu.memory_space<hbm>>
    tpu.enqueue_indirect_dma source(%dma_start3A_1011 : memref<16384x64xf32, #tpu.memory_space<hbm>>) target(%dma_start3A_1005 : memref<128x64xf32, #tpu.memory_space<vmem>>) offsets(%dma_start3A_1008 : memref<128xi32, #tpu.memory_space<vmem>>) semaphore(%arg14 : memref<!tpu.dma_semaphore, #tpu.memory_space<semaphore_mem>>)
    %dma_wait3A_1012 = arith.constant 0 : i32
    %dma_wait3A_1013 = arith.constant 0 : i32
    %dma_wait3A_1014 = arith.constant 0 : i32
    %dma_wait3A_1015 = tpu.memref_slice %arg12[%dma_wait3A_1013, %dma_wait3A_1014] : memref<640x64xf32, #tpu.memory_space<vmem>> -> memref<128x64xf32, #tpu.memory_space<vmem>>
    %dma_wait3A_1016 = arith.constant 0 : i32
    %dma_wait3A_1017 = tpu.memref_slice %arg8[%dma_wait3A_1012, %dma_wait3A_1016] : memref<5x128xi32, #tpu.memory_space<vmem>> -> memref<1x128xi32, #tpu.memory_space<vmem>>
    %dma_wait3A_1018 = tpu.memref_squeeze %dma_wait3A_1017 : memref<1x128xi32, #tpu.memory_space<vmem>> -> memref<128xi32, #tpu.memory_space<vmem>>
    %dma_wait3A_1019 = arith.constant 0 : i32
    %dma_wait3A_1020 = arith.constant 0 : i32
    %dma_wait3A_1021 = tpu.memref_slice %arg3[%dma_wait3A_1019, %dma_wait3A_1020] : memref<16384x64xf32, #tpu.memory_space<hbm>> -> memref<16384x64xf32, #tpu.memory_space<hbm>>
    tpu.wait_indirect_dma semaphore(%arg14 : memref<!tpu.dma_semaphore, #tpu.memory_space<semaphore_mem>>) src(%dma_wait3A_1021 : memref<16384x64xf32, #tpu.memory_space<hbm>>) dst(%dma_wait3A_1015 : memref<128x64xf32, #tpu.memory_space<vmem>>)
    %dma_wait3A_1022 = arith.constant 1 : i32
    %dma_wait3A_1023 = arith.constant 128 : i32
    %dma_wait3A_1024 = arith.constant 0 : i32
    %dma_wait3A_1025 = tpu.memref_slice %arg12[%dma_wait3A_1023, %dma_wait3A_1024] : memref<640x64xf32, #tpu.memory_space<vmem>> -> memref<128x64xf32, #tpu.memory_space<vmem>>
    %dma_wait3A_1026 = arith.constant 0 : i32
    %dma_wait3A_1027 = tpu.memref_slice %arg8[%dma_wait3A_1022, %dma_wait3A_1026] : memref<5x128xi32, #tpu.memory_space<vmem>> -> memref<1x128xi32, #tpu.memory_space<vmem>>
    %dma_wait3A_1028 = tpu.memref_squeeze %dma_wait3A_1027 : memref<1x128xi32, #tpu.memory_space<vmem>> -> memref<128xi32, #tpu.memory_space<vmem>>
    %dma_wait3A_1029 = arith.constant 0 : i32
    %dma_wait3A_1030 = arith.constant 0 : i32
    %dma_wait3A_1031 = tpu.memref_slice %arg3[%dma_wait3A_1029, %dma_wait3A_1030] : memref<16384x64xf32, #tpu.memory_space<hbm>> -> memref<16384x64xf32, #tpu.memory_space<hbm>>
    tpu.wait_indirect_dma semaphore(%arg14 : memref<!tpu.dma_semaphore, #tpu.memory_space<semaphore_mem>>) src(%dma_wait3A_1031 : memref<16384x64xf32, #tpu.memory_space<hbm>>) dst(%dma_wait3A_1025 : memref<128x64xf32, #tpu.memory_space<vmem>>)
    %dma_wait3A_1032 = arith.constant 2 : i32
    %dma_wait3A_1033 = arith.constant 256 : i32
    %dma_wait3A_1034 = arith.constant 0 : i32
    %dma_wait3A_1035 = tpu.memref_slice %arg12[%dma_wait3A_1033, %dma_wait3A_1034] : memref<640x64xf32, #tpu.memory_space<vmem>> -> memref<128x64xf32, #tpu.memory_space<vmem>>
    %dma_wait3A_1036 = arith.constant 0 : i32
    %dma_wait3A_1037 = tpu.memref_slice %arg8[%dma_wait3A_1032, %dma_wait3A_1036] : memref<5x128xi32, #tpu.memory_space<vmem>> -> memref<1x128xi32, #tpu.memory_space<vmem>>
    %dma_wait3A_1038 = tpu.memref_squeeze %dma_wait3A_1037 : memref<1x128xi32, #tpu.memory_space<vmem>> -> memref<128xi32, #tpu.memory_space<vmem>>
    %dma_wait3A_1039 = arith.constant 0 : i32
    %dma_wait3A_1040 = arith.constant 0 : i32
    %dma_wait3A_1041 = tpu.memref_slice %arg3[%dma_wait3A_1039, %dma_wait3A_1040] : memref<16384x64xf32, #tpu.memory_space<hbm>> -> memref<16384x64xf32, #tpu.memory_space<hbm>>
    tpu.wait_indirect_dma semaphore(%arg14 : memref<!tpu.dma_semaphore, #tpu.memory_space<semaphore_mem>>) src(%dma_wait3A_1041 : memref<16384x64xf32, #tpu.memory_space<hbm>>) dst(%dma_wait3A_1035 : memref<128x64xf32, #tpu.memory_space<vmem>>)
    %dma_wait3A_1042 = arith.constant 3 : i32
    %dma_wait3A_1043 = arith.constant 384 : i32
    %dma_wait3A_1044 = arith.constant 0 : i32
    %dma_wait3A_1045 = tpu.memref_slice %arg12[%dma_wait3A_1043, %dma_wait3A_1044] : memref<640x64xf32, #tpu.memory_space<vmem>> -> memref<128x64xf32, #tpu.memory_space<vmem>>
    %dma_wait3A_1046 = arith.constant 0 : i32
    %dma_wait3A_1047 = tpu.memref_slice %arg8[%dma_wait3A_1042, %dma_wait3A_1046] : memref<5x128xi32, #tpu.memory_space<vmem>> -> memref<1x128xi32, #tpu.memory_space<vmem>>
    %dma_wait3A_1048 = tpu.memref_squeeze %dma_wait3A_1047 : memref<1x128xi32, #tpu.memory_space<vmem>> -> memref<128xi32, #tpu.memory_space<vmem>>
    %dma_wait3A_1049 = arith.constant 0 : i32
    %dma_wait3A_1050 = arith.constant 0 : i32
    %dma_wait3A_1051 = tpu.memref_slice %arg3[%dma_wait3A_1049, %dma_wait3A_1050] : memref<16384x64xf32, #tpu.memory_space<hbm>> -> memref<16384x64xf32, #tpu.memory_space<hbm>>
    tpu.wait_indirect_dma semaphore(%arg14 : memref<!tpu.dma_semaphore, #tpu.memory_space<semaphore_mem>>) src(%dma_wait3A_1051 : memref<16384x64xf32, #tpu.memory_space<hbm>>) dst(%dma_wait3A_1045 : memref<128x64xf32, #tpu.memory_space<vmem>>)
    %dma_wait3A_1052 = arith.constant 4 : i32
    %dma_wait3A_1053 = arith.constant 512 : i32
    %dma_wait3A_1054 = arith.constant 0 : i32
    %dma_wait3A_1055 = tpu.memref_slice %arg12[%dma_wait3A_1053, %dma_wait3A_1054] : memref<640x64xf32, #tpu.memory_space<vmem>> -> memref<128x64xf32, #tpu.memory_space<vmem>>
    %dma_wait3A_1056 = arith.constant 0 : i32
    %dma_wait3A_1057 = tpu.memref_slice %arg8[%dma_wait3A_1052, %dma_wait3A_1056] : memref<5x128xi32, #tpu.memory_space<vmem>> -> memref<1x128xi32, #tpu.memory_space<vmem>>
    %dma_wait3A_1058 = tpu.memref_squeeze %dma_wait3A_1057 : memref<1x128xi32, #tpu.memory_space<vmem>> -> memref<128xi32, #tpu.memory_space<vmem>>
    %dma_wait3A_1059 = arith.constant 0 : i32
    %dma_wait3A_1060 = arith.constant 0 : i32
    %dma_wait3A_1061 = tpu.memref_slice %arg3[%dma_wait3A_1059, %dma_wait3A_1060] : memref<16384x64xf32, #tpu.memory_space<hbm>> -> memref<16384x64xf32, #tpu.memory_space<hbm>>
    tpu.wait_indirect_dma semaphore(%arg14 : memref<!tpu.dma_semaphore, #tpu.memory_space<semaphore_mem>>) src(%dma_wait3A_1061 : memref<16384x64xf32, #tpu.memory_space<hbm>>) dst(%dma_wait3A_1055 : memref<128x64xf32, #tpu.memory_space<vmem>>)
    %dma_start3A_1062 = arith.constant 0 : i32
    %dma_start3A_1063 = tpu.memref_slice %arg4[%add3A_955, %dma_start3A_1062] : memref<204800x64xf32, #tpu.memory_space<hbm>> -> memref<640x64xf32, #tpu.memory_space<hbm>>
    %dma_start3A_1064 = arith.constant 0 : i32
    %dma_start3A_1065 = tpu.memref_slice %arg4[%add3A_955, %dma_start3A_1064] : memref<204800x64xf32, #tpu.memory_space<hbm>> -> memref<640x64xf32, #tpu.memory_space<hbm>>
    tpu.enqueue_dma source(%arg12 : memref<640x64xf32, #tpu.memory_space<vmem>>) target(%dma_start3A_1065 : memref<640x64xf32, #tpu.memory_space<hbm>>) target_semaphore(%arg15 : memref<!tpu.dma_semaphore, #tpu.memory_space<semaphore_mem>>)
    %dma_start3A_1066 = tpu.memref_slice %arg5[%add3A_955] : memref<204800xf32, #tpu.memory_space<hbm>> -> memref<640xf32, #tpu.memory_space<hbm>>
    %dma_start3A_1067 = tpu.memref_slice %arg5[%add3A_955] : memref<204800xf32, #tpu.memory_space<hbm>> -> memref<640xf32, #tpu.memory_space<hbm>>
    tpu.enqueue_dma source(%arg10 : memref<640xf32, #tpu.memory_space<vmem>>) target(%dma_start3A_1067 : memref<640xf32, #tpu.memory_space<hbm>>) target_semaphore(%arg15 : memref<!tpu.dma_semaphore, #tpu.memory_space<semaphore_mem>>)
    %dma_wait3A_1068 = arith.constant 0 : i32
    %dma_wait3A_1069 = tpu.memref_slice %arg4[%add3A_835, %dma_wait3A_1068] : memref<204800x64xf32, #tpu.memory_space<hbm>> -> memref<640x64xf32, #tpu.memory_space<hbm>>
    %dma_wait3A_1070 = arith.constant 0 : i32
    %dma_wait3A_1071 = tpu.memref_slice %arg4[%add3A_835, %dma_wait3A_1070] : memref<204800x64xf32, #tpu.memory_space<hbm>> -> memref<640x64xf32, #tpu.memory_space<hbm>>
    tpu.wait_dma2 semaphore(%arg15 : memref<!tpu.dma_semaphore, #tpu.memory_space<semaphore_mem>>) src(%arg13 : memref<640x64xf32, #tpu.memory_space<vmem>>) dst(%dma_wait3A_1071 : memref<640x64xf32, #tpu.memory_space<hbm>>)
    %dma_wait3A_1072 = tpu.memref_slice %arg5[%add3A_835] : memref<204800xf32, #tpu.memory_space<hbm>> -> memref<640xf32, #tpu.memory_space<hbm>>
    %dma_wait3A_1073 = tpu.memref_slice %arg5[%add3A_835] : memref<204800xf32, #tpu.memory_space<hbm>> -> memref<640xf32, #tpu.memory_space<hbm>>
    tpu.wait_dma2 semaphore(%arg15 : memref<!tpu.dma_semaphore, #tpu.memory_space<semaphore_mem>>) src(%arg11 : memref<640xf32, #tpu.memory_space<vmem>>) dst(%dma_wait3A_1073 : memref<640xf32, #tpu.memory_space<hbm>>)
    %add3A_1074 = arith.constant 5760 : i32
    %add3A_1075 = arith.addi %mul3A_2, %add3A_1074 : i32
    "tpu.region"() ({
      %run_scoped3A = tpu.sem_alloc : memref<!tpu.dma_semaphore, #tpu.memory_space<semaphore_mem>>
      %dma_start3A_1200 = tpu.memref_slice %arg2[%add3A_1075] : memref<204800xi32, #tpu.memory_space<hbm>> -> memref<640xi32, #tpu.memory_space<hbm>>
      %dma_start3A_1201 = tpu.memref_slice %arg2[%add3A_1075] : memref<204800xi32, #tpu.memory_space<hbm>> -> memref<640xi32, #tpu.memory_space<hbm>>
      tpu.enqueue_dma source(%dma_start3A_1201 : memref<640xi32, #tpu.memory_space<hbm>>) target(%arg7 : memref<640xi32, #tpu.memory_space<vmem>>) target_semaphore(%run_scoped3A : memref<!tpu.dma_semaphore, #tpu.memory_space<semaphore_mem>>)
      %dma_wait3A_1202 = tpu.memref_slice %arg2[%add3A_1075] : memref<204800xi32, #tpu.memory_space<hbm>> -> memref<640xi32, #tpu.memory_space<hbm>>
      %dma_wait3A_1203 = tpu.memref_slice %arg2[%add3A_1075] : memref<204800xi32, #tpu.memory_space<hbm>> -> memref<640xi32, #tpu.memory_space<hbm>>
      tpu.wait_dma2 semaphore(%run_scoped3A : memref<!tpu.dma_semaphore, #tpu.memory_space<semaphore_mem>>) src(%dma_wait3A_1203 : memref<640xi32, #tpu.memory_space<hbm>>) dst(%arg7 : memref<640xi32, #tpu.memory_space<vmem>>)
      tpu.yield
    }) : () -> ()
    %scan3A_1076 = arith.constant 0 : i32
    %scan3A_1077 = arith.constant 0 : i32
    %scan3A_1078 = arith.constant 40 : i32
    %scan3A_1079 = arith.addi %scan3A_1077, %scan3A_1078 : i32
    %scan3A_1080 = arith.constant 1 : i32
    scf.for %scan3A_1200 = %scan3A_1077 to %scan3A_1079 step %scan3A_1080  : i32 {
      %jit3A = arith.constant 8 : i32
      %div3A = arith.divsi %scan3A_1200, %jit3A : i32
      %sign3A = arith.constant 0 : i32
      %sign3A_1201 = arith.cmpi sgt, %scan3A_1200, %sign3A : i32
      %sign3A_1202 = arith.extui %sign3A_1201 : i1 to i32
      %sign3A_1203 = arith.constant 0 : i32
      %sign3A_1204 = arith.cmpi slt, %scan3A_1200, %sign3A_1203 : i32
      %sign3A_1205 = arith.extui %sign3A_1204 : i1 to i32
      %sign3A_1206 = arith.subi %sign3A_1202, %sign3A_1205 : i32
      %sign3A_1207 = arith.constant 0 : i32
      %sign3A_1208 = arith.cmpi sgt, %jit3A, %sign3A_1207 : i32
      %sign3A_1209 = arith.extui %sign3A_1208 : i1 to i32
      %sign3A_1210 = arith.constant 0 : i32
      %sign3A_1211 = arith.cmpi slt, %jit3A, %sign3A_1210 : i32
      %sign3A_1212 = arith.extui %sign3A_1211 : i1 to i32
      %sign3A_1213 = arith.subi %sign3A_1209, %sign3A_1212 : i32
      %ne3A = arith.cmpi ne, %sign3A_1206, %sign3A_1213 : i32
      %rem3A = arith.remsi %scan3A_1200, %jit3A : i32
      %ne3A_1214 = arith.constant 0 : i32
      %ne3A_1215 = arith.cmpi ne, %rem3A, %ne3A_1214 : i32
      %and3A = arith.andi %ne3A, %ne3A_1215 : i1
      %sub3A = arith.constant 1 : i32
      %sub3A_1216 = arith.subi %div3A, %sub3A : i32
      %select_n3A = arith.select %and3A, %sub3A_1216, %div3A : i32
      %jit3A_1217 = arith.constant 8 : i32
      %eq3A = arith.constant 0 : i32
      %eq3A_1218 = arith.cmpi eq, %jit3A_1217, %eq3A : i32
      %jit3A_1219 = arith.constant 1 : i32
      %select_n3A_1220 = arith.select %eq3A_1218, %jit3A_1219, %jit3A_1217 : i32
      %rem3A_1221 = arith.remsi %scan3A_1200, %select_n3A_1220 : i32
      %ne3A_1222 = arith.constant 0 : i32
      %ne3A_1223 = arith.cmpi ne, %rem3A_1221, %ne3A_1222 : i32
      %lt3A = arith.constant 0 : i32
      %lt3A_1224 = arith.cmpi slt, %rem3A_1221, %lt3A : i32
      %lt3A_1225 = arith.constant 0 : i32
      %lt3A_1226 = arith.cmpi slt, %select_n3A_1220, %lt3A_1225 : i32
      %ne3A_1227 = arith.xori %lt3A_1224, %lt3A_1226 : i1
      %and3A_1228 = arith.andi %ne3A_1227, %ne3A_1223 : i1
      %add3A_1229 = arith.addi %rem3A_1221, %select_n3A_1220 : i32
      %select_n3A_1230 = arith.select %and3A_1228, %add3A_1229, %rem3A_1221 : i32
      %mul3A_1231 = arith.constant 128 : i32
      %mul3A_1232 = arith.muli %select_n3A, %mul3A_1231 : i32
      %mul3A_1233 = arith.constant 16 : i32
      %mul3A_1234 = arith.muli %select_n3A_1230, %mul3A_1233 : i32
      %add3A_1235 = arith.addi %mul3A_1232, %mul3A_1234 : i32
      %get3A = arith.index_cast %add3A_1235 : i32 to index
      %get3A_1236 = tpu.vector_load %arg7[%get3A] {strides = array<i32>} : memref<640xi32, #tpu.memory_space<vmem>>, vector<16xi32>,
      %get3A_1237 = vector.shape_cast %get3A_1236 : vector<16xi32> to vector<16xi32>
      %and3A_1238 = arith.constant 16383 : i32
      %and3A_1239 = vector.broadcast %and3A_1238 : i32 to vector<16xi32>
      %and3A_1240 = arith.andi %get3A_1237, %and3A_1239 : vector<16xi32>
      %mul3A_1241 = arith.constant 16 : i32
      %mul3A_1242 = arith.muli %select_n3A_1230, %mul3A_1241 : i32
      %swap3A = arith.index_cast %select_n3A : i32 to index
      %swap3A_1243 = arith.index_cast %mul3A_1242 : i32 to index
      %swap3A_1244 = tpu.vector_load %arg9[%swap3A, %swap3A_1243] {strides = array<i32>} : memref<5x128xi32, #tpu.memory_space<vmem>>, vector<1x16xi32>,
      %swap3A_1245 = vector.shape_cast %swap3A_1244 : vector<1x16xi32> to vector<16xi32>
      %swap3A_1246 = vector.shape_cast %and3A_1240 : vector<16xi32> to vector<1x16xi32>
      tpu.vector_store %arg9[%swap3A, %swap3A_1243], %swap3A_1246 {strides = array<i32>} : memref<5x128xi32, #tpu.memory_space<vmem>>, vector<1x16xi32>,
      %and3A_1247 = arith.constant 49152 : i32
      %and3A_1248 = vector.broadcast %and3A_1247 : i32 to vector<16xi32>
      %and3A_1249 = arith.andi %get3A_1237, %and3A_1248 : vector<16xi32>
      %eq3A_1250 = arith.constant 0 : i32
      %eq3A_1251 = vector.broadcast %eq3A_1250 : i32 to vector<16xi32>
      %eq3A_1252 = arith.cmpi eq, %and3A_1249, %eq3A_1251 : vector<16xi32>
      %jit3A_1253 = arith.constant 1.000000e+00 : f32
      %jit3A_1254 = arith.constant 0.000000e+00 : f32
      %broadcast_in_dim3A = vector.broadcast %jit3A_1253 : f32 to vector<16xf32>
      %broadcast_in_dim3A_1255 = vector.broadcast %jit3A_1254 : f32 to vector<16xf32>
      %select_n3A_1256 = arith.select %eq3A_1252, %broadcast_in_dim3A, %broadcast_in_dim3A_1255 : vector<16xi1>, vector<16xf32>
      %mul3A_1257 = arith.constant 128 : i32
      %mul3A_1258 = arith.muli %select_n3A, %mul3A_1257 : i32
      %mul3A_1259 = arith.constant 16 : i32
      %mul3A_1260 = arith.muli %select_n3A_1230, %mul3A_1259 : i32
      %add3A_1261 = arith.addi %mul3A_1258, %mul3A_1260 : i32
      %swap3A_1262 = arith.index_cast %add3A_1261 : i32 to index
      %swap3A_1263 = tpu.vector_load %arg11[%swap3A_1262] {strides = array<i32>} : memref<640xf32, #tpu.memory_space<vmem>>, vector<16xf32>,
      %swap3A_1264 = vector.shape_cast %swap3A_1263 : vector<16xf32> to vector<16xf32>
      %swap3A_1265 = vector.shape_cast %select_n3A_1256 : vector<16xf32> to vector<16xf32>
      tpu.vector_store %arg11[%swap3A_1262], %swap3A_1265 {strides = array<i32>} : memref<640xf32, #tpu.memory_space<vmem>>, vector<16xf32>,
    }
    %scan3A_1081 = arith.constant 40 : i32
    %dma_start3A_1082 = arith.constant 0 : i32
    %dma_start3A_1083 = arith.constant 0 : i32
    %dma_start3A_1084 = arith.constant 0 : i32
    %dma_start3A_1085 = tpu.memref_slice %arg13[%dma_start3A_1083, %dma_start3A_1084] : memref<640x64xf32, #tpu.memory_space<vmem>> -> memref<128x64xf32, #tpu.memory_space<vmem>>
    %dma_start3A_1086 = arith.constant 0 : i32
    %dma_start3A_1087 = tpu.memref_slice %arg9[%dma_start3A_1082, %dma_start3A_1086] : memref<5x128xi32, #tpu.memory_space<vmem>> -> memref<1x128xi32, #tpu.memory_space<vmem>>
    %dma_start3A_1088 = tpu.memref_squeeze %dma_start3A_1087 : memref<1x128xi32, #tpu.memory_space<vmem>> -> memref<128xi32, #tpu.memory_space<vmem>>
    %dma_start3A_1089 = arith.constant 0 : i32
    %dma_start3A_1090 = arith.constant 0 : i32
    %dma_start3A_1091 = tpu.memref_slice %arg3[%dma_start3A_1089, %dma_start3A_1090] : memref<16384x64xf32, #tpu.memory_space<hbm>> -> memref<16384x64xf32, #tpu.memory_space<hbm>>
    tpu.enqueue_indirect_dma source(%dma_start3A_1091 : memref<16384x64xf32, #tpu.memory_space<hbm>>) target(%dma_start3A_1085 : memref<128x64xf32, #tpu.memory_space<vmem>>) offsets(%dma_start3A_1088 : memref<128xi32, #tpu.memory_space<vmem>>) semaphore(%arg14 : memref<!tpu.dma_semaphore, #tpu.memory_space<semaphore_mem>>)
    %dma_start3A_1092 = arith.constant 1 : i32
    %dma_start3A_1093 = arith.constant 128 : i32
    %dma_start3A_1094 = arith.constant 0 : i32
    %dma_start3A_1095 = tpu.memref_slice %arg13[%dma_start3A_1093, %dma_start3A_1094] : memref<640x64xf32, #tpu.memory_space<vmem>> -> memref<128x64xf32, #tpu.memory_space<vmem>>
    %dma_start3A_1096 = arith.constant 0 : i32
    %dma_start3A_1097 = tpu.memref_slice %arg9[%dma_start3A_1092, %dma_start3A_1096] : memref<5x128xi32, #tpu.memory_space<vmem>> -> memref<1x128xi32, #tpu.memory_space<vmem>>
    %dma_start3A_1098 = tpu.memref_squeeze %dma_start3A_1097 : memref<1x128xi32, #tpu.memory_space<vmem>> -> memref<128xi32, #tpu.memory_space<vmem>>
    %dma_start3A_1099 = arith.constant 0 : i32
    %dma_start3A_1100 = arith.constant 0 : i32
    %dma_start3A_1101 = tpu.memref_slice %arg3[%dma_start3A_1099, %dma_start3A_1100] : memref<16384x64xf32, #tpu.memory_space<hbm>> -> memref<16384x64xf32, #tpu.memory_space<hbm>>
    tpu.enqueue_indirect_dma source(%dma_start3A_1101 : memref<16384x64xf32, #tpu.memory_space<hbm>>) target(%dma_start3A_1095 : memref<128x64xf32, #tpu.memory_space<vmem>>) offsets(%dma_start3A_1098 : memref<128xi32, #tpu.memory_space<vmem>>) semaphore(%arg14 : memref<!tpu.dma_semaphore, #tpu.memory_space<semaphore_mem>>)
    %dma_start3A_1102 = arith.constant 2 : i32
    %dma_start3A_1103 = arith.constant 256 : i32
    %dma_start3A_1104 = arith.constant 0 : i32
    %dma_start3A_1105 = tpu.memref_slice %arg13[%dma_start3A_1103, %dma_start3A_1104] : memref<640x64xf32, #tpu.memory_space<vmem>> -> memref<128x64xf32, #tpu.memory_space<vmem>>
    %dma_start3A_1106 = arith.constant 0 : i32
    %dma_start3A_1107 = tpu.memref_slice %arg9[%dma_start3A_1102, %dma_start3A_1106] : memref<5x128xi32, #tpu.memory_space<vmem>> -> memref<1x128xi32, #tpu.memory_space<vmem>>
    %dma_start3A_1108 = tpu.memref_squeeze %dma_start3A_1107 : memref<1x128xi32, #tpu.memory_space<vmem>> -> memref<128xi32, #tpu.memory_space<vmem>>
    %dma_start3A_1109 = arith.constant 0 : i32
    %dma_start3A_1110 = arith.constant 0 : i32
    %dma_start3A_1111 = tpu.memref_slice %arg3[%dma_start3A_1109, %dma_start3A_1110] : memref<16384x64xf32, #tpu.memory_space<hbm>> -> memref<16384x64xf32, #tpu.memory_space<hbm>>
    tpu.enqueue_indirect_dma source(%dma_start3A_1111 : memref<16384x64xf32, #tpu.memory_space<hbm>>) target(%dma_start3A_1105 : memref<128x64xf32, #tpu.memory_space<vmem>>) offsets(%dma_start3A_1108 : memref<128xi32, #tpu.memory_space<vmem>>) semaphore(%arg14 : memref<!tpu.dma_semaphore, #tpu.memory_space<semaphore_mem>>)
    %dma_start3A_1112 = arith.constant 3 : i32
    %dma_start3A_1113 = arith.constant 384 : i32
    %dma_start3A_1114 = arith.constant 0 : i32
    %dma_start3A_1115 = tpu.memref_slice %arg13[%dma_start3A_1113, %dma_start3A_1114] : memref<640x64xf32, #tpu.memory_space<vmem>> -> memref<128x64xf32, #tpu.memory_space<vmem>>
    %dma_start3A_1116 = arith.constant 0 : i32
    %dma_start3A_1117 = tpu.memref_slice %arg9[%dma_start3A_1112, %dma_start3A_1116] : memref<5x128xi32, #tpu.memory_space<vmem>> -> memref<1x128xi32, #tpu.memory_space<vmem>>
    %dma_start3A_1118 = tpu.memref_squeeze %dma_start3A_1117 : memref<1x128xi32, #tpu.memory_space<vmem>> -> memref<128xi32, #tpu.memory_space<vmem>>
    %dma_start3A_1119 = arith.constant 0 : i32
    %dma_start3A_1120 = arith.constant 0 : i32
    %dma_start3A_1121 = tpu.memref_slice %arg3[%dma_start3A_1119, %dma_start3A_1120] : memref<16384x64xf32, #tpu.memory_space<hbm>> -> memref<16384x64xf32, #tpu.memory_space<hbm>>
    tpu.enqueue_indirect_dma source(%dma_start3A_1121 : memref<16384x64xf32, #tpu.memory_space<hbm>>) target(%dma_start3A_1115 : memref<128x64xf32, #tpu.memory_space<vmem>>) offsets(%dma_start3A_1118 : memref<128xi32, #tpu.memory_space<vmem>>) semaphore(%arg14 : memref<!tpu.dma_semaphore, #tpu.memory_space<semaphore_mem>>)
    %dma_start3A_1122 = arith.constant 4 : i32
    %dma_start3A_1123 = arith.constant 512 : i32
    %dma_start3A_1124 = arith.constant 0 : i32
    %dma_start3A_1125 = tpu.memref_slice %arg13[%dma_start3A_1123, %dma_start3A_1124] : memref<640x64xf32, #tpu.memory_space<vmem>> -> memref<128x64xf32, #tpu.memory_space<vmem>>
    %dma_start3A_1126 = arith.constant 0 : i32
    %dma_start3A_1127 = tpu.memref_slice %arg9[%dma_start3A_1122, %dma_start3A_1126] : memref<5x128xi32, #tpu.memory_space<vmem>> -> memref<1x128xi32, #tpu.memory_space<vmem>>
    %dma_start3A_1128 = tpu.memref_squeeze %dma_start3A_1127 : memref<1x128xi32, #tpu.memory_space<vmem>> -> memref<128xi32, #tpu.memory_space<vmem>>
    %dma_start3A_1129 = arith.constant 0 : i32
    %dma_start3A_1130 = arith.constant 0 : i32
    %dma_start3A_1131 = tpu.memref_slice %arg3[%dma_start3A_1129, %dma_start3A_1130] : memref<16384x64xf32, #tpu.memory_space<hbm>> -> memref<16384x64xf32, #tpu.memory_space<hbm>>
    tpu.enqueue_indirect_dma source(%dma_start3A_1131 : memref<16384x64xf32, #tpu.memory_space<hbm>>) target(%dma_start3A_1125 : memref<128x64xf32, #tpu.memory_space<vmem>>) offsets(%dma_start3A_1128 : memref<128xi32, #tpu.memory_space<vmem>>) semaphore(%arg14 : memref<!tpu.dma_semaphore, #tpu.memory_space<semaphore_mem>>)
    %dma_wait3A_1132 = arith.constant 0 : i32
    %dma_wait3A_1133 = arith.constant 0 : i32
    %dma_wait3A_1134 = arith.constant 0 : i32
    %dma_wait3A_1135 = tpu.memref_slice %arg13[%dma_wait3A_1133, %dma_wait3A_1134] : memref<640x64xf32, #tpu.memory_space<vmem>> -> memref<128x64xf32, #tpu.memory_space<vmem>>
    %dma_wait3A_1136 = arith.constant 0 : i32
    %dma_wait3A_1137 = tpu.memref_slice %arg9[%dma_wait3A_1132, %dma_wait3A_1136] : memref<5x128xi32, #tpu.memory_space<vmem>> -> memref<1x128xi32, #tpu.memory_space<vmem>>
    %dma_wait3A_1138 = tpu.memref_squeeze %dma_wait3A_1137 : memref<1x128xi32, #tpu.memory_space<vmem>> -> memref<128xi32, #tpu.memory_space<vmem>>
    %dma_wait3A_1139 = arith.constant 0 : i32
    %dma_wait3A_1140 = arith.constant 0 : i32
    %dma_wait3A_1141 = tpu.memref_slice %arg3[%dma_wait3A_1139, %dma_wait3A_1140] : memref<16384x64xf32, #tpu.memory_space<hbm>> -> memref<16384x64xf32, #tpu.memory_space<hbm>>
    tpu.wait_indirect_dma semaphore(%arg14 : memref<!tpu.dma_semaphore, #tpu.memory_space<semaphore_mem>>) src(%dma_wait3A_1141 : memref<16384x64xf32, #tpu.memory_space<hbm>>) dst(%dma_wait3A_1135 : memref<128x64xf32, #tpu.memory_space<vmem>>)
    %dma_wait3A_1142 = arith.constant 1 : i32
    %dma_wait3A_1143 = arith.constant 128 : i32
    %dma_wait3A_1144 = arith.constant 0 : i32
    %dma_wait3A_1145 = tpu.memref_slice %arg13[%dma_wait3A_1143, %dma_wait3A_1144] : memref<640x64xf32, #tpu.memory_space<vmem>> -> memref<128x64xf32, #tpu.memory_space<vmem>>
    %dma_wait3A_1146 = arith.constant 0 : i32
    %dma_wait3A_1147 = tpu.memref_slice %arg9[%dma_wait3A_1142, %dma_wait3A_1146] : memref<5x128xi32, #tpu.memory_space<vmem>> -> memref<1x128xi32, #tpu.memory_space<vmem>>
    %dma_wait3A_1148 = tpu.memref_squeeze %dma_wait3A_1147 : memref<1x128xi32, #tpu.memory_space<vmem>> -> memref<128xi32, #tpu.memory_space<vmem>>
    %dma_wait3A_1149 = arith.constant 0 : i32
    %dma_wait3A_1150 = arith.constant 0 : i32
    %dma_wait3A_1151 = tpu.memref_slice %arg3[%dma_wait3A_1149, %dma_wait3A_1150] : memref<16384x64xf32, #tpu.memory_space<hbm>> -> memref<16384x64xf32, #tpu.memory_space<hbm>>
    tpu.wait_indirect_dma semaphore(%arg14 : memref<!tpu.dma_semaphore, #tpu.memory_space<semaphore_mem>>) src(%dma_wait3A_1151 : memref<16384x64xf32, #tpu.memory_space<hbm>>) dst(%dma_wait3A_1145 : memref<128x64xf32, #tpu.memory_space<vmem>>)
    %dma_wait3A_1152 = arith.constant 2 : i32
    %dma_wait3A_1153 = arith.constant 256 : i32
    %dma_wait3A_1154 = arith.constant 0 : i32
    %dma_wait3A_1155 = tpu.memref_slice %arg13[%dma_wait3A_1153, %dma_wait3A_1154] : memref<640x64xf32, #tpu.memory_space<vmem>> -> memref<128x64xf32, #tpu.memory_space<vmem>>
    %dma_wait3A_1156 = arith.constant 0 : i32
    %dma_wait3A_1157 = tpu.memref_slice %arg9[%dma_wait3A_1152, %dma_wait3A_1156] : memref<5x128xi32, #tpu.memory_space<vmem>> -> memref<1x128xi32, #tpu.memory_space<vmem>>
    %dma_wait3A_1158 = tpu.memref_squeeze %dma_wait3A_1157 : memref<1x128xi32, #tpu.memory_space<vmem>> -> memref<128xi32, #tpu.memory_space<vmem>>
    %dma_wait3A_1159 = arith.constant 0 : i32
    %dma_wait3A_1160 = arith.constant 0 : i32
    %dma_wait3A_1161 = tpu.memref_slice %arg3[%dma_wait3A_1159, %dma_wait3A_1160] : memref<16384x64xf32, #tpu.memory_space<hbm>> -> memref<16384x64xf32, #tpu.memory_space<hbm>>
    tpu.wait_indirect_dma semaphore(%arg14 : memref<!tpu.dma_semaphore, #tpu.memory_space<semaphore_mem>>) src(%dma_wait3A_1161 : memref<16384x64xf32, #tpu.memory_space<hbm>>) dst(%dma_wait3A_1155 : memref<128x64xf32, #tpu.memory_space<vmem>>)
    %dma_wait3A_1162 = arith.constant 3 : i32
    %dma_wait3A_1163 = arith.constant 384 : i32
    %dma_wait3A_1164 = arith.constant 0 : i32
    %dma_wait3A_1165 = tpu.memref_slice %arg13[%dma_wait3A_1163, %dma_wait3A_1164] : memref<640x64xf32, #tpu.memory_space<vmem>> -> memref<128x64xf32, #tpu.memory_space<vmem>>
    %dma_wait3A_1166 = arith.constant 0 : i32
    %dma_wait3A_1167 = tpu.memref_slice %arg9[%dma_wait3A_1162, %dma_wait3A_1166] : memref<5x128xi32, #tpu.memory_space<vmem>> -> memref<1x128xi32, #tpu.memory_space<vmem>>
    %dma_wait3A_1168 = tpu.memref_squeeze %dma_wait3A_1167 : memref<1x128xi32, #tpu.memory_space<vmem>> -> memref<128xi32, #tpu.memory_space<vmem>>
    %dma_wait3A_1169 = arith.constant 0 : i32
    %dma_wait3A_1170 = arith.constant 0 : i32
    %dma_wait3A_1171 = tpu.memref_slice %arg3[%dma_wait3A_1169, %dma_wait3A_1170] : memref<16384x64xf32, #tpu.memory_space<hbm>> -> memref<16384x64xf32, #tpu.memory_space<hbm>>
    tpu.wait_indirect_dma semaphore(%arg14 : memref<!tpu.dma_semaphore, #tpu.memory_space<semaphore_mem>>) src(%dma_wait3A_1171 : memref<16384x64xf32, #tpu.memory_space<hbm>>) dst(%dma_wait3A_1165 : memref<128x64xf32, #tpu.memory_space<vmem>>)
    %dma_wait3A_1172 = arith.constant 4 : i32
    %dma_wait3A_1173 = arith.constant 512 : i32
    %dma_wait3A_1174 = arith.constant 0 : i32
    %dma_wait3A_1175 = tpu.memref_slice %arg13[%dma_wait3A_1173, %dma_wait3A_1174] : memref<640x64xf32, #tpu.memory_space<vmem>> -> memref<128x64xf32, #tpu.memory_space<vmem>>
    %dma_wait3A_1176 = arith.constant 0 : i32
    %dma_wait3A_1177 = tpu.memref_slice %arg9[%dma_wait3A_1172, %dma_wait3A_1176] : memref<5x128xi32, #tpu.memory_space<vmem>> -> memref<1x128xi32, #tpu.memory_space<vmem>>
    %dma_wait3A_1178 = tpu.memref_squeeze %dma_wait3A_1177 : memref<1x128xi32, #tpu.memory_space<vmem>> -> memref<128xi32, #tpu.memory_space<vmem>>
    %dma_wait3A_1179 = arith.constant 0 : i32
    %dma_wait3A_1180 = arith.constant 0 : i32
    %dma_wait3A_1181 = tpu.memref_slice %arg3[%dma_wait3A_1179, %dma_wait3A_1180] : memref<16384x64xf32, #tpu.memory_space<hbm>> -> memref<16384x64xf32, #tpu.memory_space<hbm>>
    tpu.wait_indirect_dma semaphore(%arg14 : memref<!tpu.dma_semaphore, #tpu.memory_space<semaphore_mem>>) src(%dma_wait3A_1181 : memref<16384x64xf32, #tpu.memory_space<hbm>>) dst(%dma_wait3A_1175 : memref<128x64xf32, #tpu.memory_space<vmem>>)
    %dma_start3A_1182 = arith.constant 0 : i32
    %dma_start3A_1183 = tpu.memref_slice %arg4[%add3A_1075, %dma_start3A_1182] : memref<204800x64xf32, #tpu.memory_space<hbm>> -> memref<640x64xf32, #tpu.memory_space<hbm>>
    %dma_start3A_1184 = arith.constant 0 : i32
    %dma_start3A_1185 = tpu.memref_slice %arg4[%add3A_1075, %dma_start3A_1184] : memref<204800x64xf32, #tpu.memory_space<hbm>> -> memref<640x64xf32, #tpu.memory_space<hbm>>
    tpu.enqueue_dma source(%arg13 : memref<640x64xf32, #tpu.memory_space<vmem>>) target(%dma_start3A_1185 : memref<640x64xf32, #tpu.memory_space<hbm>>) target_semaphore(%arg15 : memref<!tpu.dma_semaphore, #tpu.memory_space<semaphore_mem>>)
    %dma_start3A_1186 = tpu.memref_slice %arg5[%add3A_1075] : memref<204800xf32, #tpu.memory_space<hbm>> -> memref<640xf32, #tpu.memory_space<hbm>>
    %dma_start3A_1187 = tpu.memref_slice %arg5[%add3A_1075] : memref<204800xf32, #tpu.memory_space<hbm>> -> memref<640xf32, #tpu.memory_space<hbm>>
    tpu.enqueue_dma source(%arg11 : memref<640xf32, #tpu.memory_space<vmem>>) target(%dma_start3A_1187 : memref<640xf32, #tpu.memory_space<hbm>>) target_semaphore(%arg15 : memref<!tpu.dma_semaphore, #tpu.memory_space<semaphore_mem>>)
    %dma_wait3A_1188 = arith.constant 0 : i32
    %dma_wait3A_1189 = tpu.memref_slice %arg4[%add3A_955, %dma_wait3A_1188] : memref<204800x64xf32, #tpu.memory_space<hbm>> -> memref<640x64xf32, #tpu.memory_space<hbm>>
    %dma_wait3A_1190 = arith.constant 0 : i32
    %dma_wait3A_1191 = tpu.memref_slice %arg4[%add3A_955, %dma_wait3A_1190] : memref<204800x64xf32, #tpu.memory_space<hbm>> -> memref<640x64xf32, #tpu.memory_space<hbm>>
    tpu.wait_dma2 semaphore(%arg15 : memref<!tpu.dma_semaphore, #tpu.memory_space<semaphore_mem>>) src(%arg12 : memref<640x64xf32, #tpu.memory_space<vmem>>) dst(%dma_wait3A_1191 : memref<640x64xf32, #tpu.memory_space<hbm>>)
    %dma_wait3A_1192 = tpu.memref_slice %arg5[%add3A_955] : memref<204800xf32, #tpu.memory_space<hbm>> -> memref<640xf32, #tpu.memory_space<hbm>>
    %dma_wait3A_1193 = tpu.memref_slice %arg5[%add3A_955] : memref<204800xf32, #tpu.memory_space<hbm>> -> memref<640xf32, #tpu.memory_space<hbm>>
    tpu.wait_dma2 semaphore(%arg15 : memref<!tpu.dma_semaphore, #tpu.memory_space<semaphore_mem>>) src(%arg10 : memref<640xf32, #tpu.memory_space<vmem>>) dst(%dma_wait3A_1193 : memref<640xf32, #tpu.memory_space<hbm>>)
    %dma_wait3A_1194 = arith.constant 0 : i32
    %dma_wait3A_1195 = tpu.memref_slice %arg4[%add3A_1075, %dma_wait3A_1194] : memref<204800x64xf32, #tpu.memory_space<hbm>> -> memref<640x64xf32, #tpu.memory_space<hbm>>
    %dma_wait3A_1196 = arith.constant 0 : i32
    %dma_wait3A_1197 = tpu.memref_slice %arg4[%add3A_1075, %dma_wait3A_1196] : memref<204800x64xf32, #tpu.memory_space<hbm>> -> memref<640x64xf32, #tpu.memory_space<hbm>>
    tpu.wait_dma2 semaphore(%arg15 : memref<!tpu.dma_semaphore, #tpu.memory_space<semaphore_mem>>) src(%arg13 : memref<640x64xf32, #tpu.memory_space<vmem>>) dst(%dma_wait3A_1197 : memref<640x64xf32, #tpu.memory_space<hbm>>)
    %dma_wait3A_1198 = tpu.memref_slice %arg5[%add3A_1075] : memref<204800xf32, #tpu.memory_space<hbm>> -> memref<640xf32, #tpu.memory_space<hbm>>
    %dma_wait3A_1199 = tpu.memref_slice %arg5[%add3A_1075] : memref<204800xf32, #tpu.memory_space<hbm>> -> memref<640xf32, #tpu.memory_space<hbm>>
    tpu.wait_dma2 semaphore(%arg15 : memref<!tpu.dma_semaphore, #tpu.memory_space<semaphore_mem>>) src(%arg11 : memref<640xf32, #tpu.memory_space<vmem>>) dst(%dma_wait3A_1199 : memref<640xf32, #tpu.memory_space<hbm>>)
    return
  }
}

</mosaic_0001>

<sc_bundles>
// kernel: kernel.3.cloned.1.call-start
scs
__scs_entry_jumppad:
0x0: {  	(pc) =	sbr.rel $0x88, $3  }
0x1: {  	(tag) =	ssettag $0x0;
	lr =	simm.s32 $0x1  }
0x2: {  	[smem:$0x3F9F] =	sst lr;
	_ =	strace $0xD0000000  }
0x3: {  	_ = 	snop  }
0x4: {  	_ = 	snop  }
0x5: {  	_ = 	snop  }
0x6: {  	_ = 	snop  }
0x7: {  	_ = 	snop  }
__scs_overlays_trampoline_lowered:
0x8: {  	[smem:$0x3FAE] =	sst s0  }
0x9: {  	[smem:$0x3FAF] =	sst s1  }
0xa: {  	[smem:$0x3FB0] =	sst s2  }
0xb: {  	[smem:$0x3FB1] =	sst s3  }
0xc: {  	[smem:$0x3FB2] =	sst s4  }
0xd: {  	[smem:$0x3FB3] =	sst s5  }
0xe: {  	[smem:$0x3FB4] =	sst s6  }
0xf: {  	[smem:$0x3FB5] =	sst s7  }
0x10: {  	[smem:$0x3FB6] =	sst s8  }
0x11: {  	[smem:$0x3FB7] =	sst s9;
	s0 =	simm.s32 @!p0 $0x0  }
0x12: {  	s1 =	sld [smem:$0x3F9D];
	s0 =	simm.s32 @p0 $0x1  }
0x13: {  	[smem:$0x3FB8] =	sst s0;
	s0 =	simm.s32 @!p1 $0x0  }
0x14: {  	s2 =	sld [smem:$0x3F9C];
	s0 =	simm.s32 @p1 $0x1  }
0x15: {  	[smem:$0x3FB9] =	sst s0;
	s0 =	simm.s32 @!p2 $0x0  }
0x16: {  	s3 =	sld [smem:$0x3FDB];
	s0 =	simm.s32 @p2 $0x1  }
0x17: {  	s4 =	simm.s32 $0x1BF5;
	[smem:$0x3FBB] =	sst s0  }
0x18: {  	s0 =	sld [smem:$0x3F9E];
	_ =	swait.ge [sflag:s4], $0x0  }
0x19: {  	s7 =	sld [smem:$0x3F9F]  }
0x1a: {  	s8 =	sadd.s32 $0xFFFFE003, lr  }
0x1b: {  	s9 =	sadd.s32 $0xFFFFFEF7, lr;
	s5 =	simm.s32 $0xFFFFFFFF;
	p2 =	slt.u32 s8, $0xFFFFF086  }
0x1c: {  	p1 =	slt.u32 s9, $0xF7A;
	s5 =	simm.s32 @!p2 $0x0  }
0x1d: {  	s5 =	simm.s32 @p1 $0x1;
	p0 =	seq.s32 s7, s2  }
0x1e: {  	s7 =	smul.u32 @!p0 $0xF7A, s2;
	p2 =	seq.s32 @!p0 s5, $0x0  }
0x1f: {  	s9 =	smul.u32 $0xF7A, s1;
	s8 =	simm.s32 @!p0 $0x1BF5;
	p2 =	por !p2, p0  }
0x20: {  	[sflag:s8] =	ssyncset.s32 @!p0 $0xFFFFF086;
	s6 =	sadd.s32 @!p0 s3, s7;
	s7 =	simm.s32 @!p0 $0x108  }
0x21: {  	s3 =	sadd.s32 s3, s9;
	s6 =	sadd.s32 @!p0 $0x88, s6;
	s7 =	simm.s32 @p2 $0x1082  }
0x22: {  	[simem:s7], [sflag:s8] =	dma.local @!p0 [hbm:s6], $0xF7A  }
0x23: {  	s9 =	sor.u32 $0xD0000000, s2;
	s6 =	simm.s32 $0x108;
	_ =	swait.ge @!p0 [sflag:s8], $0x0  }
0x24: {  	s3 =	sadd.s32 $0x88, s3;
	s6 =	simm.s32 @!p1 $0x1082;
	[sflag:s4] =	ssyncset.s32 $0xFFFFF086  }
0x25: {  	[simem:s6], [sflag:s4] =	dma.local [hbm:s3], $0xF7A  }
0x26: {  	[smem:$0x3F9F] =	sst s1;
	(tag) =	ssettag s2;
	_ =	strace s9  }
0x27: {  	s1 =	sld [smem:$0x3FAF]  }
0x28: {  	s2 =	sld [smem:$0x3FB0]  }
0x29: {  	s4 =	sld [smem:$0x3FB2]  }
0x2a: {  	p0 =	seq.s32 s5, $0x0;
	s5 =	sld [smem:$0x3FB3]  }
0x2b: {  	s6 =	sld [smem:$0x3FB4]  }
0x2c: {  	s7 =	sld [smem:$0x3FB5]  }
0x2d: {  	s3 =	simm.s32 $0x108;
	s8 =	sld [smem:$0x3FB6]  }
0x2e: {  	s3 =	simm.s32 @!p0 $0x1082;
	s9 =	sld [smem:$0x3FB7]  }
0x2f: {  	lr =	sadd.s32 s0, s3;
	s0 =	sld [smem:$0x3FAE]  }
0x30: {  	s3 =	sld [smem:$0x3FB1]  }
0x31: {  	[smem:$0x3FBA] =	sst s10  }
0x32: {  	s10 =	sld [smem:$0x3FB8];
	_ =	sdelay $0x3  }
0x33: {  	p0 =	seq.s32 s10, $0x1;
	s10 =	sld [smem:$0x3FBA];
	_ =	sdelay $0x3  }
0x34: {  	[smem:$0x3FBA] =	sst s10  }
0x35: {  	s10 =	sld [smem:$0x3FB9];
	_ =	sdelay $0x3  }
0x36: {  	p1 =	seq.s32 s10, $0x1;
	s10 =	sld [smem:$0x3FBA];
	_ =	sdelay $0x3  }
0x37: {  	[smem:$0x3FBA] =	sst s10  }
0x38: {  	s10 =	sld [smem:$0x3FBB]  }
0x39: {  	_ = 	snop;
	(pc) =	sbr.ind lr, $3  }
0x3a: {  	_ = 	snop  }
0x3b: {  	_ = 	snop  }
0x3c: {  	p2 =	seq.s32 s10, $0x1;
	s10 =	sld [smem:$0x3FBA]  }
0x3d: {  	_ =	shalt  }
0x3e: {  	_ =	shalt  }
0x3f: {  	_ =	shalt  }
0x40: {  	_ =	shalt  }
0x41: {  	_ =	shalt  }
0x42: {  	_ =	shalt  }
0x43: {  	_ =	shalt  }
0x44: {  	_ =	shalt  }
0x45: {  	_ =	shalt  }
0x46: {  	_ =	shalt  }
0x47: {  	_ =	shalt  }
0x48: {  	_ =	shalt  }
0x49: {  	_ =	shalt  }
0x4a: {  	_ =	shalt  }
0x4b: {  	_ =	shalt  }
0x4c: {  	_ =	shalt  }
0x4d: {  	_ =	shalt  }
0x4e: {  	_ =	shalt  }
0x4f: {  	_ =	shalt  }
0x50: {  	_ =	shalt  }
0x51: {  	_ =	shalt  }
0x52: {  	_ =	shalt  }
0x53: {  	_ =	shalt  }
0x54: {  	_ =	shalt  }
0x55: {  	_ =	shalt  }
0x56: {  	_ =	shalt  }
0x57: {  	_ =	shalt  }
0x58: {  	_ =	shalt  }
0x59: {  	_ =	shalt  }
0x5a: {  	_ =	shalt  }
0x5b: {  	_ =	shalt  }
0x5c: {  	_ =	shalt  }
0x5d: {  	_ =	shalt  }
0x5e: {  	_ =	shalt  }
0x5f: {  	_ =	shalt  }
0x60: {  	_ =	shalt  }
0x61: {  	_ =	shalt  }
0x62: {  	_ =	shalt  }
0x63: {  	_ =	shalt  }
0x64: {  	_ =	shalt  }
0x65: {  	_ =	shalt  }
0x66: {  	_ =	shalt  }
0x67: {  	_ =	shalt  }
0x68: {  	_ =	shalt  }
0x69: {  	_ =	shalt  }
0x6a: {  	_ =	shalt  }
0x6b: {  	_ =	shalt  }
0x6c: {  	_ =	shalt  }
0x6d: {  	_ =	shalt  }
0x6e: {  	_ =	shalt  }
0x6f: {  	_ =	shalt  }
0x70: {  	_ =	shalt  }
0x71: {  	_ =	shalt  }
0x72: {  	_ =	shalt  }
0x73: {  	_ =	shalt  }
0x74: {  	_ =	shalt  }
0x75: {  	_ =	shalt  }
0x76: {  	_ =	shalt  }
0x77: {  	_ =	shalt  }
0x78: {  	_ =	shalt  }
0x79: {  	_ =	shalt  }
0x7a: {  	_ =	shalt  }
0x7b: {  	_ =	shalt  }
0x7c: {  	_ =	shalt  }
0x7d: {  	_ =	shalt  }
0x7e: {  	_ =	shalt  }
0x7f: {  	_ =	shalt  }
0x80: {  	_ =	shalt  }
0x81: {  	_ =	shalt  }
0x82: {  	_ =	shalt  }
0x83: {  	_ =	shalt  }
0x84: {  	_ =	shalt  }
0x85: {  	_ =	shalt  }
0x86: {  	_ =	shalt  }
0x87: {  	_ =	shalt  }
.Lfunc_end0:
.L_simem_size_0:
called_computation.1_lowered:
.L_overlay_start_0:
0x88: {  	s2 =	sld [smem:$0x3FD9]  }
0x89: {  	s3 =	sld [smem:$0x3FFE];
	_ =	sdelay $0x1  }
0x8a: {  	s1 =	srdreg.scid  }
0x8b: {  	s0 =	sand.u32 $0x1, s1  }
0x8c: {  	s17 =	sshll.u32 s0, $0xA;
	s2 =	sadd.s32 s3, s2  }
0x8d: {  	s2 =	sadd.s32 s2, s17  }
0x8e: {  	[smem:$0x3FC6] =	sst s2  }
0x8f: {  	_ = 	snop  }
0x90: {  	s2 =	sld [smem:$0x3FD0];
	(tm) =	ssettm $0x1  }
0x91: {  	s18 =	sld [smem:$0x3FFB];
	_ =	sdelay $0x3  }
0x92: {  	_ =	strace s18  }
0x93: {  	s3 =	sld [smem:$0x3FFC];
	_ =	sdelay $0x3  }
0x94: {  	_ =	strace s3  }
0x95: {  	s3 =	sld [smem:$0x3FFD];
	_ =	sdelay $0x3  }
0x96: {  	_ =	strace s3  }
0x97: {  	_ =	strace $0x8FFFFFFF  }
0x98: {  	s19 =	sld [smem:$0x3FDB];
	_ =	sdelay $0x1  }
0x99: {  	s4 =	simm.s32 $_scs_section_size  }
0x9a: {  	s5 =	simm.s32 $_size__tile_overlayer_lowered;
	s6 =	simm.s32 $_tile_overlayer_lowered  }
0x9b: {  	s22 =	simm.s32 $0x1BFF;
	s21 =	sshll.u32 s6, $0x1;
	s3 =	sadd.s32 s4, s19  }
0x9c: {  	s7 =	simm.s32 $0x0;
	s20 =	sshll.u32 s5, $0x1;
	s5 =	sadd.s32 s21, s3  }
0x9d: {  	[timem:s7], [sflag:s22] =	dma.local [hbm:s5], s20  }
0x9e: {  	_ =	swait.ge [sflag:s22], s20  }
0x9f: {  	s4 =	ssub.s32 $0x0, s20;
	[sflag:s22] =	ssyncset.done $0x0  }
0xa0: {  	[sflag:s22] =	ssyncadd.s32 s4;
	_ =	sdelay $0x1  }
0xa1: {  	s23 =	simm.s32 $0x1B8B  }
0xa2: {  	_ =	swait.ge [sflag:s23], $0x1  }
0xa3: {  	[sflag:s23] =	ssyncset.done $0x0  }
0xa4: {  	s25 =	simm.s32 $0x1B8E;
	s24 =	sld [smem:$0x3FFE];
	[sflag:s23] =	ssyncadd.s32 $0xFFFFFFFF  }
0xa5: {  	s26 =	simm.s32 $execute0_lowered;
	[smem:$0x3FD2] =	sst s25  }
0xa6: {  	s5 =	sshll.u32 s26, $0x1;
	_ =	strace $0x80000046;
	[dreg:$0x1] =	wrdreg $0xFFFFFFFF  }
0xa7: {  	s28 =	simm.s32 $_size_execute0_lowered;
	s3 =	sadd.s32 s3, s5;
	[dreg:$0x0] =	wrdreg $0x0  }
0xa8: {  	s5 =	sshll.u32 s28, $0x1;
	[dreg:$0x2] =	wrdreg s3  }
0xa9: {  	[dreg:$0x3] =	wrdreg s5  }
0xaa: {  	[dreg:$0x4] =	wrdreg $0xC0  }
0xab: {  	_ =	task [dreg:s7], $0x5FFFF  }
0xac: {  	[dreg:$0x1] =	wrdreg $0xFFFFFFFF  }
0xad: {  	[dreg:$0x0] =	wrdreg $0x60  }
0xae: {  	[dreg:$0x2] =	wrdreg s24  }
0xaf: {  	[dreg:$0x3] =	wrdreg s2  }
0xb0: {  	[dreg:$0x4] =	wrdreg $0x9  }
0xb1: {  	_ =	task.clear_ibuf [dreg:s7], $0x5FFFF;
	_ =	strace $0x90000046  }
0xb2: {  	s29 =	simm.s32 $0x9;
	_ =	strace $0x80000048  }
0xb3: {  	_ =	swait.ge [sflag:s29], $0x1  }
0xb4: {  	[sflag:s29] =	ssyncadd.s32 $0xFFFFFFFF  }
0xb5: {  	_ =	strace $0x90000048  }
0xb6: {  	_ =	sfence  }
0xb7: {  	s30 =	sld [smem:$0x0];
	_ =	sdelay $0x2  }
0xb8: {  	s31 =	sshll.u32 s1, $0xD;
	s1 =	sshrl.u32 s1, $0x2  }
0xb9: {  	s3 =	sand.u32 $0x4000, s31;
	s1 =	sadd.s32 s1, s30  }
0xba: {  	s0 =	sor.u32 s3, s0;
	s1 =	sshll.u32 s1, $0x11  }
0xbb: {  	s0 =	sor.u32 s1, s0  }
0xbc: {  	s0 =	sadd.s32 $0x8F2B, s0  }
0xbd: {  	[sflag:s0] =	ssyncadd.remote.s32 $0x1  }
0xbe: {  	_ =	sfence.sel $0xFFFF  }
0xbf: {  	[dreg:$0x0] =	wrdreg $0xFFFFFFFF;
	(pc) =	sbr.abs _section_cstart, $3  }
0xc0: {  	[dreg:$0x1] =	wrdreg $0xFFFFFFFF  }
0xc1: {  	_ =	task.clear_ibuf [dreg:s7], $0x2FFFF;
	_ =	strace $0x9FFFFFFF  }
0xc2: {  	(tm) =	ssettm $0x7FFFFFFF  }
0xc3: {  	_ =	shalt  }
tec
execute0_lowered:
.L_overlay_start_1:
0x0: {  	(tag) =	ssettag $0x1  }
0x1: {  	s0 =	srdreg.scid  }
0x2: {  	s1 =	stileid.u32;
	s2 =	rddreg [dreg:$0x0]  }
0x3: {  	s4 =	rddreg [dreg:$0x1];
	s0 =	sand.u32 $0x1, s0;
	s1 =	sshll.u32 s1, $0x1  }
0x4: {  	s6 =	simm.s32 $0x0;
	s28 =	simm.s32 $0x12F00;
	s1 =	sor.u32 s0, s1  }
0x5: {  	s30 =	simm.s32 $0xC80;
	s31 =	simm.s32 $0x2;
	s5 =	smul.u32 $0x1900, s1  }
0x6: {  	s29 =	simm.s32 $0x0;
	s0 =	ssub.s32 $0x2, s0;
	s1 =	smul.u32 $0xC800, s1  }
0x7: {  	[smem:$0x7FF] =	sst s6;
	s6 =	sadd.s32 $0xE00, s2;
	s3 =	sshrl.u32 s0, $0x1  }
0x8: {  	s3 =	ssub.s32 s0, s3;
	s24 =	sadd.s32 s4, s1;
	s25 =	sadd.s32 $0x280, s5  }
0x9: {  	s26 =	sadd.s32 $0x500, s5;
	s9 =	sadd.s32 $0x780, s5;
	s17 =	sadd.s32 $0xA00, s5  }
0xa: {  	s18 =	sadd.s32 $0xC80, s5;
	s12 =	sadd.s32 $0xF00, s5;
	s21 =	sadd.s32 $0x1180, s5  }
0xb: {  	[dreg:$0x3] =	wrdreg s24;
	s7 =	sshll.u32 s25, $0x3;
	s8 =	sshll.u32 s26, $0x3  }
0xc: {  	s16 =	sshll.u32 s9, $0x3;
	s10 =	sshll.u32 s17, $0x3;
	s11 =	sshll.u32 s18, $0x3  }
0xd: {  	s20 =	sshll.u32 s12, $0x3;
	s13 =	sshll.u32 s21, $0x3;
	s7 =	sadd.s32 s4, s7  }
0xe: {  	s0 =	sshrl.u32 s25, $0x3;
	s15 =	sadd.s32 s4, s8;
	[dreg:$0x4] =	wrdreg s7  }
0xf: {  	s26 =	sshrl.u32 s26, $0x3;
	s10 =	sadd.s32 s4, s10;
	[dreg:$0x5] =	wrdreg s15  }
0x10: {  	s19 =	sadd.s32 s4, s11;
	s11 =	sadd.s32 $0x1400, s5;
	[dreg:$0x7] =	wrdreg s10  }
0x11: {  	s13 =	sadd.s32 s4, s13;
	s25 =	sadd.s32 s6, s0;
	[dreg:$0x8] =	wrdreg s19  }
0x12: {  	s1 =	sadd.s32 s6, s26;
	s8 =	simm.s32 $0x580;
	[dreg:$0xa] =	wrdreg s13  }
0x13: {  	s7 =	sadd.s32 s4, s16;
	s10 =	sadd.s32 s4, s20;
	[dreg:$0xf] =	wrdreg s25  }
0x14: {  	s14 =	sshll.u32 s11, $0x3;
	s15 =	sadd.s32 $0x1680, s5;
	[dreg:$0x11] =	wrdreg s1  }
0x15: {  	s5 =	sshrl.u32 s5, $0x3;
	s13 =	sshrl.u32 s17, $0x3;
	[dreg:$0x6] =	wrdreg s7  }
0x16: {  	s16 =	sshrl.u32 s18, $0x3;
	[dreg:$0x9] =	wrdreg s10;
	s22 =	sadd.s32 s4, s14  }
0x17: {  	s18 =	sshrl.u32 s12, $0x3;
	s24 =	sadd.s32 s6, s5;
	[dreg:$0xb] =	wrdreg s22  }
0x18: {  	s20 =	sshrl.u32 s21, $0x3;
	s14 =	sadd.s32 s6, s13;
	[dreg:$0xd] =	wrdreg s24  }
0x19: {  	s12 =	simm.s32 $0x680;
	s17 =	sadd.s32 s6, s16;
	[dreg:$0x15] =	wrdreg s14  }
0x1a: {  	s23 =	sshll.u32 s15, $0x3;
	s19 =	sadd.s32 s6, s18;
	[dreg:$0x17] =	wrdreg s17  }
0x1b: {  	s21 =	sadd.s32 s6, s20;
	s7 =	simm.s32 $0xF00;
	[dreg:$0x19] =	wrdreg s19  }
0x1c: {  	s10 =	simm.s32 $0x600;
	s4 =	sadd.s32 s4, s23;
	[dreg:$0x1b] =	wrdreg s21  }
0x1d: {  	s22 =	sshrl.u32 s11, $0x3;
	s24 =	sshrl.u32 s15, $0x3;
	s11 =	simm.s32 $0x4F00  }
0x1e: {  	s14 =	simm.s32 $0x700;
	s15 =	simm.s32 $0x8F00;
	s17 =	simm.s32 $0xA00  }
0x1f: {  	s19 =	simm.s32 $0xAF00;
	[dreg:$0xc] =	wrdreg s4;
	s23 =	sadd.s32 s6, s22  }
0x20: {  	s4 =	sadd.s32 $0x27200, s2;
	s25 =	sadd.s32 s6, s24;
	[dreg:$0x1d] =	wrdreg s23  }
0x21: {  	s21 =	simm.s32 $0xCF00;
	s5 =	sadd.s32 s4, s5;
	[dreg:$0x1f] =	wrdreg s25  }
0x22: {  	s2 =	sadd.s32 $0x7200, s2;
	s0 =	sadd.s32 s4, s0;
	[dreg:$0xe] =	wrdreg s5  }
0x23: {  	[dreg:$0x10] =	wrdreg s0;
	s0 =	sadd.s32 s4, s26;
	s5 =	sshrl.u32 s9, $0x3  }
0x24: {  	s23 =	simm.s32 $0xEF00;
	[dreg:$0x12] =	wrdreg s0;
	s9 =	sadd.s32 s6, s5  }
0x25: {  	s25 =	simm.s32 $0x10F00;
	s0 =	sadd.s32 s4, s5;
	[dreg:$0x13] =	wrdreg s9  }
0x26: {  	s26 =	smax.u32 s3, $0x1;
	s5 =	simm.s32 $0x80;
	[dreg:$0x14] =	wrdreg s0  }
0x27: {  	s0 =	sadd.s32 s4, s13;
	s9 =	simm.s32 $0x2F00;
	s13 =	simm.s32 $0x6F00  }
0x28: {  	[dreg:$0x16] =	wrdreg s0;
	s0 =	sadd.s32 s4, s16;
	s16 =	simm.s32 $0x1  }
0x29: {  	[dreg:$0x18] =	wrdreg s0;
	s0 =	sadd.s32 s4, s18;
	s18 =	simm.s32 $0x780  }
0x2a: {  	[dreg:$0x1a] =	wrdreg s0;
	s0 =	sadd.s32 s4, s20;
	s20 =	simm.s32 $0x800  }
0x2b: {  	[dreg:$0x1c] =	wrdreg s0;
	s0 =	sadd.s32 s4, s22;
	s22 =	simm.s32 $0x880  }
0x2c: {  	[dreg:$0x1e] =	wrdreg s0;
	s0 =	sadd.s32 s4, s24;
	s4 =	simm.s32 $0x3  }
0x2d: {  	s24 =	simm.s32 $0x900;
	[smem:$0x7FC] =	sst s0;
	s0 =	simm.s32 $0x0  }
0x2e: {  	v0 =	vimm.f32 $0.0e+00;
	_ =	strace $0x80000047;
	[smem:$0x7FD] =	sst s26;
	s26 =	simm.s32 $0x980  }
.LBB2_1:
0x2f: {  	s1 =	rddreg [dreg:$0xd]  }
0x30: {  	[tilespmem:s0], [sflag:$0x3] =	stream.linear.gather [hbm4b:s1+s0], $0x280, $0x38;
	[tilespmem:$0x14F00] =	vst v63  }
0x31: {  	_ =	swait.ge [sflag:s4], $0x280  }
0x32: {  	[sflag:s4] =	ssyncset.done $0x0  }
0x33: {  	[sflag:s4] =	ssyncadd.s32 $0xFFFFFD80  }
0x34: {  	v1 =	vld [tilespmem:s0+$0x0];
	_ =	sdelay $0x4  }
0x35: {  	v2 =	vand.u32 $0xC000, v1  }
0x36: {  	s6 =	sand.u32 $0x3F0, s0;
	v1 =	vand.u32 $0x3FFF, v1;
	vm0 =	veq.s32 v2, $0x0  }
0x37: {  	s3 =	simm.s32 $0xA00;
	s1 =	simm.s32 $0x0;
	s0 =	simm.s32 $0x10;
	[tilespmem:s6+$0x500] =	vst v1;
	v1 =	vsel vm0, $0x3F800000, v0  }
.LBB2_2:
0x38: {  	p0 =	sne.s32 s0, $0x270;
	[tilespmem:s3+$0x0] =	vst v1;
	s1 =	sadd.s32 $0x10, s1;
	s3 =	sadd.s32 $0x10, s3  }
0x39: {  	s6 =	smov.u32 s0;
	s0 =	sadd.s32 $0x10, s0;
	v1 =	vld [tilespmem:s1+$0x0];
	_ =	sdelay $0x2  }
.Ltmp0:
0x3a: {  	(pc) =	sbr.rel @p0 .LBB2_2-.Ltmp0, $4  }
0x3b: {  	_ = 	snop  }
0x3c: {  	s6 =	sand.u32 $0x3F0, s6;
	v2 =	vand.u32 $0x3FFF, v1;
	v1 =	vand.u32 $0xC000, v1  }
0x3d: {  	[tilespmem:s6+$0x500] =	vst v2;
	vm0 =	veq.s32 v1, $0x0  }
0x3e: {  	v1 =	vsel vm0, $0x3F800000, v0  }
0x3f: {  	[tilespmem:s3+$0x0] =	vst v1;
	s0 =	simm.s32 $0x500  }
0x40: {  	[tilespmem:s7], [sflag:$0x1] =	stream.indirect.gather [hbm4b:s2+s5], $0x40, s0, s5, $0xb8;
	[tilespmem:$0x14F00] =	vst v63  }
0x41: {  	_ = 	snop  }
0x42: {  	[tilespmem:s9], [sflag:$0x1] =	stream.indirect.gather [hbm4b:s2+s5], $0x40, s8, s5, $0xb8;
	[tilespmem:$0x14F00] =	vst v63  }
0x43: {  	_ = 	snop  }
0x44: {  	[tilespmem:s11], [sflag:$0x1] =	stream.indirect.gather [hbm4b:s2+s5], $0x40, s10, s5, $0xb8;
	[tilespmem:$0x14F00] =	vst v63  }
0x45: {  	_ = 	snop  }
0x46: {  	[tilespmem:s13], [sflag:$0x1] =	stream.indirect.gather [hbm4b:s2+s5], $0x40, s12, s5, $0xb8;
	[tilespmem:$0x14F00] =	vst v63  }
0x47: {  	_ = 	snop  }
0x48: {  	[tilespmem:s15], [sflag:$0x1] =	stream.indirect.gather [hbm4b:s2+s5], $0x40, s14, s5, $0xb8;
	[tilespmem:$0x14F00] =	vst v63  }
0x49: {  	_ =	swait.ge [sflag:s16], $0x2000  }
0x4a: {  	[sflag:s16] =	ssyncset.done $0x0  }
0x4b: {  	[sflag:s16] =	ssyncadd.s32 $0xFFFFE000  }
0x4c: {  	_ =	swait.ge [sflag:s16], $0x2000  }
0x4d: {  	[sflag:s16] =	ssyncset.done $0x0  }
0x4e: {  	[sflag:s16] =	ssyncadd.s32 $0xFFFFE000  }
0x4f: {  	_ =	swait.ge [sflag:s16], $0x2000  }
0x50: {  	[sflag:s16] =	ssyncset.done $0x0  }
0x51: {  	[sflag:s16] =	ssyncadd.s32 $0xFFFFE000  }
0x52: {  	_ =	swait.ge [sflag:s16], $0x2000  }
0x53: {  	[sflag:s16] =	ssyncset.done $0x0  }
0x54: {  	[sflag:s16] =	ssyncadd.s32 $0xFFFFE000  }
0x55: {  	_ =	swait.ge [sflag:s16], $0x2000  }
0x56: {  	[sflag:s16] =	ssyncset.done $0x0  }
0x57: {  	s1 =	simm.s32 $0x0;
	s6 =	rddreg [dreg:$0x3];
	[sflag:s16] =	ssyncadd.s32 $0xFFFFE000  }
0x58: {  	[hbm4b:s6+s1] =	stream.linear.scatter [tilespmem:s7], [sflag:$0x2], $0xA000, $0x38;
	[tilespmem:$0x14F00] =	vst v63  }
0x59: {  	s3 =	rddreg [dreg:$0xe]  }
0x5a: {  	[hbm4b:s3+s1] =	stream.linear.scatter [tilespmem:s17], [sflag:$0x2], $0x280, $0x38;
	[tilespmem:$0x14F00] =	vst v63  }
0x5b: {  	s0 =	simm.s32 $0x280;
	s6 =	rddreg [dreg:$0xf]  }
0x5c: {  	[tilespmem:s0], [sflag:$0x3] =	stream.linear.gather [hbm4b:s6+s1], $0x280, $0x38;
	[tilespmem:$0x14F00] =	vst v63  }
0x5d: {  	_ =	swait.ge [sflag:s4], $0x280  }
0x5e: {  	[sflag:s4] =	ssyncset.done $0x0  }
0x5f: {  	[sflag:s4] =	ssyncadd.s32 $0xFFFFFD80  }
0x60: {  	v1 =	vld [tilespmem:s0+$0x0];
	_ =	sdelay $0x4  }
0x61: {  	v2 =	vand.u32 $0xC000, v1  }
0x62: {  	s6 =	sand.u32 $0x3F0, s1;
	v1 =	vand.u32 $0x3FFF, v1;
	vm0 =	veq.s32 v2, $0x0  }
0x63: {  	s3 =	simm.s32 $0xC80;
	s1 =	simm.s32 $0x10;
	[tilespmem:s6+$0x780] =	vst v1;
	v1 =	vsel vm0, $0x3F800000, v0  }
.LBB2_4:
0x64: {  	p0 =	sne.s32 s1, $0x270;
	[tilespmem:s3+$0x0] =	vst v1;
	s0 =	sadd.s32 $0x10, s0;
	s3 =	sadd.s32 $0x10, s3  }
0x65: {  	s6 =	smov.u32 s1;
	s1 =	sadd.s32 $0x10, s1;
	v1 =	vld [tilespmem:s0+$0x0];
	_ =	sdelay $0x2  }
.Ltmp1:
0x66: {  	(pc) =	sbr.rel @p0 .LBB2_4-.Ltmp1, $4  }
0x67: {  	_ = 	snop  }
0x68: {  	s6 =	sand.u32 $0x3F0, s6;
	v2 =	vand.u32 $0x3FFF, v1;
	v1 =	vand.u32 $0xC000, v1  }
0x69: {  	[tilespmem:s6+$0x780] =	vst v2;
	vm0 =	veq.s32 v1, $0x0  }
0x6a: {  	v1 =	vsel vm0, $0x3F800000, v0  }
0x6b: {  	[tilespmem:s3+$0x0] =	vst v1  }
0x6c: {  	[tilespmem:s19], [sflag:$0x1] =	stream.indirect.gather [hbm4b:s2+s5], $0x40, s18, s5, $0xb8;
	[tilespmem:$0x14F00] =	vst v63  }
0x6d: {  	_ = 	snop  }
0x6e: {  	[tilespmem:s21], [sflag:$0x1] =	stream.indirect.gather [hbm4b:s2+s5], $0x40, s20, s5, $0xb8;
	[tilespmem:$0x14F00] =	vst v63  }
0x6f: {  	_ = 	snop  }
0x70: {  	[tilespmem:s23], [sflag:$0x1] =	stream.indirect.gather [hbm4b:s2+s5], $0x40, s22, s5, $0xb8;
	[tilespmem:$0x14F00] =	vst v63  }
0x71: {  	_ = 	snop  }
0x72: {  	[tilespmem:s25], [sflag:$0x1] =	stream.indirect.gather [hbm4b:s2+s5], $0x40, s24, s5, $0xb8;
	[tilespmem:$0x14F00] =	vst v63  }
0x73: {  	_ = 	snop  }
0x74: {  	[tilespmem:s28], [sflag:$0x1] =	stream.indirect.gather [hbm4b:s2+s5], $0x40, s26, s5, $0xb8;
	[tilespmem:$0x14F00] =	vst v63  }
0x75: {  	_ =	swait.ge [sflag:s16], $0x2000  }
0x76: {  	[sflag:s16] =	ssyncset.done $0x0  }
0x77: {  	[sflag:s16] =	ssyncadd.s32 $0xFFFFE000  }
0x78: {  	_ =	swait.ge [sflag:s16], $0x2000  }
0x79: {  	[sflag:s16] =	ssyncset.done $0x0  }
0x7a: {  	[sflag:s16] =	ssyncadd.s32 $0xFFFFE000  }
0x7b: {  	_ =	swait.ge [sflag:s16], $0x2000  }
0x7c: {  	[sflag:s16] =	ssyncset.done $0x0  }
0x7d: {  	[sflag:s16] =	ssyncadd.s32 $0xFFFFE000  }
0x7e: {  	_ =	swait.ge [sflag:s16], $0x2000  }
0x7f: {  	[sflag:s16] =	ssyncset.done $0x0  }
0x80: {  	[sflag:s16] =	ssyncadd.s32 $0xFFFFE000  }
0x81: {  	_ =	swait.ge [sflag:s16], $0x2000  }
0x82: {  	[sflag:s16] =	ssyncset.done $0x0  }
0x83: {  	s0 =	simm.s32 $0x0;
	s1 =	rddreg [dreg:$0x4];
	[sflag:s16] =	ssyncadd.s32 $0xFFFFE000  }
0x84: {  	[hbm4b:s1+s0] =	stream.linear.scatter [tilespmem:s19], [sflag:$0x2], $0xA000, $0x38;
	[tilespmem:$0x14F00] =	vst v63  }
0x85: {  	s3 =	rddreg [dreg:$0x10]  }
0x86: {  	[hbm4b:s3+s0] =	stream.linear.scatter [tilespmem:s30], [sflag:$0x2], $0x280, $0x38;
	[tilespmem:$0x14F00] =	vst v63  }
0x87: {  	_ =	swait.ge [sflag:s31], $0xA000  }
0x88: {  	[sflag:s31] =	ssyncset.done $0x0  }
0x89: {  	[sflag:s31] =	ssyncadd.s32 $0xFFFF6000  }
0x8a: {  	_ =	swait.ge [sflag:s31], $0x280  }
0x8b: {  	[sflag:s31] =	ssyncset.done $0x0  }
0x8c: {  	s6 =	rddreg [dreg:$0x11];
	[sflag:s31] =	ssyncadd.s32 $0xFFFFFD80  }
0x8d: {  	[tilespmem:s0], [sflag:$0x3] =	stream.linear.gather [hbm4b:s6+s0], $0x280, $0x38;
	[tilespmem:$0x14F00] =	vst v63  }
0x8e: {  	_ =	swait.ge [sflag:s4], $0x280  }
0x8f: {  	[sflag:s4] =	ssyncset.done $0x0  }
0x90: {  	[sflag:s4] =	ssyncadd.s32 $0xFFFFFD80  }
0x91: {  	v1 =	vld [tilespmem:s0+$0x0];
	_ =	sdelay $0x4  }
0x92: {  	v2 =	vand.u32 $0xC000, v1  }
0x93: {  	s6 =	sand.u32 $0x3F0, s0;
	v1 =	vand.u32 $0x3FFF, v1;
	vm0 =	veq.s32 v2, $0x0  }
0x94: {  	s1 =	simm.s32 $0x10;
	s3 =	simm.s32 $0xA00;
	[tilespmem:s6+$0x500] =	vst v1;
	v1 =	vsel vm0, $0x3F800000, v0  }
.LBB2_6:
0x95: {  	p0 =	sne.s32 s1, $0x270;
	[tilespmem:s3+$0x0] =	vst v1;
	s0 =	sadd.s32 $0x10, s0;
	s3 =	sadd.s32 $0x10, s3  }
0x96: {  	s6 =	smov.u32 s1;
	s1 =	sadd.s32 $0x10, s1;
	v1 =	vld [tilespmem:s0+$0x0];
	_ =	sdelay $0x2  }
.Ltmp2:
0x97: {  	(pc) =	sbr.rel @p0 .LBB2_6-.Ltmp2, $4  }
0x98: {  	_ = 	snop  }
0x99: {  	s6 =	sand.u32 $0x3F0, s6;
	v2 =	vand.u32 $0x3FFF, v1;
	v1 =	vand.u32 $0xC000, v1  }
0x9a: {  	[tilespmem:s6+$0x500] =	vst v2;
	vm0 =	veq.s32 v1, $0x0  }
0x9b: {  	v1 =	vsel vm0, $0x3F800000, v0  }
0x9c: {  	[tilespmem:s3+$0x0] =	vst v1;
	s0 =	simm.s32 $0x500  }
0x9d: {  	[tilespmem:s7], [sflag:$0x1] =	stream.indirect.gather [hbm4b:s2+s5], $0x40, s0, s5, $0xb8;
	[tilespmem:$0x14F00] =	vst v63  }
0x9e: {  	_ = 	snop  }
0x9f: {  	[tilespmem:s9], [sflag:$0x1] =	stream.indirect.gather [hbm4b:s2+s5], $0x40, s8, s5, $0xb8;
	[tilespmem:$0x14F00] =	vst v63  }
0xa0: {  	_ = 	snop  }
0xa1: {  	[tilespmem:s11], [sflag:$0x1] =	stream.indirect.gather [hbm4b:s2+s5], $0x40, s10, s5, $0xb8;
	[tilespmem:$0x14F00] =	vst v63  }
0xa2: {  	_ = 	snop  }
0xa3: {  	[tilespmem:s13], [sflag:$0x1] =	stream.indirect.gather [hbm4b:s2+s5], $0x40, s12, s5, $0xb8;
	[tilespmem:$0x14F00] =	vst v63  }
0xa4: {  	_ = 	snop  }
0xa5: {  	[tilespmem:s15], [sflag:$0x1] =	stream.indirect.gather [hbm4b:s2+s5], $0x40, s14, s5, $0xb8;
	[tilespmem:$0x14F00] =	vst v63  }
0xa6: {  	_ =	swait.ge [sflag:s16], $0x2000  }
0xa7: {  	[sflag:s16] =	ssyncset.done $0x0  }
0xa8: {  	[sflag:s16] =	ssyncadd.s32 $0xFFFFE000  }
0xa9: {  	_ =	swait.ge [sflag:s16], $0x2000  }
0xaa: {  	[sflag:s16] =	ssyncset.done $0x0  }
0xab: {  	[sflag:s16] =	ssyncadd.s32 $0xFFFFE000  }
0xac: {  	_ =	swait.ge [sflag:s16], $0x2000  }
0xad: {  	[sflag:s16] =	ssyncset.done $0x0  }
0xae: {  	[sflag:s16] =	ssyncadd.s32 $0xFFFFE000  }
0xaf: {  	_ =	swait.ge [sflag:s16], $0x2000  }
0xb0: {  	[sflag:s16] =	ssyncset.done $0x0  }
0xb1: {  	[sflag:s16] =	ssyncadd.s32 $0xFFFFE000  }
0xb2: {  	_ =	swait.ge [sflag:s16], $0x2000  }
0xb3: {  	[sflag:s16] =	ssyncset.done $0x0  }
0xb4: {  	s1 =	simm.s32 $0x0;
	s6 =	rddreg [dreg:$0x5];
	[sflag:s16] =	ssyncadd.s32 $0xFFFFE000  }
0xb5: {  	[hbm4b:s6+s1] =	stream.linear.scatter [tilespmem:s7], [sflag:$0x2], $0xA000, $0x38;
	[tilespmem:$0x14F00] =	vst v63  }
0xb6: {  	s3 =	rddreg [dreg:$0x12]  }
0xb7: {  	[hbm4b:s3+s1] =	stream.linear.scatter [tilespmem:s17], [sflag:$0x2], $0x280, $0x38;
	[tilespmem:$0x14F00] =	vst v63  }
0xb8: {  	_ =	swait.ge [sflag:s31], $0xA000  }
0xb9: {  	[sflag:s31] =	ssyncset.done $0x0  }
0xba: {  	[sflag:s31] =	ssyncadd.s32 $0xFFFF6000  }
0xbb: {  	_ =	swait.ge [sflag:s31], $0x280  }
0xbc: {  	[sflag:s31] =	ssyncset.done $0x0  }
0xbd: {  	s0 =	simm.s32 $0x280;
	s6 =	rddreg [dreg:$0x13];
	[sflag:s31] =	ssyncadd.s32 $0xFFFFFD80  }
0xbe: {  	[tilespmem:s0], [sflag:$0x3] =	stream.linear.gather [hbm4b:s6+s1], $0x280, $0x38;
	[tilespmem:$0x14F00] =	vst v63  }
0xbf: {  	_ =	swait.ge [sflag:s4], $0x280  }
0xc0: {  	[sflag:s4] =	ssyncset.done $0x0  }
0xc1: {  	[sflag:s4] =	ssyncadd.s32 $0xFFFFFD80  }
0xc2: {  	v1 =	vld [tilespmem:s0+$0x0];
	_ =	sdelay $0x4  }
0xc3: {  	v2 =	vand.u32 $0xC000, v1  }
0xc4: {  	s6 =	sand.u32 $0x3F0, s1;
	v1 =	vand.u32 $0x3FFF, v1;
	vm0 =	veq.s32 v2, $0x0  }
0xc5: {  	s3 =	simm.s32 $0xC80;
	s1 =	simm.s32 $0x10;
	[tilespmem:s6+$0x780] =	vst v1;
	v1 =	vsel vm0, $0x3F800000, v0  }
.LBB2_8:
0xc6: {  	p0 =	sne.s32 s1, $0x270;
	[tilespmem:s3+$0x0] =	vst v1;
	s0 =	sadd.s32 $0x10, s0;
	s3 =	sadd.s32 $0x10, s3  }
0xc7: {  	s6 =	smov.u32 s1;
	s1 =	sadd.s32 $0x10, s1;
	v1 =	vld [tilespmem:s0+$0x0];
	_ =	sdelay $0x2  }
.Ltmp3:
0xc8: {  	(pc) =	sbr.rel @p0 .LBB2_8-.Ltmp3, $4  }
0xc9: {  	_ = 	snop  }
0xca: {  	s6 =	sand.u32 $0x3F0, s6;
	v2 =	vand.u32 $0x3FFF, v1;
	v1 =	vand.u32 $0xC000, v1  }
0xcb: {  	[tilespmem:s6+$0x780] =	vst v2;
	vm0 =	veq.s32 v1, $0x0  }
0xcc: {  	v1 =	vsel vm0, $0x3F800000, v0  }
0xcd: {  	[tilespmem:s3+$0x0] =	vst v1  }
0xce: {  	[tilespmem:s19], [sflag:$0x1] =	stream.indirect.gather [hbm4b:s2+s5], $0x40, s18, s5, $0xb8;
	[tilespmem:$0x14F00] =	vst v63  }
0xcf: {  	_ = 	snop  }
0xd0: {  	[tilespmem:s21], [sflag:$0x1] =	stream.indirect.gather [hbm4b:s2+s5], $0x40, s20, s5, $0xb8;
	[tilespmem:$0x14F00] =	vst v63  }
0xd1: {  	_ = 	snop  }
0xd2: {  	[tilespmem:s23], [sflag:$0x1] =	stream.indirect.gather [hbm4b:s2+s5], $0x40, s22, s5, $0xb8;
	[tilespmem:$0x14F00] =	vst v63  }
0xd3: {  	_ = 	snop  }
0xd4: {  	[tilespmem:s25], [sflag:$0x1] =	stream.indirect.gather [hbm4b:s2+s5], $0x40, s24, s5, $0xb8;
	[tilespmem:$0x14F00] =	vst v63  }
0xd5: {  	_ = 	snop  }
0xd6: {  	[tilespmem:s28], [sflag:$0x1] =	stream.indirect.gather [hbm4b:s2+s5], $0x40, s26, s5, $0xb8;
	[tilespmem:$0x14F00] =	vst v63  }
0xd7: {  	_ =	swait.ge [sflag:s16], $0x2000  }
0xd8: {  	[sflag:s16] =	ssyncset.done $0x0  }
0xd9: {  	[sflag:s16] =	ssyncadd.s32 $0xFFFFE000  }
0xda: {  	_ =	swait.ge [sflag:s16], $0x2000  }
0xdb: {  	[sflag:s16] =	ssyncset.done $0x0  }
0xdc: {  	[sflag:s16] =	ssyncadd.s32 $0xFFFFE000  }
0xdd: {  	_ =	swait.ge [sflag:s16], $0x2000  }
0xde: {  	[sflag:s16] =	ssyncset.done $0x0  }
0xdf: {  	[sflag:s16] =	ssyncadd.s32 $0xFFFFE000  }
0xe0: {  	_ =	swait.ge [sflag:s16], $0x2000  }
0xe1: {  	[sflag:s16] =	ssyncset.done $0x0  }
0xe2: {  	[sflag:s16] =	ssyncadd.s32 $0xFFFFE000  }
0xe3: {  	_ =	swait.ge [sflag:s16], $0x2000  }
0xe4: {  	[sflag:s16] =	ssyncset.done $0x0  }
0xe5: {  	s0 =	simm.s32 $0x0;
	s1 =	rddreg [dreg:$0x6];
	[sflag:s16] =	ssyncadd.s32 $0xFFFFE000  }
0xe6: {  	[hbm4b:s1+s0] =	stream.linear.scatter [tilespmem:s19], [sflag:$0x2], $0xA000, $0x38;
	[tilespmem:$0x14F00] =	vst v63  }
0xe7: {  	s3 =	rddreg [dreg:$0x14]  }
0xe8: {  	[hbm4b:s3+s0] =	stream.linear.scatter [tilespmem:s30], [sflag:$0x2], $0x280, $0x38;
	[tilespmem:$0x14F00] =	vst v63  }
0xe9: {  	_ =	swait.ge [sflag:s31], $0xA000  }
0xea: {  	[sflag:s31] =	ssyncset.done $0x0  }
0xeb: {  	[sflag:s31] =	ssyncadd.s32 $0xFFFF6000  }
0xec: {  	_ =	swait.ge [sflag:s31], $0x280  }
0xed: {  	[sflag:s31] =	ssyncset.done $0x0  }
0xee: {  	s6 =	rddreg [dreg:$0x15];
	[sflag:s31] =	ssyncadd.s32 $0xFFFFFD80  }
0xef: {  	[tilespmem:s0], [sflag:$0x3] =	stream.linear.gather [hbm4b:s6+s0], $0x280, $0x38;
	[tilespmem:$0x14F00] =	vst v63  }
0xf0: {  	_ =	swait.ge [sflag:s4], $0x280  }
0xf1: {  	[sflag:s4] =	ssyncset.done $0x0  }
0xf2: {  	[sflag:s4] =	ssyncadd.s32 $0xFFFFFD80  }
0xf3: {  	v1 =	vld [tilespmem:s0+$0x0];
	_ =	sdelay $0x4  }
0xf4: {  	v2 =	vand.u32 $0xC000, v1  }
0xf5: {  	s6 =	sand.u32 $0x3F0, s0;
	v1 =	vand.u32 $0x3FFF, v1;
	vm0 =	veq.s32 v2, $0x0  }
0xf6: {  	s1 =	simm.s32 $0x10;
	s3 =	simm.s32 $0xA00;
	[tilespmem:s6+$0x500] =	vst v1;
	v1 =	vsel vm0, $0x3F800000, v0  }
.LBB2_10:
0xf7: {  	p0 =	sne.s32 s1, $0x270;
	[tilespmem:s3+$0x0] =	vst v1;
	s0 =	sadd.s32 $0x10, s0;
	s3 =	sadd.s32 $0x10, s3  }
0xf8: {  	s6 =	smov.u32 s1;
	s1 =	sadd.s32 $0x10, s1;
	v1 =	vld [tilespmem:s0+$0x0];
	_ =	sdelay $0x2  }
.Ltmp4:
0xf9: {  	(pc) =	sbr.rel @p0 .LBB2_10-.Ltmp4, $4  }
0xfa: {  	_ = 	snop  }
0xfb: {  	s6 =	sand.u32 $0x3F0, s6;
	v2 =	vand.u32 $0x3FFF, v1;
	v1 =	vand.u32 $0xC000, v1  }
0xfc: {  	[tilespmem:s6+$0x500] =	vst v2;
	vm0 =	veq.s32 v1, $0x0  }
0xfd: {  	v1 =	vsel vm0, $0x3F800000, v0  }
0xfe: {  	[tilespmem:s3+$0x0] =	vst v1;
	s0 =	simm.s32 $0x500  }
0xff: {  	[tilespmem:s7], [sflag:$0x1] =	stream.indirect.gather [hbm4b:s2+s5], $0x40, s0, s5, $0xb8;
	[tilespmem:$0x14F00] =	vst v63  }
0x100: {  	_ = 	snop  }
0x101: {  	[tilespmem:s9], [sflag:$0x1] =	stream.indirect.gather [hbm4b:s2+s5], $0x40, s8, s5, $0xb8;
	[tilespmem:$0x14F00] =	vst v63  }
0x102: {  	_ = 	snop  }
0x103: {  	[tilespmem:s11], [sflag:$0x1] =	stream.indirect.gather [hbm4b:s2+s5], $0x40, s10, s5, $0xb8;
	[tilespmem:$0x14F00] =	vst v63  }
0x104: {  	_ = 	snop  }
0x105: {  	[tilespmem:s13], [sflag:$0x1] =	stream.indirect.gather [hbm4b:s2+s5], $0x40, s12, s5, $0xb8;
	[tilespmem:$0x14F00] =	vst v63  }
0x106: {  	_ = 	snop  }
0x107: {  	[tilespmem:s15], [sflag:$0x1] =	stream.indirect.gather [hbm4b:s2+s5], $0x40, s14, s5, $0xb8;
	[tilespmem:$0x14F00] =	vst v63  }
0x108: {  	_ =	swait.ge [sflag:s16], $0x2000  }
0x109: {  	[sflag:s16] =	ssyncset.done $0x0  }
0x10a: {  	[sflag:s16] =	ssyncadd.s32 $0xFFFFE000  }
0x10b: {  	_ =	swait.ge [sflag:s16], $0x2000  }
0x10c: {  	[sflag:s16] =	ssyncset.done $0x0  }
0x10d: {  	[sflag:s16] =	ssyncadd.s32 $0xFFFFE000  }
0x10e: {  	_ =	swait.ge [sflag:s16], $0x2000  }
0x10f: {  	[sflag:s16] =	ssyncset.done $0x0  }
0x110: {  	[sflag:s16] =	ssyncadd.s32 $0xFFFFE000  }
0x111: {  	_ =	swait.ge [sflag:s16], $0x2000  }
0x112: {  	[sflag:s16] =	ssyncset.done $0x0  }
0x113: {  	[sflag:s16] =	ssyncadd.s32 $0xFFFFE000  }
0x114: {  	_ =	swait.ge [sflag:s16], $0x2000  }
0x115: {  	[sflag:s16] =	ssyncset.done $0x0  }
0x116: {  	s1 =	simm.s32 $0x0;
	s6 =	rddreg [dreg:$0x7];
	[sflag:s16] =	ssyncadd.s32 $0xFFFFE000  }
0x117: {  	[hbm4b:s6+s1] =	stream.linear.scatter [tilespmem:s7], [sflag:$0x2], $0xA000, $0x38;
	[tilespmem:$0x14F00] =	vst v63  }
0x118: {  	s3 =	rddreg [dreg:$0x16]  }
0x119: {  	[hbm4b:s3+s1] =	stream.linear.scatter [tilespmem:s17], [sflag:$0x2], $0x280, $0x38;
	[tilespmem:$0x14F00] =	vst v63  }
0x11a: {  	_ =	swait.ge [sflag:s31], $0xA000  }
0x11b: {  	[sflag:s31] =	ssyncset.done $0x0  }
0x11c: {  	[sflag:s31] =	ssyncadd.s32 $0xFFFF6000  }
0x11d: {  	_ =	swait.ge [sflag:s31], $0x280  }
0x11e: {  	[sflag:s31] =	ssyncset.done $0x0  }
0x11f: {  	s0 =	simm.s32 $0x280;
	s6 =	rddreg [dreg:$0x17];
	[sflag:s31] =	ssyncadd.s32 $0xFFFFFD80  }
0x120: {  	[tilespmem:s0], [sflag:$0x3] =	stream.linear.gather [hbm4b:s6+s1], $0x280, $0x38;
	[tilespmem:$0x14F00] =	vst v63  }
0x121: {  	_ =	swait.ge [sflag:s4], $0x280  }
0x122: {  	[sflag:s4] =	ssyncset.done $0x0  }
0x123: {  	[sflag:s4] =	ssyncadd.s32 $0xFFFFFD80  }
0x124: {  	v1 =	vld [tilespmem:s0+$0x0];
	_ =	sdelay $0x4  }
0x125: {  	v2 =	vand.u32 $0xC000, v1  }
0x126: {  	s6 =	sand.u32 $0x3F0, s1;
	v1 =	vand.u32 $0x3FFF, v1;
	vm0 =	veq.s32 v2, $0x0  }
0x127: {  	s3 =	simm.s32 $0xC80;
	s1 =	simm.s32 $0x10;
	[tilespmem:s6+$0x780] =	vst v1;
	v1 =	vsel vm0, $0x3F800000, v0  }
.LBB2_12:
0x128: {  	p0 =	sne.s32 s1, $0x270;
	[tilespmem:s3+$0x0] =	vst v1;
	s0 =	sadd.s32 $0x10, s0;
	s3 =	sadd.s32 $0x10, s3  }
0x129: {  	s6 =	smov.u32 s1;
	s1 =	sadd.s32 $0x10, s1;
	v1 =	vld [tilespmem:s0+$0x0];
	_ =	sdelay $0x2  }
.Ltmp5:
0x12a: {  	(pc) =	sbr.rel @p0 .LBB2_12-.Ltmp5, $4  }
0x12b: {  	_ = 	snop  }
0x12c: {  	s6 =	sand.u32 $0x3F0, s6;
	v2 =	vand.u32 $0x3FFF, v1;
	v1 =	vand.u32 $0xC000, v1  }
0x12d: {  	[tilespmem:s6+$0x780] =	vst v2;
	vm0 =	veq.s32 v1, $0x0  }
0x12e: {  	v1 =	vsel vm0, $0x3F800000, v0  }
0x12f: {  	[tilespmem:s3+$0x0] =	vst v1  }
0x130: {  	[tilespmem:s19], [sflag:$0x1] =	stream.indirect.gather [hbm4b:s2+s5], $0x40, s18, s5, $0xb8;
	[tilespmem:$0x14F00] =	vst v63  }
0x131: {  	_ = 	snop  }
0x132: {  	[tilespmem:s21], [sflag:$0x1] =	stream.indirect.gather [hbm4b:s2+s5], $0x40, s20, s5, $0xb8;
	[tilespmem:$0x14F00] =	vst v63  }
0x133: {  	_ = 	snop  }
0x134: {  	[tilespmem:s23], [sflag:$0x1] =	stream.indirect.gather [hbm4b:s2+s5], $0x40, s22, s5, $0xb8;
	[tilespmem:$0x14F00] =	vst v63  }
0x135: {  	_ = 	snop  }
0x136: {  	[tilespmem:s25], [sflag:$0x1] =	stream.indirect.gather [hbm4b:s2+s5], $0x40, s24, s5, $0xb8;
	[tilespmem:$0x14F00] =	vst v63  }
0x137: {  	_ = 	snop  }
0x138: {  	[tilespmem:s28], [sflag:$0x1] =	stream.indirect.gather [hbm4b:s2+s5], $0x40, s26, s5, $0xb8;
	[tilespmem:$0x14F00] =	vst v63  }
0x139: {  	_ =	swait.ge [sflag:s16], $0x2000  }
0x13a: {  	[sflag:s16] =	ssyncset.done $0x0  }
0x13b: {  	[sflag:s16] =	ssyncadd.s32 $0xFFFFE000  }
0x13c: {  	_ =	swait.ge [sflag:s16], $0x2000  }
0x13d: {  	[sflag:s16] =	ssyncset.done $0x0  }
0x13e: {  	[sflag:s16] =	ssyncadd.s32 $0xFFFFE000  }
0x13f: {  	_ =	swait.ge [sflag:s16], $0x2000  }
0x140: {  	[sflag:s16] =	ssyncset.done $0x0  }
0x141: {  	[sflag:s16] =	ssyncadd.s32 $0xFFFFE000  }
0x142: {  	_ =	swait.ge [sflag:s16], $0x2000  }
0x143: {  	[sflag:s16] =	ssyncset.done $0x0  }
0x144: {  	[sflag:s16] =	ssyncadd.s32 $0xFFFFE000  }
0x145: {  	_ =	swait.ge [sflag:s16], $0x2000  }
0x146: {  	[sflag:s16] =	ssyncset.done $0x0  }
0x147: {  	s0 =	simm.s32 $0x0;
	s1 =	rddreg [dreg:$0x8];
	[sflag:s16] =	ssyncadd.s32 $0xFFFFE000  }
0x148: {  	[hbm4b:s1+s0] =	stream.linear.scatter [tilespmem:s19], [sflag:$0x2], $0xA000, $0x38;
	[tilespmem:$0x14F00] =	vst v63  }
0x149: {  	s3 =	rddreg [dreg:$0x18]  }
0x14a: {  	[hbm4b:s3+s0] =	stream.linear.scatter [tilespmem:s30], [sflag:$0x2], $0x280, $0x38;
	[tilespmem:$0x14F00] =	vst v63  }
0x14b: {  	_ =	swait.ge [sflag:s31], $0xA000  }
0x14c: {  	[sflag:s31] =	ssyncset.done $0x0  }
0x14d: {  	[sflag:s31] =	ssyncadd.s32 $0xFFFF6000  }
0x14e: {  	_ =	swait.ge [sflag:s31], $0x280  }
0x14f: {  	[sflag:s31] =	ssyncset.done $0x0  }
0x150: {  	s6 =	rddreg [dreg:$0x19];
	[sflag:s31] =	ssyncadd.s32 $0xFFFFFD80  }
0x151: {  	[tilespmem:s0], [sflag:$0x3] =	stream.linear.gather [hbm4b:s6+s0], $0x280, $0x38;
	[tilespmem:$0x14F00] =	vst v63  }
0x152: {  	_ =	swait.ge [sflag:s4], $0x280  }
0x153: {  	[sflag:s4] =	ssyncset.done $0x0  }
0x154: {  	[sflag:s4] =	ssyncadd.s32 $0xFFFFFD80  }
0x155: {  	v1 =	vld [tilespmem:s0+$0x0];
	_ =	sdelay $0x4  }
0x156: {  	v2 =	vand.u32 $0xC000, v1  }
0x157: {  	s6 =	sand.u32 $0x3F0, s0;
	v1 =	vand.u32 $0x3FFF, v1;
	vm0 =	veq.s32 v2, $0x0  }
0x158: {  	s1 =	simm.s32 $0x10;
	s3 =	simm.s32 $0xA00;
	[tilespmem:s6+$0x500] =	vst v1;
	v1 =	vsel vm0, $0x3F800000, v0  }
.LBB2_14:
0x159: {  	p0 =	sne.s32 s1, $0x270;
	[tilespmem:s3+$0x0] =	vst v1;
	s0 =	sadd.s32 $0x10, s0;
	s3 =	sadd.s32 $0x10, s3  }
0x15a: {  	s6 =	smov.u32 s1;
	s1 =	sadd.s32 $0x10, s1;
	v1 =	vld [tilespmem:s0+$0x0];
	_ =	sdelay $0x2  }
.Ltmp6:
0x15b: {  	(pc) =	sbr.rel @p0 .LBB2_14-.Ltmp6, $4  }
0x15c: {  	_ = 	snop  }
0x15d: {  	s6 =	sand.u32 $0x3F0, s6;
	v2 =	vand.u32 $0x3FFF, v1;
	v1 =	vand.u32 $0xC000, v1  }
0x15e: {  	[tilespmem:s6+$0x500] =	vst v2;
	vm0 =	veq.s32 v1, $0x0  }
0x15f: {  	v1 =	vsel vm0, $0x3F800000, v0  }
0x160: {  	[tilespmem:s3+$0x0] =	vst v1;
	s0 =	simm.s32 $0x500  }
0x161: {  	[tilespmem:s7], [sflag:$0x1] =	stream.indirect.gather [hbm4b:s2+s5], $0x40, s0, s5, $0xb8;
	[tilespmem:$0x14F00] =	vst v63  }
0x162: {  	_ = 	snop  }
0x163: {  	[tilespmem:s9], [sflag:$0x1] =	stream.indirect.gather [hbm4b:s2+s5], $0x40, s8, s5, $0xb8;
	[tilespmem:$0x14F00] =	vst v63  }
0x164: {  	_ = 	snop  }
0x165: {  	[tilespmem:s11], [sflag:$0x1] =	stream.indirect.gather [hbm4b:s2+s5], $0x40, s10, s5, $0xb8;
	[tilespmem:$0x14F00] =	vst v63  }
0x166: {  	_ = 	snop  }
0x167: {  	[tilespmem:s13], [sflag:$0x1] =	stream.indirect.gather [hbm4b:s2+s5], $0x40, s12, s5, $0xb8;
	[tilespmem:$0x14F00] =	vst v63  }
0x168: {  	_ = 	snop  }
0x169: {  	[tilespmem:s15], [sflag:$0x1] =	stream.indirect.gather [hbm4b:s2+s5], $0x40, s14, s5, $0xb8;
	[tilespmem:$0x14F00] =	vst v63  }
0x16a: {  	_ =	swait.ge [sflag:s16], $0x2000  }
0x16b: {  	[sflag:s16] =	ssyncset.done $0x0  }
0x16c: {  	[sflag:s16] =	ssyncadd.s32 $0xFFFFE000  }
0x16d: {  	_ =	swait.ge [sflag:s16], $0x2000  }
0x16e: {  	[sflag:s16] =	ssyncset.done $0x0  }
0x16f: {  	[sflag:s16] =	ssyncadd.s32 $0xFFFFE000  }
0x170: {  	_ =	swait.ge [sflag:s16], $0x2000  }
0x171: {  	[sflag:s16] =	ssyncset.done $0x0  }
0x172: {  	[sflag:s16] =	ssyncadd.s32 $0xFFFFE000  }
0x173: {  	_ =	swait.ge [sflag:s16], $0x2000  }
0x174: {  	[sflag:s16] =	ssyncset.done $0x0  }
0x175: {  	[sflag:s16] =	ssyncadd.s32 $0xFFFFE000  }
0x176: {  	_ =	swait.ge [sflag:s16], $0x2000  }
0x177: {  	[sflag:s16] =	ssyncset.done $0x0  }
0x178: {  	s1 =	simm.s32 $0x0;
	s6 =	rddreg [dreg:$0x9];
	[sflag:s16] =	ssyncadd.s32 $0xFFFFE000  }
0x179: {  	[hbm4b:s6+s1] =	stream.linear.scatter [tilespmem:s7], [sflag:$0x2], $0xA000, $0x38;
	[tilespmem:$0x14F00] =	vst v63  }
0x17a: {  	s3 =	rddreg [dreg:$0x1a]  }
0x17b: {  	[hbm4b:s3+s1] =	stream.linear.scatter [tilespmem:s17], [sflag:$0x2], $0x280, $0x38;
	[tilespmem:$0x14F00] =	vst v63  }
0x17c: {  	_ =	swait.ge [sflag:s31], $0xA000  }
0x17d: {  	[sflag:s31] =	ssyncset.done $0x0  }
0x17e: {  	[sflag:s31] =	ssyncadd.s32 $0xFFFF6000  }
0x17f: {  	_ =	swait.ge [sflag:s31], $0x280  }
0x180: {  	[sflag:s31] =	ssyncset.done $0x0  }
0x181: {  	s0 =	simm.s32 $0x280;
	s6 =	rddreg [dreg:$0x1b];
	[sflag:s31] =	ssyncadd.s32 $0xFFFFFD80  }
0x182: {  	[tilespmem:s0], [sflag:$0x3] =	stream.linear.gather [hbm4b:s6+s1], $0x280, $0x38;
	[tilespmem:$0x14F00] =	vst v63  }
0x183: {  	_ =	swait.ge [sflag:s4], $0x280  }
0x184: {  	[sflag:s4] =	ssyncset.done $0x0  }
0x185: {  	[sflag:s4] =	ssyncadd.s32 $0xFFFFFD80  }
0x186: {  	v1 =	vld [tilespmem:s0+$0x0];
	_ =	sdelay $0x4  }
0x187: {  	v2 =	vand.u32 $0xC000, v1  }
0x188: {  	s6 =	sand.u32 $0x3F0, s1;
	v1 =	vand.u32 $0x3FFF, v1;
	vm0 =	veq.s32 v2, $0x0  }
0x189: {  	s3 =	simm.s32 $0xC80;
	s1 =	simm.s32 $0x10;
	[tilespmem:s6+$0x780] =	vst v1;
	v1 =	vsel vm0, $0x3F800000, v0  }
.LBB2_16:
0x18a: {  	p0 =	sne.s32 s1, $0x270;
	[tilespmem:s3+$0x0] =	vst v1;
	s0 =	sadd.s32 $0x10, s0;
	s3 =	sadd.s32 $0x10, s3  }
0x18b: {  	s6 =	smov.u32 s1;
	s1 =	sadd.s32 $0x10, s1;
	v1 =	vld [tilespmem:s0+$0x0];
	_ =	sdelay $0x2  }
.Ltmp7:
0x18c: {  	(pc) =	sbr.rel @p0 .LBB2_16-.Ltmp7, $4  }
0x18d: {  	_ = 	snop  }
0x18e: {  	s6 =	sand.u32 $0x3F0, s6;
	v2 =	vand.u32 $0x3FFF, v1;
	v1 =	vand.u32 $0xC000, v1  }
0x18f: {  	[tilespmem:s6+$0x780] =	vst v2;
	vm0 =	veq.s32 v1, $0x0  }
0x190: {  	v1 =	vsel vm0, $0x3F800000, v0  }
0x191: {  	[tilespmem:s3+$0x0] =	vst v1  }
0x192: {  	[tilespmem:s19], [sflag:$0x1] =	stream.indirect.gather [hbm4b:s2+s5], $0x40, s18, s5, $0xb8;
	[tilespmem:$0x14F00] =	vst v63  }
0x193: {  	_ = 	snop  }
0x194: {  	[tilespmem:s21], [sflag:$0x1] =	stream.indirect.gather [hbm4b:s2+s5], $0x40, s20, s5, $0xb8;
	[tilespmem:$0x14F00] =	vst v63  }
0x195: {  	_ = 	snop  }
0x196: {  	[tilespmem:s23], [sflag:$0x1] =	stream.indirect.gather [hbm4b:s2+s5], $0x40, s22, s5, $0xb8;
	[tilespmem:$0x14F00] =	vst v63  }
0x197: {  	_ = 	snop  }
0x198: {  	[tilespmem:s25], [sflag:$0x1] =	stream.indirect.gather [hbm4b:s2+s5], $0x40, s24, s5, $0xb8;
	[tilespmem:$0x14F00] =	vst v63  }
0x199: {  	_ = 	snop  }
0x19a: {  	[tilespmem:s28], [sflag:$0x1] =	stream.indirect.gather [hbm4b:s2+s5], $0x40, s26, s5, $0xb8;
	[tilespmem:$0x14F00] =	vst v63  }
0x19b: {  	_ =	swait.ge [sflag:s16], $0x2000  }
0x19c: {  	[sflag:s16] =	ssyncset.done $0x0  }
0x19d: {  	[sflag:s16] =	ssyncadd.s32 $0xFFFFE000  }
0x19e: {  	_ =	swait.ge [sflag:s16], $0x2000  }
0x19f: {  	[sflag:s16] =	ssyncset.done $0x0  }
0x1a0: {  	[sflag:s16] =	ssyncadd.s32 $0xFFFFE000  }
0x1a1: {  	_ =	swait.ge [sflag:s16], $0x2000  }
0x1a2: {  	[sflag:s16] =	ssyncset.done $0x0  }
0x1a3: {  	[sflag:s16] =	ssyncadd.s32 $0xFFFFE000  }
0x1a4: {  	_ =	swait.ge [sflag:s16], $0x2000  }
0x1a5: {  	[sflag:s16] =	ssyncset.done $0x0  }
0x1a6: {  	[sflag:s16] =	ssyncadd.s32 $0xFFFFE000  }
0x1a7: {  	_ =	swait.ge [sflag:s16], $0x2000  }
0x1a8: {  	[sflag:s16] =	ssyncset.done $0x0  }
0x1a9: {  	s0 =	simm.s32 $0x0;
	s1 =	rddreg [dreg:$0xa];
	[sflag:s16] =	ssyncadd.s32 $0xFFFFE000  }
0x1aa: {  	[hbm4b:s1+s0] =	stream.linear.scatter [tilespmem:s19], [sflag:$0x2], $0xA000, $0x38;
	[tilespmem:$0x14F00] =	vst v63  }
0x1ab: {  	s3 =	rddreg [dreg:$0x1c]  }
0x1ac: {  	[hbm4b:s3+s0] =	stream.linear.scatter [tilespmem:s30], [sflag:$0x2], $0x280, $0x38;
	[tilespmem:$0x14F00] =	vst v63  }
0x1ad: {  	_ =	swait.ge [sflag:s31], $0xA000  }
0x1ae: {  	[sflag:s31] =	ssyncset.done $0x0  }
0x1af: {  	[sflag:s31] =	ssyncadd.s32 $0xFFFF6000  }
0x1b0: {  	_ =	swait.ge [sflag:s31], $0x280  }
0x1b1: {  	[sflag:s31] =	ssyncset.done $0x0  }
0x1b2: {  	s6 =	rddreg [dreg:$0x1d];
	[sflag:s31] =	ssyncadd.s32 $0xFFFFFD80  }
0x1b3: {  	[tilespmem:s0], [sflag:$0x3] =	stream.linear.gather [hbm4b:s6+s0], $0x280, $0x38;
	[tilespmem:$0x14F00] =	vst v63  }
0x1b4: {  	_ =	swait.ge [sflag:s4], $0x280  }
0x1b5: {  	[sflag:s4] =	ssyncset.done $0x0  }
0x1b6: {  	[sflag:s4] =	ssyncadd.s32 $0xFFFFFD80  }
0x1b7: {  	v1 =	vld [tilespmem:s0+$0x0];
	_ =	sdelay $0x4  }
0x1b8: {  	v2 =	vand.u32 $0xC000, v1  }
0x1b9: {  	s6 =	sand.u32 $0x3F0, s0;
	v1 =	vand.u32 $0x3FFF, v1;
	vm0 =	veq.s32 v2, $0x0  }
0x1ba: {  	s1 =	simm.s32 $0x10;
	s3 =	simm.s32 $0xA00;
	[tilespmem:s6+$0x500] =	vst v1;
	v1 =	vsel vm0, $0x3F800000, v0  }
.LBB2_18:
0x1bb: {  	p0 =	sne.s32 s1, $0x270;
	[tilespmem:s3+$0x0] =	vst v1;
	s0 =	sadd.s32 $0x10, s0;
	s3 =	sadd.s32 $0x10, s3  }
0x1bc: {  	s6 =	smov.u32 s1;
	s1 =	sadd.s32 $0x10, s1;
	v1 =	vld [tilespmem:s0+$0x0];
	_ =	sdelay $0x2  }
.Ltmp8:
0x1bd: {  	(pc) =	sbr.rel @p0 .LBB2_18-.Ltmp8, $4  }
0x1be: {  	_ = 	snop  }
0x1bf: {  	s6 =	sand.u32 $0x3F0, s6;
	v2 =	vand.u32 $0x3FFF, v1;
	v1 =	vand.u32 $0xC000, v1  }
0x1c0: {  	[tilespmem:s6+$0x500] =	vst v2;
	vm0 =	veq.s32 v1, $0x0  }
0x1c1: {  	v1 =	vsel vm0, $0x3F800000, v0  }
0x1c2: {  	[tilespmem:s3+$0x0] =	vst v1;
	s0 =	simm.s32 $0x500  }
0x1c3: {  	[tilespmem:s7], [sflag:$0x1] =	stream.indirect.gather [hbm4b:s2+s5], $0x40, s0, s5, $0xb8;
	[tilespmem:$0x14F00] =	vst v63  }
0x1c4: {  	_ = 	snop  }
0x1c5: {  	[tilespmem:s9], [sflag:$0x1] =	stream.indirect.gather [hbm4b:s2+s5], $0x40, s8, s5, $0xb8;
	[tilespmem:$0x14F00] =	vst v63  }
0x1c6: {  	_ = 	snop  }
0x1c7: {  	[tilespmem:s11], [sflag:$0x1] =	stream.indirect.gather [hbm4b:s2+s5], $0x40, s10, s5, $0xb8;
	[tilespmem:$0x14F00] =	vst v63  }
0x1c8: {  	_ = 	snop  }
0x1c9: {  	[tilespmem:s13], [sflag:$0x1] =	stream.indirect.gather [hbm4b:s2+s5], $0x40, s12, s5, $0xb8;
	[tilespmem:$0x14F00] =	vst v63  }
0x1ca: {  	_ = 	snop  }
0x1cb: {  	[tilespmem:s15], [sflag:$0x1] =	stream.indirect.gather [hbm4b:s2+s5], $0x40, s14, s5, $0xb8;
	[tilespmem:$0x14F00] =	vst v63  }
0x1cc: {  	_ =	swait.ge [sflag:s16], $0x2000  }
0x1cd: {  	[sflag:s16] =	ssyncset.done $0x0  }
0x1ce: {  	[sflag:s16] =	ssyncadd.s32 $0xFFFFE000  }
0x1cf: {  	_ =	swait.ge [sflag:s16], $0x2000  }
0x1d0: {  	[sflag:s16] =	ssyncset.done $0x0  }
0x1d1: {  	[sflag:s16] =	ssyncadd.s32 $0xFFFFE000  }
0x1d2: {  	_ =	swait.ge [sflag:s16], $0x2000  }
0x1d3: {  	[sflag:s16] =	ssyncset.done $0x0  }
0x1d4: {  	[sflag:s16] =	ssyncadd.s32 $0xFFFFE000  }
0x1d5: {  	_ =	swait.ge [sflag:s16], $0x2000  }
0x1d6: {  	[sflag:s16] =	ssyncset.done $0x0  }
0x1d7: {  	[sflag:s16] =	ssyncadd.s32 $0xFFFFE000  }
0x1d8: {  	_ =	swait.ge [sflag:s16], $0x2000  }
0x1d9: {  	[sflag:s16] =	ssyncset.done $0x0  }
0x1da: {  	s1 =	simm.s32 $0x0;
	s6 =	rddreg [dreg:$0xb];
	[sflag:s16] =	ssyncadd.s32 $0xFFFFE000  }
0x1db: {  	[hbm4b:s6+s1] =	stream.linear.scatter [tilespmem:s7], [sflag:$0x2], $0xA000, $0x38;
	[tilespmem:$0x14F00] =	vst v63  }
0x1dc: {  	s3 =	rddreg [dreg:$0x1e]  }
0x1dd: {  	[hbm4b:s3+s1] =	stream.linear.scatter [tilespmem:s17], [sflag:$0x2], $0x280, $0x38;
	[tilespmem:$0x14F00] =	vst v63  }
0x1de: {  	_ =	swait.ge [sflag:s31], $0xA000  }
0x1df: {  	[sflag:s31] =	ssyncset.done $0x0  }
0x1e0: {  	[sflag:s31] =	ssyncadd.s32 $0xFFFF6000  }
0x1e1: {  	_ =	swait.ge [sflag:s31], $0x280  }
0x1e2: {  	[sflag:s31] =	ssyncset.done $0x0  }
0x1e3: {  	s0 =	simm.s32 $0x280;
	s6 =	rddreg [dreg:$0x1f];
	[sflag:s31] =	ssyncadd.s32 $0xFFFFFD80  }
0x1e4: {  	[tilespmem:s0], [sflag:$0x3] =	stream.linear.gather [hbm4b:s6+s1], $0x280, $0x38;
	[tilespmem:$0x14F00] =	vst v63  }
0x1e5: {  	_ =	swait.ge [sflag:s4], $0x280  }
0x1e6: {  	[sflag:s4] =	ssyncset.done $0x0  }
0x1e7: {  	[sflag:s4] =	ssyncadd.s32 $0xFFFFFD80  }
0x1e8: {  	v1 =	vld [tilespmem:s0+$0x0];
	_ =	sdelay $0x4  }
0x1e9: {  	v2 =	vand.u32 $0xC000, v1  }
0x1ea: {  	s6 =	sand.u32 $0x3F0, s1;
	v1 =	vand.u32 $0x3FFF, v1;
	vm0 =	veq.s32 v2, $0x0  }
0x1eb: {  	s3 =	simm.s32 $0xC80;
	s1 =	simm.s32 $0x10;
	[tilespmem:s6+$0x780] =	vst v1;
	v1 =	vsel vm0, $0x3F800000, v0  }
.LBB2_20:
0x1ec: {  	p0 =	sne.s32 s1, $0x270;
	[tilespmem:s3+$0x0] =	vst v1;
	s0 =	sadd.s32 $0x10, s0;
	s3 =	sadd.s32 $0x10, s3  }
0x1ed: {  	s6 =	smov.u32 s1;
	s1 =	sadd.s32 $0x10, s1;
	v1 =	vld [tilespmem:s0+$0x0];
	_ =	sdelay $0x2  }
.Ltmp9:
0x1ee: {  	(pc) =	sbr.rel @p0 .LBB2_20-.Ltmp9, $4  }
0x1ef: {  	_ = 	snop  }
0x1f0: {  	s6 =	sand.u32 $0x3F0, s6;
	v2 =	vand.u32 $0x3FFF, v1;
	v1 =	vand.u32 $0xC000, v1  }
0x1f1: {  	[tilespmem:s6+$0x780] =	vst v2;
	vm0 =	veq.s32 v1, $0x0  }
0x1f2: {  	v1 =	vsel vm0, $0x3F800000, v0  }
0x1f3: {  	[tilespmem:s3+$0x0] =	vst v1  }
0x1f4: {  	[tilespmem:s19], [sflag:$0x1] =	stream.indirect.gather [hbm4b:s2+s5], $0x40, s18, s5, $0xb8;
	[tilespmem:$0x14F00] =	vst v63  }
0x1f5: {  	_ = 	snop  }
0x1f6: {  	[tilespmem:s21], [sflag:$0x1] =	stream.indirect.gather [hbm4b:s2+s5], $0x40, s20, s5, $0xb8;
	[tilespmem:$0x14F00] =	vst v63  }
0x1f7: {  	_ = 	snop  }
0x1f8: {  	[tilespmem:s23], [sflag:$0x1] =	stream.indirect.gather [hbm4b:s2+s5], $0x40, s22, s5, $0xb8;
	[tilespmem:$0x14F00] =	vst v63  }
0x1f9: {  	_ = 	snop  }
0x1fa: {  	[tilespmem:s25], [sflag:$0x1] =	stream.indirect.gather [hbm4b:s2+s5], $0x40, s24, s5, $0xb8;
	[tilespmem:$0x14F00] =	vst v63  }
0x1fb: {  	_ = 	snop  }
0x1fc: {  	[tilespmem:s28], [sflag:$0x1] =	stream.indirect.gather [hbm4b:s2+s5], $0x40, s26, s5, $0xb8;
	[tilespmem:$0x14F00] =	vst v63  }
0x1fd: {  	_ =	swait.ge [sflag:s16], $0x2000  }
0x1fe: {  	[sflag:s16] =	ssyncset.done $0x0  }
0x1ff: {  	[sflag:s16] =	ssyncadd.s32 $0xFFFFE000  }
0x200: {  	_ =	swait.ge [sflag:s16], $0x2000  }
0x201: {  	[sflag:s16] =	ssyncset.done $0x0  }
0x202: {  	[sflag:s16] =	ssyncadd.s32 $0xFFFFE000  }
0x203: {  	_ =	swait.ge [sflag:s16], $0x2000  }
0x204: {  	[sflag:s16] =	ssyncset.done $0x0  }
0x205: {  	[sflag:s16] =	ssyncadd.s32 $0xFFFFE000  }
0x206: {  	_ =	swait.ge [sflag:s16], $0x2000  }
0x207: {  	[sflag:s16] =	ssyncset.done $0x0  }
0x208: {  	[sflag:s16] =	ssyncadd.s32 $0xFFFFE000  }
0x209: {  	_ =	swait.ge [sflag:s16], $0x2000  }
0x20a: {  	[sflag:s16] =	ssyncset.done $0x0;
	s1 =	rddreg [dreg:$0xc]  }
0x20b: {  	s0 =	simm.s32 $0x0;
	s3 =	sld [smem:$0x7FC];
	[sflag:s16] =	ssyncadd.s32 $0xFFFFE000  }
0x20c: {  	[hbm4b:s1+s0] =	stream.linear.scatter [tilespmem:s19], [sflag:$0x2], $0xA000, $0x38;
	[tilespmem:$0x14F00] =	vst v63  }
0x20d: {  	_ = 	snop  }
0x20e: {  	[hbm4b:s3+s0] =	stream.linear.scatter [tilespmem:s30], [sflag:$0x2], $0x280, $0x38;
	[tilespmem:$0x14F00] =	vst v63  }
0x20f: {  	_ =	swait.ge [sflag:s31], $0xA000  }
0x210: {  	[sflag:s31] =	ssyncset.done $0x0  }
0x211: {  	[sflag:s31] =	ssyncadd.s32 $0xFFFF6000  }
0x212: {  	_ =	swait.ge [sflag:s31], $0x280  }
0x213: {  	[sflag:s31] =	ssyncset.done $0x0  }
0x214: {  	[sflag:s31] =	ssyncadd.s32 $0xFFFFFD80  }
0x215: {  	_ =	swait.ge [sflag:s31], $0xA000  }
0x216: {  	[sflag:s31] =	ssyncset.done $0x0  }
0x217: {  	[sflag:s31] =	ssyncadd.s32 $0xFFFF6000  }
0x218: {  	_ =	swait.ge [sflag:s31], $0x280  }
0x219: {  	s6 =	sld [smem:$0x7FD];
	_ =	sdelay $0x1  }
0x21a: {  	s29 =	sadd.s32 $0x1, s29  }
0x21b: {  	p0 =	sne.s32 s29, s6  }
.Ltmp10:
0x21c: {  	_ = 	snop;
	(pc) =	sbr.rel @p0 .LBB2_1-.Ltmp10, $3  }
0x21d: {  	_ =	sdelay $0x1  }
0x21e: {  	[sflag:s31] =	ssyncset.done $0x0  }
0x21f: {  	[sflag:s31] =	ssyncadd.s32 $0xFFFFFD80  }
0x220: {  	_ =	sfence.sel $0x180000  }
0x221: {  	[bflag:$0x0] =	sbarrier.arrive $0xFFFF  }
0x222: {  	_ =	strace $0x90000047  }
0x223: {  	s0 =	stileid.u32;
	[bflag:$0x2] =	sbarrier.arrive $0xFFFF  }
0x224: {  	p0 =	sne.s32 s0, $0x0;
	s0 =	rddreg [dreg:$0x2]  }
0x225: {  	s0 =	sadd.s32 @!p0 $0x100000, s0  }
0x226: {  	[sflag:s0] =	ssyncadd.tile.s32 @!p0 $0x1;
	_ =	shalt  }
.Lfunc_end2:
_tile_overlayer_lowered:
.L_overlay_start_2:
0x227: {  	(tag) =	ssettag $0x2  }
0x228: {  	s0 =	rddreg [dreg:$0x0];
	s2 =	stileid.u32  }
0x229: {  	s1 =	rddreg [dreg:$0x1];
	p0 =	sne.s32 s2, $0x0  }
0x22a: {  	s3 =	rddreg [dreg:$0x2];
	[bflag:$0x3] =	sbarrier.arrive $0xFFFF;
	s2 =	simm.s32 @!p0 $0x1C03  }
0x22b: {  	[timem:s3], [sflag:s2] =	dma.local @!p0 [hbm:s0], s1  }
0x22c: {  	s0 =	simm.s32 @!p0 $0x3  }
0x22d: {  	_ =	swait.ge @!p0 [sflag:s0], s1  }
0x22e: {  	s1 =	ssub.s32 @!p0 $0x0, s1;
	[sflag:s0] =	ssyncset.done @!p0 $0x0  }
0x22f: {  	[sflag:s0] =	ssyncadd.s32 @!p0 s1  }
0x230: {  	[bflag:$0x3] =	sbarrier.arrive $0xFFFF  }
0x231: {  	_ =	shalt  }

// kernel: sparse-core-data-format-call.cloned.1.call-start
scs
called_computation_lowered:
.L_overlay_start_0:
0x0: {  	s1 =	sld [smem:$0x3FD9]  }
0x1: {  	s2 =	sld [smem:$0x3FFE];
	_ =	sdelay $0x1  }
0x2: {  	s3 =	srdreg.scid  }
0x3: {  	s0 =	sand.u32 $0x1, s3  }
0x4: {  	s17 =	sshll.u32 s0, $0xA;
	s1 =	sadd.s32 s2, s1  }
0x5: {  	s1 =	sadd.s32 s1, s17  }
0x6: {  	[smem:$0x3FC6] =	sst s1  }
0x7: {  	_ = 	snop  }
0x8: {  	(tm) =	ssettm $0x1  }
0x9: {  	s18 =	sld [smem:$0x3FFB];
	_ =	sdelay $0x3  }
0xa: {  	_ =	strace s18  }
0xb: {  	s1 =	sld [smem:$0x3FFC];
	_ =	sdelay $0x3  }
0xc: {  	_ =	strace s1  }
0xd: {  	s1 =	sld [smem:$0x3FFD];
	_ =	sdelay $0x3  }
0xe: {  	_ =	strace s1  }
0xf: {  	_ =	strace $0x8FFFFFFF  }
0x10: {  	s19 =	sld [smem:$0x3FDB];
	_ =	sdelay $0x1  }
0x11: {  	s20 =	simm.s32 $_scs_section_size  }
0x12: {  	s4 =	simm.s32 $_size__tile_overlayer_lowered;
	s5 =	simm.s32 $_tile_overlayer_lowered  }
0x13: {  	s23 =	simm.s32 $0x1BFF;
	s22 =	sshll.u32 s5, $0x1;
	s1 =	sadd.s32 s20, s19  }
0x14: {  	s6 =	simm.s32 $0x0;
	s21 =	sshll.u32 s4, $0x1;
	s4 =	sadd.s32 s22, s1  }
0x15: {  	[timem:s6], [sflag:s23] =	dma.local [hbm:s4], s21  }
0x16: {  	_ =	swait.ge [sflag:s23], s21  }
0x17: {  	s2 =	ssub.s32 $0x0, s21;
	[sflag:s23] =	ssyncset.done $0x0  }
0x18: {  	[sflag:s23] =	ssyncadd.s32 s2;
	_ =	sdelay $0x1  }
0x19: {  	s24 =	simm.s32 $0x1B8B  }
0x1a: {  	_ =	swait.ge [sflag:s24], $0x1  }
0x1b: {  	[sflag:s24] =	ssyncset.done $0x0  }
0x1c: {  	s26 =	simm.s32 $0x1B8E;
	s25 =	sld [smem:$0x3FFE];
	[sflag:s24] =	ssyncadd.s32 $0xFFFFFFFF  }
0x1d: {  	s27 =	simm.s32 $execute0_lowered;
	[smem:$0x3FD2] =	sst s26  }
0x1e: {  	s4 =	sshll.u32 s27, $0x1;
	_ =	strace $0x80000049;
	[dreg:$0x1] =	wrdreg $0xFFFFFFFF  }
0x1f: {  	s28 =	simm.s32 $_size_execute0_lowered;
	s1 =	sadd.s32 s1, s4;
	[dreg:$0x0] =	wrdreg $0x0  }
0x20: {  	s4 =	sshll.u32 s28, $0x1;
	[dreg:$0x2] =	wrdreg s1  }
0x21: {  	[dreg:$0x3] =	wrdreg s4  }
0x22: {  	[dreg:$0x4] =	wrdreg $0xC0  }
0x23: {  	_ =	task [dreg:s6], $0x5FFFF  }
0x24: {  	[dreg:$0x1] =	wrdreg $0xFFFFFFFF  }
0x25: {  	[dreg:$0x0] =	wrdreg $0x60  }
0x26: {  	[dreg:$0x2] =	wrdreg s25  }
0x27: {  	[dreg:$0x3] =	wrdreg $0x9  }
0x28: {  	_ =	task.clear_ibuf [dreg:s6], $0x4FFFF;
	_ =	strace $0x90000049  }
0x29: {  	s29 =	simm.s32 $0x9;
	_ =	strace $0x8000004B  }
0x2a: {  	_ =	swait.ge [sflag:s29], $0x1  }
0x2b: {  	[sflag:s29] =	ssyncadd.s32 $0xFFFFFFFF  }
0x2c: {  	_ =	strace $0x9000004B  }
0x2d: {  	_ =	sfence  }
0x2e: {  	s30 =	sld [smem:$0x0];
	_ =	sdelay $0x2  }
0x2f: {  	s31 =	sshll.u32 s3, $0xD;
	s3 =	sshrl.u32 s3, $0x2  }
0x30: {  	s2 =	sand.u32 $0x4000, s31;
	s1 =	sadd.s32 s3, s30  }
0x31: {  	s0 =	sor.u32 s2, s0;
	s1 =	sshll.u32 s1, $0x11  }
0x32: {  	s0 =	sor.u32 s1, s0  }
0x33: {  	s0 =	sadd.s32 $0x8F2B, s0  }
0x34: {  	[sflag:s0] =	ssyncadd.remote.s32 $0x1  }
0x35: {  	_ =	sfence.sel $0xFFFF  }
0x36: {  	[dreg:$0x0] =	wrdreg $0xFFFFFFFF;
	(pc) =	sbr.abs _section_cstart, $3  }
0x37: {  	[dreg:$0x1] =	wrdreg $0xFFFFFFFF  }
0x38: {  	_ =	task.clear_ibuf [dreg:s6], $0x2FFFF;
	_ =	strace $0x9FFFFFFF  }
0x39: {  	(tm) =	ssettm $0x7FFFFFFF  }
tec
execute0_lowered:
.L_overlay_start_1:
0x0: {  	(tag) =	ssettag $0x1  }
0x1: {  	s0 =	srdreg.scid  }
0x2: {  	s1 =	sshll.u32 s0, $0x4  }
0x3: {  	s0 =	stileid.u32;
	s1 =	sand.u32 $0x10, s1  }
0x4: {  	s1 =	sor.u32 s0, s1  }
0x5: {  	s6 =	rddreg [dreg:$0x0];
	s7 =	simm.s32 $0x2;
	s2 =	sshll.u32 s1, $0x7  }
0x6: {  	s12 =	simm.s32 $0x0;
	s8 =	simm.s32 $0x8000;
	s1 =	ssub.s32 $0x1000, s2  }
0x7: {  	s13 =	simm.s32 $0x0;
	s9 =	simm.s32 $0x0;
	s3 =	sand.u32 $0xF80, s1  }
0x8: {  	s11 =	simm.s32 $0x0;
	p0 =	sne.s32 s3, $0x0;
	s3 =	simm.s32 $0x1  }
.Ltmp0:
0x9: {  	s4 =	sshrl.u32 s1, $0xC;
	s3 =	simm.s32 @!p0 $0x0;
	(pc) =	sbr.rel .LBB1_1-.Ltmp0, $4  }
0xa: {  	s5 =	sadd.s32 $0x2D600, s6;
	s1 =	rddreg [dreg:$0x1];
	s4 =	sadd.s32 s3, s4  }
0xb: {  	_ =	strace $0x8000004A;
	s3 =	simm.s32 $0x1;
	s4 =	smul.u32 $0x32, s4  }
0xc: {  	s6 =	sadd.s32 $0x3AD600, s6;
	s10 =	smov.u32 s2;
	[sflag:s3] =	ssyncpa.u1 $0x0  }
0xd: {  	p0 =	por $0x0, $0x0;
	[sflag:s7] =	ssyncpa.u1 $0x0;
	s7 =	sor.u32 $0x1, s4  }
.LBB1_4:
0xe: {  	s16 =	sshll.u32 s13, $0x3;
	s17 =	sand.u32 $0x78, s13  }
0xf: {  	s30 =	sand.u32 $0x7E00, s13;
	s12 =	sshll.u32 s12, $0xF;
	s16 =	sand.u32 $0xC00, s16  }
0x10: {  	[tilespmem:s15+$0x810 ss:$0x81] =	vst.msk $0xffff, v2;
	s31 =	sand.u32 $0x7, s13;
	s16 =	sor.u32 s17, s16;
	s17 =	sadd.s32 s6, s30  }
0x11: {  	[tilespmem:s15+$0x1020 ss:$0x81] =	vst.msk $0xffff, v0;
	s13 =	sshll.u32 s31, $0x12;
	s12 =	sadd.s32 s12, s17;
	s16 =	sshrl.u32 s16, $0x3  }
0x12: {  	[tilespmem:s15+$0x0 ss:$0x81] =	vst.msk $0xffff, v1;
	s13 =	sor.u32 $0x400, s13;
	s12 =	sadd.s32 s16, s12  }
0x13: {  	[hbm4b:s12+s13] =	stream.strided.scatter [tilespmem:s14], [sflag:$0x2], $0x2000, s8, s13, $0x20;
	[tilespmem:$0x8080] =	vst v63  }
.LBB1_5:
0x14: {  	s14 =	sadd.s32 $0x1, s9  }
0x15: {  	s12 =	sadd.s32 $0x1000, s10;
	s16 =	smov.u32 s10;
	p2 =	sgt.s32 s14, $0x31  }
0x16: {  	s16 =	smov.u32 @p2 s12  }
0x17: {  	s14 =	simm.s32 @p2 $0x0;
	p2 =	sgt.s32 s16, $0xFFF  }
0x18: {  	s16 =	smov.u32 @p2 s2;
	p2 =	sne.s32 s11, s7  }
.Ltmp1:
0x19: {  	p1 =	slt.u32 s11, $0x2;
	(pc) =	sbr.rel @!p2 .LBB1_6-.Ltmp1, $4  }
0x1a: {  	s15 =	simm.s32 @!p1 $0x2  }
0x1b: {  	s13 =	smov.u32 s10;
	p0 =	por !p0, !p0;
	_ =	swait.ge @!p1 [sflag:s15], $0x2000  }
0x1c: {  	s12 =	smov.u32 s9;
	[sflag:s15] =	ssyncset.done @!p1 $0x0;
	s9 =	smov.u32 s14  }
0x1d: {  	s11 =	sadd.s32 $0x1, s11;
	[sflag:s15] =	ssyncadd.s32 @!p1 $0xFFFFE000;
	s10 =	smov.u32 s16  }
.LBB1_1:
0x1e: {  	p1 =	sge.u32 s11, s4  }
0x1f: {  	s14 =	sand.u32 @!p1 $0x1FFFFFF, s9  }
0x20: {  	s15 =	smulhi.u32 @!p1 $0x4924925, s14;
	_ =	sdelay $0x1  }
0x21: {  	s15 =	smul.u32 @!p1 $0x38, s15  }
0x22: {  	s16 =	sxor.u32 @!p1 $0xFFFFFFFF, s11;
	s17 =	smul.u32 @!p1 $0x380, s10  }
0x23: {  	s31 =	sadd.s32 $0xFFFFFFFF, s11;
	s16 =	sshll.u32 @!p1 s16, $0xD;
	s14 =	ssub.s32 @!p1 s14, s15  }
0x24: {  	s15 =	sand.u32 @!p1 $0x2000, s16;
	s16 =	sadd.s32 @!p1 s5, s17;
	s14 =	sshll.u32 @!p1 s14, $0x4  }
0x25: {  	s17 =	simm.s32 @!p1 $0x1C00;
	s14 =	sadd.s32 @!p1 s14, s16;
	s16 =	simm.s32 @!p1 $0x40  }
0x26: {  	[tilespmem:s15], [sflag:$0x1] =	stream.strided.gather @!p1 [hbm4b:s14+s16], $0x2000, s17, s16, $0x38;
	[tilespmem:$0x8080] =	vst v63  }
0x27: {  	p1 =	sge.u32 s31, s4  }
.Ltmp2:
0x28: {  	_ = 	snop;
	(pc) =	sbr.rel @p1 .LBB1_5-.Ltmp2, $1  }
0x29: {  	_ =	sdelay $0x3  }
0x2a: {  	s14 =	simm.s32 $0x1  }
0x2b: {  	_ =	swait.ge [sflag:s3], $0x2000;
	s14 =	simm.s32 @!p0 $0x0  }
0x2c: {  	[sflag:s3] =	ssyncset.done $0x0;
	s15 =	sshll.u32 s14, $0xD  }
0x2d: {  	[sflag:s3] =	ssyncadd.s32 $0xFFFFE000;
	s18 =	sor.u32 $0x20, s15  }
0x2e: {  	s14 =	smul.u32 $0x8100, s14;
	v3 =	vld [tilespmem:s18+$0x10]  }
0x2f: {  	s30 =	sand.u32 $0x1, s11;
	v2 =	vld [tilespmem:s18+$0xFFFFFFF0]  }
0x30: {  	s15 =	smul.u32 $0x8100, s30;
	s14 =	sshrl.u32 s14, $0x2;
	v0 =	vld [tilespmem:s18+$0x0]  }
0x31: {  	v1 =	vld [tilespmem:s18+$0xFFFFFFE0];
	s16 =	sor.u32 $0x4000, s14  }
0x32: {  	s31 =	sshrl.u32 s15, $0x2;
	s15 =	sadd.s32 $0x0, s16  }
0x33: {  	s17 =	simm.s32 $0x4;
	s18 =	sadd.s32 $0x40, s18;
	s14 =	sor.u32 $0x4000, s31;
	[tilespmem:s15+$0x1830 ss:$0x81] =	vst.msk $0xffff, v3  }
.LBB1_3:
0x34: {  	v3 =	vld [tilespmem:s18+$0x10];
	p1 =	sne.s32 s17, $0x1FC;
	[tilespmem:s15+$0x810 ss:$0x81] =	vst.msk $0xffff, v2;
	s19 =	smov.u32 s17;
	s17 =	sadd.s32 $0x4, s17  }
.Ltmp3:
0x35: {  	v2 =	vld [tilespmem:s18+$0xFFFFFFF0];
	[tilespmem:s15+$0x1020 ss:$0x81] =	vst.msk $0xffff, v0;
	(pc) =	sbr.rel @p1 .LBB1_3-.Ltmp3, $4  }
0x36: {  	v0 =	vld [tilespmem:s18+$0x0];
	[tilespmem:s15+$0x0 ss:$0x81] =	vst.msk $0xffff, v1  }
0x37: {  	s15 =	sshra.s32 s19, $0x2;
	v1 =	vld [tilespmem:s18+$0xFFFFFFE0]  }
0x38: {  	s15 =	sadd.s32 s15, s16  }
0x39: {  	s18 =	sadd.s32 $0x40, s18;
	[tilespmem:s15+$0x1830 ss:$0x81] =	vst.msk $0xffff, v3  }
.Ltmp4:
0x3a: {  	_ = 	snop;
	(pc) =	sbr.rel .LBB1_4-.Ltmp4, $1  }
0x3b: {  	_ =	sdelay $0x3  }
.LBB1_6:
0x3c: {  	_ =	sfence.sel $0x180000  }
0x3d: {  	s2 =	simm.s32 $0x1;
	[bflag:$0x0] =	sbarrier.arrive $0xFFFF  }
0x3e: {  	s31 =	simm.s32 $0x2;
	[sflag:s2] =	ssyncpa.u1 $0x1  }
0x3f: {  	[sflag:s31] =	ssyncpa.u1 $0x1  }
0x40: {  	p0 =	sne.s32 s0, $0x0;
	_ =	strace $0x9000004A  }
0x41: {  	s0 =	sadd.s32 @!p0 $0x100000, s1;
	[bflag:$0x2] =	sbarrier.arrive $0xFFFF  }
0x42: {  	[sflag:s0] =	ssyncadd.tile.s32 @!p0 $0x1;
	_ =	shalt  }
.Lfunc_end1:
_tile_overlayer_lowered:
.L_overlay_start_2:
0x43: {  	(tag) =	ssettag $0x2  }
0x44: {  	s0 =	rddreg [dreg:$0x0];
	s2 =	stileid.u32  }
0x45: {  	s1 =	rddreg [dreg:$0x1];
	p0 =	sne.s32 s2, $0x0  }
0x46: {  	s3 =	rddreg [dreg:$0x2];
	[bflag:$0x3] =	sbarrier.arrive $0xFFFF;
	s2 =	simm.s32 @!p0 $0x1C01  }
0x47: {  	[timem:s3], [sflag:s2] =	dma.local @!p0 [hbm:s0], s1  }
0x48: {  	s0 =	simm.s32 @!p0 $0x1  }
0x49: {  	_ =	swait.ge @!p0 [sflag:s0], s1  }
0x4a: {  	s1 =	ssub.s32 @!p0 $0x0, s1;
	[sflag:s0] =	ssyncset.done @!p0 $0x0  }
0x4b: {  	[sflag:s0] =	ssyncadd.s32 @!p0 s1  }
0x4c: {  	[bflag:$0x3] =	sbarrier.arrive $0xFFFF  }
0x4d: {  	_ =	shalt  }

</sc_bundles>
